<compile_context>
chip_gen: v7x
topology: tpu7x:2x2x1
jax: 0.10.2.dev20260603
libtpu: 0.0.44.dev20260713+nightly
codegen_flags: <defaults>
</compile_context>

<pallas_src>
import functools

import jax
import jax.numpy as jnp
from jax import lax
from jax.experimental import pallas as pl
from jax.experimental.pallas import tpu as pltpu
from jax.experimental.pallas import tpu_sc as plsc

N = 10000
E = 320000
NC = 2
NS = 16
CHUNK = 128
BLK = 16
ACC_ROWS = 10240
ROWS_PER_TILE = ACC_ROWS // NS


def _mesh():
    return plsc.VectorSubcoreMesh(core_axis_name="c", subcore_axis_name="s")


def _sc_hist(dsti, zeros128, ones_h, n_chunks):
    @functools.partial(
        pl.kernel,
        out_type=jax.ShapeDtypeStruct((NC * ACC_ROWS, 128), jnp.float32),
        mesh=_mesh(),
        scratch_types=[
            pltpu.VMEM_SHARED((ACC_ROWS, 128), jnp.float32),
            pltpu.VMEM((BLK, CHUNK), jnp.int32),
            pltpu.VMEM((CHUNK, 128), jnp.float32),
        ],
    )
    def k(dsti_hbm, zeros_hbm, ones_hbm, out_hbm, acc, dstv, ones):
        c = lax.axis_index("c")
        s = lax.axis_index("s")
        pltpu.sync_copy(ones_hbm, ones)
        pltpu.sync_copy(zeros_hbm, acc.at[pl.ds(s * ROWS_PER_TILE, ROWS_PER_TILE)])
        plsc.subcore_barrier()

        def blk_body(b, carry):
            pltpu.sync_copy(dsti_hbm.at[c, s, pl.ds(b * BLK, BLK)], dstv)

            def body(j, carry2):
                pltpu.sync_copy(ones, acc.at[dstv.at[j]], add=True)
                return carry2

            lax.fori_loop(0, BLK, body, 0)
            return carry

        lax.fori_loop(0, n_chunks // BLK, blk_body, 0)
        plsc.subcore_barrier()
        pltpu.sync_copy(acc.at[pl.ds(s * ROWS_PER_TILE, ROWS_PER_TILE)],
                        out_hbm.at[pl.ds(c * ACC_ROWS + s * ROWS_PER_TILE, ROWS_PER_TILE)])

    return k(dsti, zeros128, ones_h)


def _sc_agg(u, srci, dsti, zeros128, n_chunks):
    @functools.partial(
        pl.kernel,
        out_type=jax.ShapeDtypeStruct((NC * ACC_ROWS, 128), jnp.float32),
        mesh=_mesh(),
        scratch_types=[
            pltpu.VMEM_SHARED((ACC_ROWS, 128), jnp.float32),
            pltpu.VMEM((2, BLK, CHUNK), jnp.int32),
            pltpu.VMEM((2, BLK, CHUNK), jnp.int32),
            pltpu.VMEM((CHUNK, 128), jnp.float32),
            pltpu.VMEM((CHUNK, 128), jnp.float32),
            pltpu.SemaphoreType.DMA,
            pltpu.SemaphoreType.DMA,
        ],
    )
    def k(u_hbm, srci_hbm, dsti_hbm, zeros_hbm, out_hbm, acc,
          srcv, dstv, bufa, bufb, sema, semb):
        c = lax.axis_index("c")
        s = lax.axis_index("s")
        pltpu.sync_copy(zeros_hbm, acc.at[pl.ds(s * ROWS_PER_TILE, ROWS_PER_TILE)])
        plsc.subcore_barrier()

        pltpu.sync_copy(srci_hbm.at[c, s, pl.ds(0, BLK)], srcv.at[0])
        pltpu.sync_copy(dsti_hbm.at[c, s, pl.ds(0, BLK)], dstv.at[0])
        pltpu.async_copy(u_hbm.at[srcv.at[0, 0]], bufa, sema)

        nblk = n_chunks // BLK

        def blk_body(b, carry):
            par = b % 2

            @pl.when(b + 1 < nblk)
            def _():
                nxt = (b + 1) % 2
                pltpu.sync_copy(srci_hbm.at[c, s, pl.ds((b + 1) * BLK, BLK)], srcv.at[nxt])
                pltpu.sync_copy(dsti_hbm.at[c, s, pl.ds((b + 1) * BLK, BLK)], dstv.at[nxt])

            def pair_body(p, carry2):
                j = p * 2
                pltpu.make_async_copy(u_hbm.at[srcv.at[par, j]], bufa, sema).wait()
                pltpu.async_copy(u_hbm.at[srcv.at[par, j + 1]], bufb, semb)
                pltpu.sync_copy(bufa, acc.at[dstv.at[par, j]], add=True)
                pltpu.make_async_copy(u_hbm.at[srcv.at[par, j + 1]], bufb, semb).wait()

                @pl.when(jnp.logical_or(p + 1 < BLK // 2, b + 1 < nblk))
                def _():
                    nj = lax.select(p + 1 < BLK // 2, j + 2, 0)
                    np_ = lax.select(p + 1 < BLK // 2, par, (b + 1) % 2)
                    pltpu.async_copy(u_hbm.at[srcv.at[np_, nj]], bufa, sema)

                pltpu.sync_copy(bufb, acc.at[dstv.at[par, j + 1]], add=True)
                return carry2

            lax.fori_loop(0, BLK // 2, pair_body, 0)
            return carry

        lax.fori_loop(0, nblk, blk_body, 0)
        plsc.subcore_barrier()
        pltpu.sync_copy(acc.at[pl.ds(s * ROWS_PER_TILE, ROWS_PER_TILE)],
                        out_hbm.at[pl.ds(c * ACC_ROWS + s * ROWS_PER_TILE, ROWS_PER_TILE)])

    return k(u, srci, dsti, zeros128)


_BN = 1000


def _deg_inv(h0_ref, h1_ref):
    deg = h0_ref[:, 0:1] + h1_ref[:, 0:1] + 1.0
    return lax.rsqrt(deg)


def _tc_u1_body(h0_ref, h1_ref, x_ref, o_ref):
    o_ref[...] = x_ref[...] * _deg_inv(h0_ref, h1_ref)


def _tc_u1(h0, h1, x):
    nb = N // _BN
    return pl.pallas_call(
        _tc_u1_body,
        grid=(nb,),
        in_specs=[
            pl.BlockSpec((_BN, 16), lambda i: (i, 0)),
            pl.BlockSpec((_BN, 16), lambda i: (i, 0)),
            pl.BlockSpec((_BN, 128), lambda i: (i, 0)),
        ],
        out_specs=pl.BlockSpec((_BN, 128), lambda i: (i, 0)),
        out_shape=jax.ShapeDtypeStruct((N, 128), jnp.float32),
    )(h0, h1, x)


def _tc_hidden_body(p0_ref, p1_ref, x_ref, h0_ref, h1_ref, w_ref, b_ref, o_ref):
    dinv = _deg_inv(h0_ref, h1_ref)
    u1 = x_ref[...] * dinv
    t1 = (p0_ref[...] + p1_ref[...] + u1) * dinv
    h = jnp.dot(t1, w_ref[...], preferred_element_type=jnp.float32) + b_ref[...]
    h = jnp.maximum(h, 0.0)
    nrm = jnp.sqrt(jnp.sum(h * h, axis=1, keepdims=True))
    h = h / jnp.maximum(nrm, 1e-12)
    o_ref[...] = h * dinv


def _tc_hidden(p0, p1, x, h0, h1, W1, b1):
    nb = N // _BN
    return pl.pallas_call(
        _tc_hidden_body,
        grid=(nb,),
        in_specs=[
            pl.BlockSpec((_BN, 128), lambda i: (i, 0)),
            pl.BlockSpec((_BN, 128), lambda i: (i, 0)),
            pl.BlockSpec((_BN, 128), lambda i: (i, 0)),
            pl.BlockSpec((_BN, 16), lambda i: (i, 0)),
            pl.BlockSpec((_BN, 16), lambda i: (i, 0)),
            pl.BlockSpec((128, 256), lambda i: (0, 0)),
            pl.BlockSpec((1, 256), lambda i: (0, 0)),
        ],
        out_specs=pl.BlockSpec((_BN, 256), lambda i: (i, 0)),
        out_shape=jax.ShapeDtypeStruct((N, 256), jnp.float32),
    )(p0, p1, x, h0, h1, W1, b1.reshape(1, 256))


def _tc_out_body(s0_ref, s1_ref, u0_ref, u1r_ref, h0_ref, h1_ref, w_ref, b_ref, o_ref):
    dinv = _deg_inv(h0_ref, h1_ref)
    a_lo = (s0_ref[...] + u0_ref[...]) * dinv
    a_hi = (s1_ref[...] + u1r_ref[...]) * dinv
    o_ref[...] = (
        jnp.dot(a_lo, w_ref[0:128, :], preferred_element_type=jnp.float32)
        + jnp.dot(a_hi, w_ref[128:256, :], preferred_element_type=jnp.float32)
        + b_ref[...]
    )


def _tc_out(s0, s1, u0, u1r, h0, h1, Wc, bc):
    nb = N // _BN
    return pl.pallas_call(
        _tc_out_body,
        grid=(nb,),
        in_specs=[
            pl.BlockSpec((_BN, 128), lambda i: (i, 0)),
            pl.BlockSpec((_BN, 128), lambda i: (i, 0)),
            pl.BlockSpec((_BN, 128), lambda i: (i, 0)),
            pl.BlockSpec((_BN, 128), lambda i: (i, 0)),
            pl.BlockSpec((_BN, 16), lambda i: (i, 0)),
            pl.BlockSpec((_BN, 16), lambda i: (i, 0)),
            pl.BlockSpec((256, 256), lambda i: (0, 0)),
            pl.BlockSpec((1, 256), lambda i: (0, 0)),
        ],
        out_specs=pl.BlockSpec((_BN, 256), lambda i: (i, 0)),
        out_shape=jax.ShapeDtypeStruct((N, 256), jnp.float32),
    )(s0, s1, u0, u1r, h0, h1, Wc, bc)


def _pad_chunks(arr, pad_vals):
    nc, ns, per_tile = arr.shape
    grain = BLK * CHUNK
    padded = -(-per_tile // grain) * grain
    pad = padded - per_tile
    if pad:
        padb = jnp.broadcast_to(pad_vals[..., :pad], (nc, ns, pad))
        arr = jnp.concatenate([arr, padb], axis=2)
    return arr.reshape(nc, ns, padded // CHUNK, CHUNK)


def kernel(x, edge_index, W1, b1, Wmu, bmu, Wls, bls):
    src = edge_index[0].astype(jnp.int32)
    dst = edge_index[1].astype(jnp.int32)
    coff = (jnp.arange(NC, dtype=jnp.int32) * N)[:, None, None]
    maxpad = BLK * CHUNK
    spread = (jnp.arange(maxpad, dtype=jnp.int32) % 64)[None, None, :]
    dpad = (N + jnp.arange(maxpad, dtype=jnp.int32) % 16)[None, None, :]

    per1 = E // (NC * NS)
    src1 = _pad_chunks(src.reshape(NC, NS, per1), jnp.broadcast_to(spread, (NC, 1, maxpad)))
    dst1 = _pad_chunks(dst.reshape(NC, NS, per1), dpad)
    c1 = src1.shape[2]
    per2 = E // NS
    src2 = _pad_chunks(
        jnp.broadcast_to(src.reshape(1, NS, per2), (NC, NS, per2)) + coff,
        coff + spread)
    dst2 = _pad_chunks(jnp.broadcast_to(dst.reshape(1, NS, per2), (NC, NS, per2)), dpad)
    c2 = src2.shape[2]

    zeros128 = jnp.zeros((ROWS_PER_TILE, 128), jnp.float32)
    ones_h = jnp.ones((CHUNK, 128), jnp.float32)
    hist = _sc_hist(dst1, zeros128, ones_h, c1)
    h0, h1 = hist[:N, :16], hist[ACC_ROWS:ACC_ROWS + N, :16]

    u1d = _tc_u1(h0, h1, x)
    s1 = _sc_agg(u1d, src1, dst1, zeros128, c1)

    u2 = _tc_hidden(s1[:N], s1[ACC_ROWS:ACC_ROWS + N], x, h0, h1, W1, b1)
    u2f = jnp.concatenate([u2[:, :128], u2[:, 128:]], axis=0)
    s2 = _sc_agg(u2f, src2, dst2, zeros128, c2)

    Wc = jnp.concatenate([Wmu, Wls], axis=1)
    bc = jnp.concatenate([bmu, bls]).reshape(1, 256)
    out = _tc_out(s2[:N], s2[ACC_ROWS:ACC_ROWS + N], u2[:, :128], u2[:, 128:], h0, h1, Wc, bc)
    return (out[:, :128], out[:, 128:])

# --- scband reference (transcript-rebuilt; emitter-appended) ---
"""Pipeline reference for scband-variational-gcnencoder-7413113553702 (READ-ONLY COPY).

The authoritative reference and input builder live on the scoring server;
editing this copy changes nothing except your own understanding.
"""

import jax, jax.numpy as jnp
import numpy as np

N = 10000
E = 320000
D_IN = 128
D_OUT = 128
D_HID = 2 * D_OUT


def glorot(key, fan_in, fan_out):
    s = jnp.sqrt(6.0 / (fan_in + fan_out))
    return jax.random.uniform(key, (fan_in, fan_out), dtype=jnp.float32, minval=-s, maxval=s)


def setup_inputs(seed: int = 0):
    key = jax.random.key(seed)
    ks = jax.random.split(key, 6)
    x = jax.random.normal(ks[0], (N, D_IN), dtype=jnp.float32)
    edge_index = jax.random.randint(ks[1], (2, E), 0, N)
    W1 = glorot(ks[2], D_IN, D_HID)
    b1 = jnp.zeros((D_HID,), dtype=jnp.float32)
    Wmu = glorot(ks[3], D_HID, D_OUT)
    bmu = jnp.zeros((D_OUT,), dtype=jnp.float32)
    Wls = glorot(ks[4], D_HID, D_OUT)
    bls = jnp.zeros((D_OUT,), dtype=jnp.float32)
    return {"x": x, "edge_index": edge_index, "W1": W1, "b1": b1, "Wmu": Wmu, "bmu": bmu, "Wls": Wls, "bls": bls}


def gcn_conv(x, edge_index, W, b):
    n = x.shape[0]
    loop = jnp.arange(n, dtype=edge_index.dtype)
    src = jnp.concatenate([edge_index[0], loop])
    dst = jnp.concatenate([edge_index[1], loop])
    deg = jax.ops.segment_sum(jnp.ones_like(src, dtype=x.dtype), dst, num_segments=n)
    dinv = jnp.where(deg > 0, jax.lax.rsqrt(jnp.maximum(deg, 1e-12)), 0.0)
    coef = dinv[src] * dinv[dst]
    h = x @ W
    msg = h[src] * coef[:, None]
    out = jax.ops.segment_sum(msg, dst, num_segments=n)
    return out + b


def reference(x, edge_index, W1, b1, Wmu, bmu, Wls, bls):
    # conv1
    h = gcn_conv(x, edge_index, W1, b1)
    # non_linearity
    h = jax.nn.relu(h)
    # norm: F.normalize(p=2, dim=1); dropout is identity in eval mode
    h = h / jnp.maximum(jnp.linalg.norm(h, axis=1, keepdims=True), 1e-12)
    mu = gcn_conv(h, edge_index, Wmu, bmu)
    logstd = gcn_conv(h, edge_index, Wls, bls)
    return (mu, logstd)

if __name__ == "__main__":
    import jax
    _d = setup_inputs()
    print(jax.jit(kernel)(*tuple(_d.values())))

</pallas_src>

<mosaic_0001>
#map = affine_map<(d0, d1) -> (0, 0)>
#map1 = affine_map<(d0, d1) -> (0, 0, 0, 0)>
module attributes {stable_mosaic.version = 14 : i64} {
  func.func @k(%arg0: i32, %arg1: i32, %arg2: memref<20000x128xf32, #tpu.memory_space<hbm>>, %arg3: memref<2x16x160x128xi32, #tpu.memory_space<hbm>>, %arg4: memref<2x16x160x128xi32, #tpu.memory_space<hbm>>, %arg5: memref<640x128xf32, #tpu.memory_space<hbm>>, %arg6: memref<20480x128xf32, #tpu.memory_space<hbm>>, %arg7: memref<10240x128xf32, #tpu.memory_space<vmem_shared>>, %arg8: memref<2x16x128xi32, #tpu.memory_space<vmem>>, %arg9: memref<2x16x128xi32, #tpu.memory_space<vmem>>, %arg10: memref<128x128xf32, #tpu.memory_space<vmem>>, %arg11: memref<128x128xf32, #tpu.memory_space<vmem>>, %arg12: memref<!tpu.dma_semaphore, #tpu.memory_space<semaphore_mem>>, %arg13: memref<!tpu.dma_semaphore, #tpu.memory_space<semaphore_mem>>) attributes {dimension_semantics = [#tpu.dimension_semantics<core_parallel>, #tpu.dimension_semantics<subcore_parallel>], iteration_bounds = array<i64: 2, 16>, scalar_prefetch = 0 : i64, scratch_operands = 7 : i64, tpu.core_type = #tpu.core_type<sc_vector_subcore>, window_params = [{transform_indices = #map}, {transform_indices = #map1}, {transform_indices = #map1}, {transform_indices = #map}, {transform_indices = #map}]} {
    %mul3A = arith.constant 640 : i32
    %mul3A_0 = arith.muli %arg1, %mul3A : i32
    "tpu.region"() ({
      %run_scoped3A_21 = tpu.sem_alloc : memref<!tpu.dma_semaphore, #tpu.memory_space<semaphore_mem>>
      %dma_start3A_22 = arith.constant 0 : i32
      %dma_start3A_23 = tpu.memref_slice %arg7[%mul3A_0, %dma_start3A_22] : memref<10240x128xf32, #tpu.memory_space<vmem_shared>> -> memref<640x128xf32, #tpu.memory_space<vmem_shared>>
      tpu.enqueue_dma source(%arg5 : memref<640x128xf32, #tpu.memory_space<hbm>>) target(%dma_start3A_23 : memref<640x128xf32, #tpu.memory_space<vmem_shared>>) target_semaphore(%run_scoped3A_21 : memref<!tpu.dma_semaphore, #tpu.memory_space<semaphore_mem>>)
      %dma_wait3A = arith.constant 0 : i32
      %dma_wait3A_24 = tpu.memref_slice %arg7[%mul3A_0, %dma_wait3A] : memref<10240x128xf32, #tpu.memory_space<vmem_shared>> -> memref<640x128xf32, #tpu.memory_space<vmem_shared>>
      tpu.wait_dma2 semaphore(%run_scoped3A_21 : memref<!tpu.dma_semaphore, #tpu.memory_space<semaphore_mem>>) src(%arg5 : memref<640x128xf32, #tpu.memory_space<hbm>>) dst(%dma_wait3A_24 : memref<640x128xf32, #tpu.memory_space<vmem_shared>>)
      tpu.yield
    }) : () -> ()
    %barrier3A = arith.constant 0 : index
    tpu.barrier barrier_id(%barrier3A)
    %run_scoped3A = arith.constant 0 : i32
    "tpu.region"() ({
      %run_scoped3A_21 = tpu.sem_alloc : memref<!tpu.dma_semaphore, #tpu.memory_space<semaphore_mem>>
      %dma_start3A_22 = arith.constant 0 : i32
      %dma_start3A_23 = arith.constant 0 : i32
      %dma_start3A_24 = tpu.memref_slice %arg8[%run_scoped3A, %dma_start3A_22, %dma_start3A_23] : memref<2x16x128xi32, #tpu.memory_space<vmem>> -> memref<1x16x128xi32, #tpu.memory_space<vmem>>
      %dma_start3A_25 = tpu.memref_squeeze %dma_start3A_24 : memref<1x16x128xi32, #tpu.memory_space<vmem>> -> memref<16x128xi32, #tpu.memory_space<vmem>>
      %dma_start3A_26 = arith.constant 0 : i32
      %dma_start3A_27 = arith.constant 0 : i32
      %dma_start3A_28 = tpu.memref_slice %arg3[%arg0, %arg1, %dma_start3A_26, %dma_start3A_27] : memref<2x16x160x128xi32, #tpu.memory_space<hbm>> -> memref<1x1x16x128xi32, #tpu.memory_space<hbm>>
      %dma_start3A_29 = tpu.memref_squeeze %dma_start3A_28 : memref<1x1x16x128xi32, #tpu.memory_space<hbm>> -> memref<16x128xi32, #tpu.memory_space<hbm>>
      %dma_start3A_30 = arith.constant 0 : i32
      %dma_start3A_31 = arith.constant 0 : i32
      %dma_start3A_32 = tpu.memref_slice %arg8[%run_scoped3A, %dma_start3A_30, %dma_start3A_31] : memref<2x16x128xi32, #tpu.memory_space<vmem>> -> memref<1x16x128xi32, #tpu.memory_space<vmem>>
      %dma_start3A_33 = tpu.memref_squeeze %dma_start3A_32 : memref<1x16x128xi32, #tpu.memory_space<vmem>> -> memref<16x128xi32, #tpu.memory_space<vmem>>
      %dma_start3A_34 = arith.constant 0 : i32
      %dma_start3A_35 = arith.constant 0 : i32
      %dma_start3A_36 = tpu.memref_slice %arg3[%arg0, %arg1, %dma_start3A_34, %dma_start3A_35] : memref<2x16x160x128xi32, #tpu.memory_space<hbm>> -> memref<1x1x16x128xi32, #tpu.memory_space<hbm>>
      %dma_start3A_37 = tpu.memref_squeeze %dma_start3A_36 : memref<1x1x16x128xi32, #tpu.memory_space<hbm>> -> memref<16x128xi32, #tpu.memory_space<hbm>>
      tpu.enqueue_dma source(%dma_start3A_37 : memref<16x128xi32, #tpu.memory_space<hbm>>) target(%dma_start3A_33 : memref<16x128xi32, #tpu.memory_space<vmem>>) target_semaphore(%run_scoped3A_21 : memref<!tpu.dma_semaphore, #tpu.memory_space<semaphore_mem>>)
      %dma_wait3A = arith.constant 0 : i32
      %dma_wait3A_38 = arith.constant 0 : i32
      %dma_wait3A_39 = tpu.memref_slice %arg8[%run_scoped3A, %dma_wait3A, %dma_wait3A_38] : memref<2x16x128xi32, #tpu.memory_space<vmem>> -> memref<1x16x128xi32, #tpu.memory_space<vmem>>
      %dma_wait3A_40 = tpu.memref_squeeze %dma_wait3A_39 : memref<1x16x128xi32, #tpu.memory_space<vmem>> -> memref<16x128xi32, #tpu.memory_space<vmem>>
      %dma_wait3A_41 = arith.constant 0 : i32
      %dma_wait3A_42 = arith.constant 0 : i32
      %dma_wait3A_43 = tpu.memref_slice %arg3[%arg0, %arg1, %dma_wait3A_41, %dma_wait3A_42] : memref<2x16x160x128xi32, #tpu.memory_space<hbm>> -> memref<1x1x16x128xi32, #tpu.memory_space<hbm>>
      %dma_wait3A_44 = tpu.memref_squeeze %dma_wait3A_43 : memref<1x1x16x128xi32, #tpu.memory_space<hbm>> -> memref<16x128xi32, #tpu.memory_space<hbm>>
      %dma_wait3A_45 = arith.constant 0 : i32
      %dma_wait3A_46 = arith.constant 0 : i32
      %dma_wait3A_47 = tpu.memref_slice %arg8[%run_scoped3A, %dma_wait3A_45, %dma_wait3A_46] : memref<2x16x128xi32, #tpu.memory_space<vmem>> -> memref<1x16x128xi32, #tpu.memory_space<vmem>>
      %dma_wait3A_48 = tpu.memref_squeeze %dma_wait3A_47 : memref<1x16x128xi32, #tpu.memory_space<vmem>> -> memref<16x128xi32, #tpu.memory_space<vmem>>
      %dma_wait3A_49 = arith.constant 0 : i32
      %dma_wait3A_50 = arith.constant 0 : i32
      %dma_wait3A_51 = tpu.memref_slice %arg3[%arg0, %arg1, %dma_wait3A_49, %dma_wait3A_50] : memref<2x16x160x128xi32, #tpu.memory_space<hbm>> -> memref<1x1x16x128xi32, #tpu.memory_space<hbm>>
      %dma_wait3A_52 = tpu.memref_squeeze %dma_wait3A_51 : memref<1x1x16x128xi32, #tpu.memory_space<hbm>> -> memref<16x128xi32, #tpu.memory_space<hbm>>
      tpu.wait_dma2 semaphore(%run_scoped3A_21 : memref<!tpu.dma_semaphore, #tpu.memory_space<semaphore_mem>>) src(%dma_wait3A_52 : memref<16x128xi32, #tpu.memory_space<hbm>>) dst(%dma_wait3A_48 : memref<16x128xi32, #tpu.memory_space<vmem>>)
      tpu.yield
    }) : () -> ()
    %run_scoped3A_1 = arith.constant 0 : i32
    "tpu.region"() ({
      %run_scoped3A_21 = tpu.sem_alloc : memref<!tpu.dma_semaphore, #tpu.memory_space<semaphore_mem>>
      %dma_start3A_22 = arith.constant 0 : i32
      %dma_start3A_23 = arith.constant 0 : i32
      %dma_start3A_24 = tpu.memref_slice %arg9[%run_scoped3A_1, %dma_start3A_22, %dma_start3A_23] : memref<2x16x128xi32, #tpu.memory_space<vmem>> -> memref<1x16x128xi32, #tpu.memory_space<vmem>>
      %dma_start3A_25 = tpu.memref_squeeze %dma_start3A_24 : memref<1x16x128xi32, #tpu.memory_space<vmem>> -> memref<16x128xi32, #tpu.memory_space<vmem>>
      %dma_start3A_26 = arith.constant 0 : i32
      %dma_start3A_27 = arith.constant 0 : i32
      %dma_start3A_28 = tpu.memref_slice %arg4[%arg0, %arg1, %dma_start3A_26, %dma_start3A_27] : memref<2x16x160x128xi32, #tpu.memory_space<hbm>> -> memref<1x1x16x128xi32, #tpu.memory_space<hbm>>
      %dma_start3A_29 = tpu.memref_squeeze %dma_start3A_28 : memref<1x1x16x128xi32, #tpu.memory_space<hbm>> -> memref<16x128xi32, #tpu.memory_space<hbm>>
      %dma_start3A_30 = arith.constant 0 : i32
      %dma_start3A_31 = arith.constant 0 : i32
      %dma_start3A_32 = tpu.memref_slice %arg9[%run_scoped3A_1, %dma_start3A_30, %dma_start3A_31] : memref<2x16x128xi32, #tpu.memory_space<vmem>> -> memref<1x16x128xi32, #tpu.memory_space<vmem>>
      %dma_start3A_33 = tpu.memref_squeeze %dma_start3A_32 : memref<1x16x128xi32, #tpu.memory_space<vmem>> -> memref<16x128xi32, #tpu.memory_space<vmem>>
      %dma_start3A_34 = arith.constant 0 : i32
      %dma_start3A_35 = arith.constant 0 : i32
      %dma_start3A_36 = tpu.memref_slice %arg4[%arg0, %arg1, %dma_start3A_34, %dma_start3A_35] : memref<2x16x160x128xi32, #tpu.memory_space<hbm>> -> memref<1x1x16x128xi32, #tpu.memory_space<hbm>>
      %dma_start3A_37 = tpu.memref_squeeze %dma_start3A_36 : memref<1x1x16x128xi32, #tpu.memory_space<hbm>> -> memref<16x128xi32, #tpu.memory_space<hbm>>
      tpu.enqueue_dma source(%dma_start3A_37 : memref<16x128xi32, #tpu.memory_space<hbm>>) target(%dma_start3A_33 : memref<16x128xi32, #tpu.memory_space<vmem>>) target_semaphore(%run_scoped3A_21 : memref<!tpu.dma_semaphore, #tpu.memory_space<semaphore_mem>>)
      %dma_wait3A = arith.constant 0 : i32
      %dma_wait3A_38 = arith.constant 0 : i32
      %dma_wait3A_39 = tpu.memref_slice %arg9[%run_scoped3A_1, %dma_wait3A, %dma_wait3A_38] : memref<2x16x128xi32, #tpu.memory_space<vmem>> -> memref<1x16x128xi32, #tpu.memory_space<vmem>>
      %dma_wait3A_40 = tpu.memref_squeeze %dma_wait3A_39 : memref<1x16x128xi32, #tpu.memory_space<vmem>> -> memref<16x128xi32, #tpu.memory_space<vmem>>
      %dma_wait3A_41 = arith.constant 0 : i32
      %dma_wait3A_42 = arith.constant 0 : i32
      %dma_wait3A_43 = tpu.memref_slice %arg4[%arg0, %arg1, %dma_wait3A_41, %dma_wait3A_42] : memref<2x16x160x128xi32, #tpu.memory_space<hbm>> -> memref<1x1x16x128xi32, #tpu.memory_space<hbm>>
      %dma_wait3A_44 = tpu.memref_squeeze %dma_wait3A_43 : memref<1x1x16x128xi32, #tpu.memory_space<hbm>> -> memref<16x128xi32, #tpu.memory_space<hbm>>
      %dma_wait3A_45 = arith.constant 0 : i32
      %dma_wait3A_46 = arith.constant 0 : i32
      %dma_wait3A_47 = tpu.memref_slice %arg9[%run_scoped3A_1, %dma_wait3A_45, %dma_wait3A_46] : memref<2x16x128xi32, #tpu.memory_space<vmem>> -> memref<1x16x128xi32, #tpu.memory_space<vmem>>
      %dma_wait3A_48 = tpu.memref_squeeze %dma_wait3A_47 : memref<1x16x128xi32, #tpu.memory_space<vmem>> -> memref<16x128xi32, #tpu.memory_space<vmem>>
      %dma_wait3A_49 = arith.constant 0 : i32
      %dma_wait3A_50 = arith.constant 0 : i32
      %dma_wait3A_51 = tpu.memref_slice %arg4[%arg0, %arg1, %dma_wait3A_49, %dma_wait3A_50] : memref<2x16x160x128xi32, #tpu.memory_space<hbm>> -> memref<1x1x16x128xi32, #tpu.memory_space<hbm>>
      %dma_wait3A_52 = tpu.memref_squeeze %dma_wait3A_51 : memref<1x1x16x128xi32, #tpu.memory_space<hbm>> -> memref<16x128xi32, #tpu.memory_space<hbm>>
      tpu.wait_dma2 semaphore(%run_scoped3A_21 : memref<!tpu.dma_semaphore, #tpu.memory_space<semaphore_mem>>) src(%dma_wait3A_52 : memref<16x128xi32, #tpu.memory_space<hbm>>) dst(%dma_wait3A_48 : memref<16x128xi32, #tpu.memory_space<vmem>>)
      tpu.yield
    }) : () -> ()
    %dma_start3A = arith.constant 0 : i32
    %dma_start3A_2 = arith.constant 0 : i32
    %dma_start3A_3 = arith.constant 0 : i32
    %dma_start3A_4 = tpu.memref_slice %arg8[%dma_start3A, %dma_start3A_2, %dma_start3A_3] : memref<2x16x128xi32, #tpu.memory_space<vmem>> -> memref<1x1x128xi32, #tpu.memory_space<vmem>>
    %dma_start3A_5 = tpu.memref_squeeze %dma_start3A_4 : memref<1x1x128xi32, #tpu.memory_space<vmem>> -> memref<128xi32, #tpu.memory_space<vmem>>
    %dma_start3A_6 = arith.constant 0 : i32
    %dma_start3A_7 = arith.constant 0 : i32
    %dma_start3A_8 = tpu.memref_slice %arg2[%dma_start3A_6, %dma_start3A_7] : memref<20000x128xf32, #tpu.memory_space<hbm>> -> memref<20000x128xf32, #tpu.memory_space<hbm>>
    tpu.enqueue_indirect_dma source(%dma_start3A_8 : memref<20000x128xf32, #tpu.memory_space<hbm>>) target(%arg10 : memref<128x128xf32, #tpu.memory_space<vmem>>) offsets(%dma_start3A_5 : memref<128xi32, #tpu.memory_space<vmem>>) semaphore(%arg12 : memref<!tpu.dma_semaphore, #tpu.memory_space<semaphore_mem>>)
    %scan3A = arith.constant 0 : i32
    %scan3A_9 = arith.constant 0 : i32
    %scan3A_10 = arith.constant 10 : i32
    %scan3A_11 = arith.addi %scan3A_9, %scan3A_10 : i32
    %scan3A_12 = arith.constant 1 : i32
    scf.for %scan3A_21 = %scan3A_9 to %scan3A_11 step %scan3A_12  : i32 {
      %jit3A = arith.constant 2 : i32
      %eq3A = arith.constant 0 : i32
      %eq3A_22 = arith.cmpi eq, %jit3A, %eq3A : i32
      %jit3A_23 = arith.constant 1 : i32
      %select_n3A = arith.select %eq3A_22, %jit3A_23, %jit3A : i32
      %rem3A = arith.remsi %scan3A_21, %select_n3A : i32
      %ne3A = arith.constant 0 : i32
      %ne3A_24 = arith.cmpi ne, %rem3A, %ne3A : i32
      %lt3A = arith.constant 0 : i32
      %lt3A_25 = arith.cmpi slt, %rem3A, %lt3A : i32
      %lt3A_26 = arith.constant 0 : i32
      %lt3A_27 = arith.cmpi slt, %select_n3A, %lt3A_26 : i32
      %ne3A_28 = arith.xori %lt3A_25, %lt3A_27 : i1
      %and3A = arith.andi %ne3A_28, %ne3A_24 : i1
      %add3A_29 = arith.addi %rem3A, %select_n3A : i32
      %select_n3A_30 = arith.select %and3A, %add3A_29, %rem3A : i32
      %add3A_31 = arith.constant 1 : i32
      %add3A_32 = arith.addi %scan3A_21, %add3A_31 : i32
      %lt3A_33 = arith.constant 10 : i32
      %lt3A_34 = arith.cmpi slt, %add3A_32, %lt3A_33 : i32
      %convert_element_type3A = arith.extui %lt3A_34 : i1 to i32
      %cond3A = arith.constant 0 : i32
      %cond3A_35 = arith.cmpi ne, %convert_element_type3A, %cond3A : i32
      scf.if %cond3A_35 {
        %add3A_42 = arith.constant 1 : i32
        %add3A_43 = arith.addi %scan3A_21, %add3A_42 : i32
        %jit3A_44 = arith.constant 2 : i32
        %eq3A_45 = arith.constant 0 : i32
        %eq3A_46 = arith.cmpi eq, %jit3A_44, %eq3A_45 : i32
        %jit3A_47 = arith.constant 1 : i32
        %select_n3A_48 = arith.select %eq3A_46, %jit3A_47, %jit3A_44 : i32
        %rem3A_49 = arith.remsi %add3A_43, %select_n3A_48 : i32
        %ne3A_50 = arith.constant 0 : i32
        %ne3A_51 = arith.cmpi ne, %rem3A_49, %ne3A_50 : i32
        %lt3A_52 = arith.constant 0 : i32
        %lt3A_53 = arith.cmpi slt, %rem3A_49, %lt3A_52 : i32
        %lt3A_54 = arith.constant 0 : i32
        %lt3A_55 = arith.cmpi slt, %select_n3A_48, %lt3A_54 : i32
        %ne3A_56 = arith.xori %lt3A_53, %lt3A_55 : i1
        %and3A_57 = arith.andi %ne3A_56, %ne3A_51 : i1
        %add3A_58 = arith.addi %rem3A_49, %select_n3A_48 : i32
        %select_n3A_59 = arith.select %and3A_57, %add3A_58, %rem3A_49 : i32
        %add3A_60 = arith.constant 1 : i32
        %add3A_61 = arith.addi %scan3A_21, %add3A_60 : i32
        %mul3A_62 = arith.constant 16 : i32
        %mul3A_63 = arith.muli %add3A_61, %mul3A_62 : i32
        "tpu.region"() ({
          %run_scoped3A_68 = tpu.sem_alloc : memref<!tpu.dma_semaphore, #tpu.memory_space<semaphore_mem>>
          %dma_start3A_69 = arith.constant 0 : i32
          %dma_start3A_70 = arith.constant 0 : i32
          %dma_start3A_71 = tpu.memref_slice %arg8[%select_n3A_59, %dma_start3A_69, %dma_start3A_70] : memref<2x16x128xi32, #tpu.memory_space<vmem>> -> memref<1x16x128xi32, #tpu.memory_space<vmem>>
          %dma_start3A_72 = tpu.memref_squeeze %dma_start3A_71 : memref<1x16x128xi32, #tpu.memory_space<vmem>> -> memref<16x128xi32, #tpu.memory_space<vmem>>
          %dma_start3A_73 = arith.constant 0 : i32
          %dma_start3A_74 = tpu.memref_slice %arg3[%arg0, %arg1, %mul3A_63, %dma_start3A_73] : memref<2x16x160x128xi32, #tpu.memory_space<hbm>> -> memref<1x1x16x128xi32, #tpu.memory_space<hbm>>
          %dma_start3A_75 = tpu.memref_squeeze %dma_start3A_74 : memref<1x1x16x128xi32, #tpu.memory_space<hbm>> -> memref<16x128xi32, #tpu.memory_space<hbm>>
          %dma_start3A_76 = arith.constant 0 : i32
          %dma_start3A_77 = arith.constant 0 : i32
          %dma_start3A_78 = tpu.memref_slice %arg8[%select_n3A_59, %dma_start3A_76, %dma_start3A_77] : memref<2x16x128xi32, #tpu.memory_space<vmem>> -> memref<1x16x128xi32, #tpu.memory_space<vmem>>
          %dma_start3A_79 = tpu.memref_squeeze %dma_start3A_78 : memref<1x16x128xi32, #tpu.memory_space<vmem>> -> memref<16x128xi32, #tpu.memory_space<vmem>>
          %dma_start3A_80 = arith.constant 0 : i32
          %dma_start3A_81 = tpu.memref_slice %arg3[%arg0, %arg1, %mul3A_63, %dma_start3A_80] : memref<2x16x160x128xi32, #tpu.memory_space<hbm>> -> memref<1x1x16x128xi32, #tpu.memory_space<hbm>>
          %dma_start3A_82 = tpu.memref_squeeze %dma_start3A_81 : memref<1x1x16x128xi32, #tpu.memory_space<hbm>> -> memref<16x128xi32, #tpu.memory_space<hbm>>
          tpu.enqueue_dma source(%dma_start3A_82 : memref<16x128xi32, #tpu.memory_space<hbm>>) target(%dma_start3A_79 : memref<16x128xi32, #tpu.memory_space<vmem>>) target_semaphore(%run_scoped3A_68 : memref<!tpu.dma_semaphore, #tpu.memory_space<semaphore_mem>>)
          %dma_wait3A = arith.constant 0 : i32
          %dma_wait3A_83 = arith.constant 0 : i32
          %dma_wait3A_84 = tpu.memref_slice %arg8[%select_n3A_59, %dma_wait3A, %dma_wait3A_83] : memref<2x16x128xi32, #tpu.memory_space<vmem>> -> memref<1x16x128xi32, #tpu.memory_space<vmem>>
          %dma_wait3A_85 = tpu.memref_squeeze %dma_wait3A_84 : memref<1x16x128xi32, #tpu.memory_space<vmem>> -> memref<16x128xi32, #tpu.memory_space<vmem>>
          %dma_wait3A_86 = arith.constant 0 : i32
          %dma_wait3A_87 = tpu.memref_slice %arg3[%arg0, %arg1, %mul3A_63, %dma_wait3A_86] : memref<2x16x160x128xi32, #tpu.memory_space<hbm>> -> memref<1x1x16x128xi32, #tpu.memory_space<hbm>>
          %dma_wait3A_88 = tpu.memref_squeeze %dma_wait3A_87 : memref<1x1x16x128xi32, #tpu.memory_space<hbm>> -> memref<16x128xi32, #tpu.memory_space<hbm>>
          %dma_wait3A_89 = arith.constant 0 : i32
          %dma_wait3A_90 = arith.constant 0 : i32
          %dma_wait3A_91 = tpu.memref_slice %arg8[%select_n3A_59, %dma_wait3A_89, %dma_wait3A_90] : memref<2x16x128xi32, #tpu.memory_space<vmem>> -> memref<1x16x128xi32, #tpu.memory_space<vmem>>
          %dma_wait3A_92 = tpu.memref_squeeze %dma_wait3A_91 : memref<1x16x128xi32, #tpu.memory_space<vmem>> -> memref<16x128xi32, #tpu.memory_space<vmem>>
          %dma_wait3A_93 = arith.constant 0 : i32
          %dma_wait3A_94 = tpu.memref_slice %arg3[%arg0, %arg1, %mul3A_63, %dma_wait3A_93] : memref<2x16x160x128xi32, #tpu.memory_space<hbm>> -> memref<1x1x16x128xi32, #tpu.memory_space<hbm>>
          %dma_wait3A_95 = tpu.memref_squeeze %dma_wait3A_94 : memref<1x1x16x128xi32, #tpu.memory_space<hbm>> -> memref<16x128xi32, #tpu.memory_space<hbm>>
          tpu.wait_dma2 semaphore(%run_scoped3A_68 : memref<!tpu.dma_semaphore, #tpu.memory_space<semaphore_mem>>) src(%dma_wait3A_95 : memref<16x128xi32, #tpu.memory_space<hbm>>) dst(%dma_wait3A_92 : memref<16x128xi32, #tpu.memory_space<vmem>>)
          tpu.yield
        }) : () -> ()
        %add3A_64 = arith.constant 1 : i32
        %add3A_65 = arith.addi %scan3A_21, %add3A_64 : i32
        %mul3A_66 = arith.constant 16 : i32
        %mul3A_67 = arith.muli %add3A_65, %mul3A_66 : i32
        "tpu.region"() ({
          %run_scoped3A_68 = tpu.sem_alloc : memref<!tpu.dma_semaphore, #tpu.memory_space<semaphore_mem>>
          %dma_start3A_69 = arith.constant 0 : i32
          %dma_start3A_70 = arith.constant 0 : i32
          %dma_start3A_71 = tpu.memref_slice %arg9[%select_n3A_59, %dma_start3A_69, %dma_start3A_70] : memref<2x16x128xi32, #tpu.memory_space<vmem>> -> memref<1x16x128xi32, #tpu.memory_space<vmem>>
          %dma_start3A_72 = tpu.memref_squeeze %dma_start3A_71 : memref<1x16x128xi32, #tpu.memory_space<vmem>> -> memref<16x128xi32, #tpu.memory_space<vmem>>
          %dma_start3A_73 = arith.constant 0 : i32
          %dma_start3A_74 = tpu.memref_slice %arg4[%arg0, %arg1, %mul3A_67, %dma_start3A_73] : memref<2x16x160x128xi32, #tpu.memory_space<hbm>> -> memref<1x1x16x128xi32, #tpu.memory_space<hbm>>
          %dma_start3A_75 = tpu.memref_squeeze %dma_start3A_74 : memref<1x1x16x128xi32, #tpu.memory_space<hbm>> -> memref<16x128xi32, #tpu.memory_space<hbm>>
          %dma_start3A_76 = arith.constant 0 : i32
          %dma_start3A_77 = arith.constant 0 : i32
          %dma_start3A_78 = tpu.memref_slice %arg9[%select_n3A_59, %dma_start3A_76, %dma_start3A_77] : memref<2x16x128xi32, #tpu.memory_space<vmem>> -> memref<1x16x128xi32, #tpu.memory_space<vmem>>
          %dma_start3A_79 = tpu.memref_squeeze %dma_start3A_78 : memref<1x16x128xi32, #tpu.memory_space<vmem>> -> memref<16x128xi32, #tpu.memory_space<vmem>>
          %dma_start3A_80 = arith.constant 0 : i32
          %dma_start3A_81 = tpu.memref_slice %arg4[%arg0, %arg1, %mul3A_67, %dma_start3A_80] : memref<2x16x160x128xi32, #tpu.memory_space<hbm>> -> memref<1x1x16x128xi32, #tpu.memory_space<hbm>>
          %dma_start3A_82 = tpu.memref_squeeze %dma_start3A_81 : memref<1x1x16x128xi32, #tpu.memory_space<hbm>> -> memref<16x128xi32, #tpu.memory_space<hbm>>
          tpu.enqueue_dma source(%dma_start3A_82 : memref<16x128xi32, #tpu.memory_space<hbm>>) target(%dma_start3A_79 : memref<16x128xi32, #tpu.memory_space<vmem>>) target_semaphore(%run_scoped3A_68 : memref<!tpu.dma_semaphore, #tpu.memory_space<semaphore_mem>>)
          %dma_wait3A = arith.constant 0 : i32
          %dma_wait3A_83 = arith.constant 0 : i32
          %dma_wait3A_84 = tpu.memref_slice %arg9[%select_n3A_59, %dma_wait3A, %dma_wait3A_83] : memref<2x16x128xi32, #tpu.memory_space<vmem>> -> memref<1x16x128xi32, #tpu.memory_space<vmem>>
          %dma_wait3A_85 = tpu.memref_squeeze %dma_wait3A_84 : memref<1x16x128xi32, #tpu.memory_space<vmem>> -> memref<16x128xi32, #tpu.memory_space<vmem>>
          %dma_wait3A_86 = arith.constant 0 : i32
          %dma_wait3A_87 = tpu.memref_slice %arg4[%arg0, %arg1, %mul3A_67, %dma_wait3A_86] : memref<2x16x160x128xi32, #tpu.memory_space<hbm>> -> memref<1x1x16x128xi32, #tpu.memory_space<hbm>>
          %dma_wait3A_88 = tpu.memref_squeeze %dma_wait3A_87 : memref<1x1x16x128xi32, #tpu.memory_space<hbm>> -> memref<16x128xi32, #tpu.memory_space<hbm>>
          %dma_wait3A_89 = arith.constant 0 : i32
          %dma_wait3A_90 = arith.constant 0 : i32
          %dma_wait3A_91 = tpu.memref_slice %arg9[%select_n3A_59, %dma_wait3A_89, %dma_wait3A_90] : memref<2x16x128xi32, #tpu.memory_space<vmem>> -> memref<1x16x128xi32, #tpu.memory_space<vmem>>
          %dma_wait3A_92 = tpu.memref_squeeze %dma_wait3A_91 : memref<1x16x128xi32, #tpu.memory_space<vmem>> -> memref<16x128xi32, #tpu.memory_space<vmem>>
          %dma_wait3A_93 = arith.constant 0 : i32
          %dma_wait3A_94 = tpu.memref_slice %arg4[%arg0, %arg1, %mul3A_67, %dma_wait3A_93] : memref<2x16x160x128xi32, #tpu.memory_space<hbm>> -> memref<1x1x16x128xi32, #tpu.memory_space<hbm>>
          %dma_wait3A_95 = tpu.memref_squeeze %dma_wait3A_94 : memref<1x1x16x128xi32, #tpu.memory_space<hbm>> -> memref<16x128xi32, #tpu.memory_space<hbm>>
          tpu.wait_dma2 semaphore(%run_scoped3A_68 : memref<!tpu.dma_semaphore, #tpu.memory_space<semaphore_mem>>) src(%dma_wait3A_95 : memref<16x128xi32, #tpu.memory_space<hbm>>) dst(%dma_wait3A_92 : memref<16x128xi32, #tpu.memory_space<vmem>>)
          tpu.yield
        }) : () -> ()
      } else {
      }
      %scan3A_36 = arith.constant 0 : i32
      %scan3A_37 = arith.constant 0 : i32
      %scan3A_38 = arith.constant 8 : i32
      %scan3A_39 = arith.addi %scan3A_37, %scan3A_38 : i32
      %scan3A_40 = arith.constant 1 : i32
      scf.for %scan3A_42 = %scan3A_37 to %scan3A_39 step %scan3A_40  : i32 {
        %mul3A_43 = arith.constant 2 : i32
        %mul3A_44 = arith.muli %scan3A_42, %mul3A_43 : i32
        %dma_wait3A = arith.constant 0 : i32
        %dma_wait3A_45 = tpu.memref_slice %arg8[%select_n3A_30, %mul3A_44, %dma_wait3A] : memref<2x16x128xi32, #tpu.memory_space<vmem>> -> memref<1x1x128xi32, #tpu.memory_space<vmem>>
        %dma_wait3A_46 = tpu.memref_squeeze %dma_wait3A_45 : memref<1x1x128xi32, #tpu.memory_space<vmem>> -> memref<128xi32, #tpu.memory_space<vmem>>
        %dma_wait3A_47 = arith.constant 0 : i32
        %dma_wait3A_48 = arith.constant 0 : i32
        %dma_wait3A_49 = tpu.memref_slice %arg2[%dma_wait3A_47, %dma_wait3A_48] : memref<20000x128xf32, #tpu.memory_space<hbm>> -> memref<20000x128xf32, #tpu.memory_space<hbm>>
        tpu.wait_indirect_dma semaphore(%arg12 : memref<!tpu.dma_semaphore, #tpu.memory_space<semaphore_mem>>) src(%dma_wait3A_49 : memref<20000x128xf32, #tpu.memory_space<hbm>>) dst(%arg10 : memref<128x128xf32, #tpu.memory_space<vmem>>)
        %add3A_50 = arith.constant 1 : i32
        %add3A_51 = arith.addi %mul3A_44, %add3A_50 : i32
        %dma_start3A_52 = arith.constant 0 : i32
        %dma_start3A_53 = tpu.memref_slice %arg8[%select_n3A_30, %add3A_51, %dma_start3A_52] : memref<2x16x128xi32, #tpu.memory_space<vmem>> -> memref<1x1x128xi32, #tpu.memory_space<vmem>>
        %dma_start3A_54 = tpu.memref_squeeze %dma_start3A_53 : memref<1x1x128xi32, #tpu.memory_space<vmem>> -> memref<128xi32, #tpu.memory_space<vmem>>
        %dma_start3A_55 = arith.constant 0 : i32
        %dma_start3A_56 = arith.constant 0 : i32
        %dma_start3A_57 = tpu.memref_slice %arg2[%dma_start3A_55, %dma_start3A_56] : memref<20000x128xf32, #tpu.memory_space<hbm>> -> memref<20000x128xf32, #tpu.memory_space<hbm>>
        tpu.enqueue_indirect_dma source(%dma_start3A_57 : memref<20000x128xf32, #tpu.memory_space<hbm>>) target(%arg11 : memref<128x128xf32, #tpu.memory_space<vmem>>) offsets(%dma_start3A_54 : memref<128xi32, #tpu.memory_space<vmem>>) semaphore(%arg13 : memref<!tpu.dma_semaphore, #tpu.memory_space<semaphore_mem>>)
        "tpu.region"() ({
          %run_scoped3A_79 = tpu.sem_alloc : memref<!tpu.dma_semaphore, #tpu.memory_space<semaphore_mem>>
          %dma_start3A_80 = arith.constant 0 : i32
          %dma_start3A_81 = tpu.memref_slice %arg9[%select_n3A_30, %mul3A_44, %dma_start3A_80] : memref<2x16x128xi32, #tpu.memory_space<vmem>> -> memref<1x1x128xi32, #tpu.memory_space<vmem>>
          %dma_start3A_82 = tpu.memref_squeeze %dma_start3A_81 : memref<1x1x128xi32, #tpu.memory_space<vmem>> -> memref<128xi32, #tpu.memory_space<vmem>>
          %dma_start3A_83 = arith.constant 0 : i32
          %dma_start3A_84 = arith.constant 0 : i32
          %dma_start3A_85 = tpu.memref_slice %arg7[%dma_start3A_83, %dma_start3A_84] : memref<10240x128xf32, #tpu.memory_space<vmem_shared>> -> memref<10240x128xf32, #tpu.memory_space<vmem_shared>>
          tpu.enqueue_indirect_dma source(%arg10 : memref<128x128xf32, #tpu.memory_space<vmem>>) target(%dma_start3A_85 : memref<10240x128xf32, #tpu.memory_space<vmem_shared>>) offsets(%dma_start3A_82 : memref<128xi32, #tpu.memory_space<vmem>>) semaphore(%run_scoped3A_79 : memref<!tpu.dma_semaphore, #tpu.memory_space<semaphore_mem>>) {add = true}
          %dma_wait3A_86 = arith.constant 0 : i32
          %dma_wait3A_87 = tpu.memref_slice %arg9[%select_n3A_30, %mul3A_44, %dma_wait3A_86] : memref<2x16x128xi32, #tpu.memory_space<vmem>> -> memref<1x1x128xi32, #tpu.memory_space<vmem>>
          %dma_wait3A_88 = tpu.memref_squeeze %dma_wait3A_87 : memref<1x1x128xi32, #tpu.memory_space<vmem>> -> memref<128xi32, #tpu.memory_space<vmem>>
          %dma_wait3A_89 = arith.constant 0 : i32
          %dma_wait3A_90 = arith.constant 0 : i32
          %dma_wait3A_91 = tpu.memref_slice %arg7[%dma_wait3A_89, %dma_wait3A_90] : memref<10240x128xf32, #tpu.memory_space<vmem_shared>> -> memref<10240x128xf32, #tpu.memory_space<vmem_shared>>
          tpu.wait_indirect_dma semaphore(%run_scoped3A_79 : memref<!tpu.dma_semaphore, #tpu.memory_space<semaphore_mem>>) src(%arg10 : memref<128x128xf32, #tpu.memory_space<vmem>>) dst(%dma_wait3A_91 : memref<10240x128xf32, #tpu.memory_space<vmem_shared>>)
          tpu.yield
        }) : () -> ()
        %add3A_58 = arith.constant 1 : i32
        %add3A_59 = arith.addi %mul3A_44, %add3A_58 : i32
        %dma_wait3A_60 = arith.constant 0 : i32
        %dma_wait3A_61 = tpu.memref_slice %arg8[%select_n3A_30, %add3A_59, %dma_wait3A_60] : memref<2x16x128xi32, #tpu.memory_space<vmem>> -> memref<1x1x128xi32, #tpu.memory_space<vmem>>
        %dma_wait3A_62 = tpu.memref_squeeze %dma_wait3A_61 : memref<1x1x128xi32, #tpu.memory_space<vmem>> -> memref<128xi32, #tpu.memory_space<vmem>>
        %dma_wait3A_63 = arith.constant 0 : i32
        %dma_wait3A_64 = arith.constant 0 : i32
        %dma_wait3A_65 = tpu.memref_slice %arg2[%dma_wait3A_63, %dma_wait3A_64] : memref<20000x128xf32, #tpu.memory_space<hbm>> -> memref<20000x128xf32, #tpu.memory_space<hbm>>
        tpu.wait_indirect_dma semaphore(%arg13 : memref<!tpu.dma_semaphore, #tpu.memory_space<semaphore_mem>>) src(%dma_wait3A_65 : memref<20000x128xf32, #tpu.memory_space<hbm>>) dst(%arg11 : memref<128x128xf32, #tpu.memory_space<vmem>>)
        %add3A_66 = arith.constant 1 : i32
        %add3A_67 = arith.addi %scan3A_42, %add3A_66 : i32
        %lt3A_68 = arith.constant 8 : i32
        %lt3A_69 = arith.cmpi slt, %add3A_67, %lt3A_68 : i32
        %add3A_70 = arith.constant 1 : i32
        %add3A_71 = arith.addi %scan3A_21, %add3A_70 : i32
        %lt3A_72 = arith.constant 10 : i32
        %lt3A_73 = arith.cmpi slt, %add3A_71, %lt3A_72 : i32
        %or3A = arith.ori %lt3A_69, %lt3A_73 : i1
        %convert_element_type3A_74 = arith.extui %or3A : i1 to i32
        %cond3A_75 = arith.constant 0 : i32
        %cond3A_76 = arith.cmpi ne, %convert_element_type3A_74, %cond3A_75 : i32
        scf.if %cond3A_76 {
          %add3A_79 = arith.constant 1 : i32
          %add3A_80 = arith.addi %scan3A_42, %add3A_79 : i32
          %lt3A_81 = arith.constant 8 : i32
          %lt3A_82 = arith.cmpi slt, %add3A_80, %lt3A_81 : i32
          %add3A_83 = arith.constant 2 : i32
          %add3A_84 = arith.addi %mul3A_44, %add3A_83 : i32
          %select_n3A_85 = arith.constant 0 : i32
          %select_n3A_86 = arith.select %lt3A_82, %add3A_84, %select_n3A_85 : i32
          %add3A_87 = arith.constant 1 : i32
          %add3A_88 = arith.addi %scan3A_42, %add3A_87 : i32
          %lt3A_89 = arith.constant 8 : i32
          %lt3A_90 = arith.cmpi slt, %add3A_88, %lt3A_89 : i32
          %add3A_91 = arith.constant 1 : i32
          %add3A_92 = arith.addi %scan3A_21, %add3A_91 : i32
          %jit3A_93 = arith.constant 2 : i32
          %eq3A_94 = arith.constant 0 : i32
          %eq3A_95 = arith.cmpi eq, %jit3A_93, %eq3A_94 : i32
          %jit3A_96 = arith.constant 1 : i32
          %select_n3A_97 = arith.select %eq3A_95, %jit3A_96, %jit3A_93 : i32
          %rem3A_98 = arith.remsi %add3A_92, %select_n3A_97 : i32
          %ne3A_99 = arith.constant 0 : i32
          %ne3A_100 = arith.cmpi ne, %rem3A_98, %ne3A_99 : i32
          %lt3A_101 = arith.constant 0 : i32
          %lt3A_102 = arith.cmpi slt, %rem3A_98, %lt3A_101 : i32
          %lt3A_103 = arith.constant 0 : i32
          %lt3A_104 = arith.cmpi slt, %select_n3A_97, %lt3A_103 : i32
          %ne3A_105 = arith.xori %lt3A_102, %lt3A_104 : i1
          %and3A_106 = arith.andi %ne3A_105, %ne3A_100 : i1
          %add3A_107 = arith.addi %rem3A_98, %select_n3A_97 : i32
          %select_n3A_108 = arith.select %and3A_106, %add3A_107, %rem3A_98 : i32
          %select_n3A_109 = arith.select %lt3A_90, %select_n3A_30, %select_n3A_108 : i32
          %dma_start3A_110 = arith.constant 0 : i32
          %dma_start3A_111 = tpu.memref_slice %arg8[%select_n3A_109, %select_n3A_86, %dma_start3A_110] : memref<2x16x128xi32, #tpu.memory_space<vmem>> -> memref<1x1x128xi32, #tpu.memory_space<vmem>>
          %dma_start3A_112 = tpu.memref_squeeze %dma_start3A_111 : memref<1x1x128xi32, #tpu.memory_space<vmem>> -> memref<128xi32, #tpu.memory_space<vmem>>
          %dma_start3A_113 = arith.constant 0 : i32
          %dma_start3A_114 = arith.constant 0 : i32
          %dma_start3A_115 = tpu.memref_slice %arg2[%dma_start3A_113, %dma_start3A_114] : memref<20000x128xf32, #tpu.memory_space<hbm>> -> memref<20000x128xf32, #tpu.memory_space<hbm>>
          tpu.enqueue_indirect_dma source(%dma_start3A_115 : memref<20000x128xf32, #tpu.memory_space<hbm>>) target(%arg10 : memref<128x128xf32, #tpu.memory_space<vmem>>) offsets(%dma_start3A_112 : memref<128xi32, #tpu.memory_space<vmem>>) semaphore(%arg12 : memref<!tpu.dma_semaphore, #tpu.memory_space<semaphore_mem>>)
        } else {
        }
        %add3A_77 = arith.constant 1 : i32
        %add3A_78 = arith.addi %mul3A_44, %add3A_77 : i32
        "tpu.region"() ({
          %run_scoped3A_79 = tpu.sem_alloc : memref<!tpu.dma_semaphore, #tpu.memory_space<semaphore_mem>>
          %dma_start3A_80 = arith.constant 0 : i32
          %dma_start3A_81 = tpu.memref_slice %arg9[%select_n3A_30, %add3A_78, %dma_start3A_80] : memref<2x16x128xi32, #tpu.memory_space<vmem>> -> memref<1x1x128xi32, #tpu.memory_space<vmem>>
          %dma_start3A_82 = tpu.memref_squeeze %dma_start3A_81 : memref<1x1x128xi32, #tpu.memory_space<vmem>> -> memref<128xi32, #tpu.memory_space<vmem>>
          %dma_start3A_83 = arith.constant 0 : i32
          %dma_start3A_84 = arith.constant 0 : i32
          %dma_start3A_85 = tpu.memref_slice %arg7[%dma_start3A_83, %dma_start3A_84] : memref<10240x128xf32, #tpu.memory_space<vmem_shared>> -> memref<10240x128xf32, #tpu.memory_space<vmem_shared>>
          tpu.enqueue_indirect_dma source(%arg11 : memref<128x128xf32, #tpu.memory_space<vmem>>) target(%dma_start3A_85 : memref<10240x128xf32, #tpu.memory_space<vmem_shared>>) offsets(%dma_start3A_82 : memref<128xi32, #tpu.memory_space<vmem>>) semaphore(%run_scoped3A_79 : memref<!tpu.dma_semaphore, #tpu.memory_space<semaphore_mem>>) {add = true}
          %dma_wait3A_86 = arith.constant 0 : i32
          %dma_wait3A_87 = tpu.memref_slice %arg9[%select_n3A_30, %add3A_78, %dma_wait3A_86] : memref<2x16x128xi32, #tpu.memory_space<vmem>> -> memref<1x1x128xi32, #tpu.memory_space<vmem>>
          %dma_wait3A_88 = tpu.memref_squeeze %dma_wait3A_87 : memref<1x1x128xi32, #tpu.memory_space<vmem>> -> memref<128xi32, #tpu.memory_space<vmem>>
          %dma_wait3A_89 = arith.constant 0 : i32
          %dma_wait3A_90 = arith.constant 0 : i32
          %dma_wait3A_91 = tpu.memref_slice %arg7[%dma_wait3A_89, %dma_wait3A_90] : memref<10240x128xf32, #tpu.memory_space<vmem_shared>> -> memref<10240x128xf32, #tpu.memory_space<vmem_shared>>
          tpu.wait_indirect_dma semaphore(%run_scoped3A_79 : memref<!tpu.dma_semaphore, #tpu.memory_space<semaphore_mem>>) src(%arg11 : memref<128x128xf32, #tpu.memory_space<vmem>>) dst(%dma_wait3A_91 : memref<10240x128xf32, #tpu.memory_space<vmem_shared>>)
          tpu.yield
        }) : () -> ()
      }
      %scan3A_41 = arith.constant 8 : i32
    }
    %scan3A_13 = arith.constant 10 : i32
    %barrier3A_14 = arith.constant 0 : index
    tpu.barrier barrier_id(%barrier3A_14)
    %mul3A_15 = arith.constant 640 : i32
    %mul3A_16 = arith.muli %arg1, %mul3A_15 : i32
    %mul3A_17 = arith.constant 10240 : i32
    %mul3A_18 = arith.muli %arg0, %mul3A_17 : i32
    %mul3A_19 = arith.constant 640 : i32
    %mul3A_20 = arith.muli %arg1, %mul3A_19 : i32
    %add3A = arith.addi %mul3A_18, %mul3A_20 : i32
    "tpu.region"() ({
      %run_scoped3A_21 = tpu.sem_alloc : memref<!tpu.dma_semaphore, #tpu.memory_space<semaphore_mem>>
      %dma_start3A_22 = arith.constant 0 : i32
      %dma_start3A_23 = tpu.memref_slice %arg6[%add3A, %dma_start3A_22] : memref<20480x128xf32, #tpu.memory_space<hbm>> -> memref<640x128xf32, #tpu.memory_space<hbm>>
      %dma_start3A_24 = arith.constant 0 : i32
      %dma_start3A_25 = tpu.memref_slice %arg7[%mul3A_16, %dma_start3A_24] : memref<10240x128xf32, #tpu.memory_space<vmem_shared>> -> memref<640x128xf32, #tpu.memory_space<vmem_shared>>
      tpu.enqueue_dma source(%dma_start3A_25 : memref<640x128xf32, #tpu.memory_space<vmem_shared>>) target(%dma_start3A_23 : memref<640x128xf32, #tpu.memory_space<hbm>>) target_semaphore(%run_scoped3A_21 : memref<!tpu.dma_semaphore, #tpu.memory_space<semaphore_mem>>)
      %dma_wait3A = arith.constant 0 : i32
      %dma_wait3A_26 = tpu.memref_slice %arg6[%add3A, %dma_wait3A] : memref<20480x128xf32, #tpu.memory_space<hbm>> -> memref<640x128xf32, #tpu.memory_space<hbm>>
      %dma_wait3A_27 = arith.constant 0 : i32
      %dma_wait3A_28 = tpu.memref_slice %arg7[%mul3A_16, %dma_wait3A_27] : memref<10240x128xf32, #tpu.memory_space<vmem_shared>> -> memref<640x128xf32, #tpu.memory_space<vmem_shared>>
      tpu.wait_dma2 semaphore(%run_scoped3A_21 : memref<!tpu.dma_semaphore, #tpu.memory_space<semaphore_mem>>) src(%dma_wait3A_28 : memref<640x128xf32, #tpu.memory_space<vmem_shared>>) dst(%dma_wait3A_26 : memref<640x128xf32, #tpu.memory_space<hbm>>)
      tpu.yield
    }) : () -> ()
    return
  }
}

#map = affine_map<(d0, d1) -> (0, 0, 0, 0)>
#map1 = affine_map<(d0, d1) -> (0, 0)>
module attributes {stable_mosaic.version = 14 : i64} {
  func.func @k(%arg0: i32, %arg1: i32, %arg2: memref<2x16x80x128xi32, #tpu.memory_space<hbm>>, %arg3: memref<640x128xf32, #tpu.memory_space<hbm>>, %arg4: memref<128x128xf32, #tpu.memory_space<hbm>>, %arg5: memref<20480x128xf32, #tpu.memory_space<hbm>>, %arg6: memref<10240x128xf32, #tpu.memory_space<vmem_shared>>, %arg7: memref<16x128xi32, #tpu.memory_space<vmem>>, %arg8: memref<128x128xf32, #tpu.memory_space<vmem>>) attributes {dimension_semantics = [#tpu.dimension_semantics<core_parallel>, #tpu.dimension_semantics<subcore_parallel>], iteration_bounds = array<i64: 2, 16>, scalar_prefetch = 0 : i64, scratch_operands = 3 : i64, tpu.core_type = #tpu.core_type<sc_vector_subcore>, window_params = [{transform_indices = #map}, {transform_indices = #map1}, {transform_indices = #map1}, {transform_indices = #map1}]} {
    "tpu.region"() ({
      %run_scoped3A = tpu.sem_alloc : memref<!tpu.dma_semaphore, #tpu.memory_space<semaphore_mem>>
      tpu.enqueue_dma source(%arg4 : memref<128x128xf32, #tpu.memory_space<hbm>>) target(%arg8 : memref<128x128xf32, #tpu.memory_space<vmem>>) target_semaphore(%run_scoped3A : memref<!tpu.dma_semaphore, #tpu.memory_space<semaphore_mem>>)
      tpu.wait_dma2 semaphore(%run_scoped3A : memref<!tpu.dma_semaphore, #tpu.memory_space<semaphore_mem>>) src(%arg4 : memref<128x128xf32, #tpu.memory_space<hbm>>) dst(%arg8 : memref<128x128xf32, #tpu.memory_space<vmem>>)
      tpu.yield
    }) : () -> ()
    %mul3A = arith.constant 640 : i32
    %mul3A_0 = arith.muli %arg1, %mul3A : i32
    "tpu.region"() ({
      %run_scoped3A = tpu.sem_alloc : memref<!tpu.dma_semaphore, #tpu.memory_space<semaphore_mem>>
      %dma_start3A = arith.constant 0 : i32
      %dma_start3A_13 = tpu.memref_slice %arg6[%mul3A_0, %dma_start3A] : memref<10240x128xf32, #tpu.memory_space<vmem_shared>> -> memref<640x128xf32, #tpu.memory_space<vmem_shared>>
      tpu.enqueue_dma source(%arg3 : memref<640x128xf32, #tpu.memory_space<hbm>>) target(%dma_start3A_13 : memref<640x128xf32, #tpu.memory_space<vmem_shared>>) target_semaphore(%run_scoped3A : memref<!tpu.dma_semaphore, #tpu.memory_space<semaphore_mem>>)
      %dma_wait3A = arith.constant 0 : i32
      %dma_wait3A_14 = tpu.memref_slice %arg6[%mul3A_0, %dma_wait3A] : memref<10240x128xf32, #tpu.memory_space<vmem_shared>> -> memref<640x128xf32, #tpu.memory_space<vmem_shared>>
      tpu.wait_dma2 semaphore(%run_scoped3A : memref<!tpu.dma_semaphore, #tpu.memory_space<semaphore_mem>>) src(%arg3 : memref<640x128xf32, #tpu.memory_space<hbm>>) dst(%dma_wait3A_14 : memref<640x128xf32, #tpu.memory_space<vmem_shared>>)
      tpu.yield
    }) : () -> ()
    %barrier3A = arith.constant 0 : index
    tpu.barrier barrier_id(%barrier3A)
    %scan3A = arith.constant 0 : i32
    %scan3A_1 = arith.constant 0 : i32
    %scan3A_2 = arith.constant 5 : i32
    %scan3A_3 = arith.addi %scan3A_1, %scan3A_2 : i32
    %scan3A_4 = arith.constant 1 : i32
    scf.for %scan3A_13 = %scan3A_1 to %scan3A_3 step %scan3A_4  : i32 {
      %mul3A_14 = arith.constant 16 : i32
      %mul3A_15 = arith.muli %scan3A_13, %mul3A_14 : i32
      "tpu.region"() ({
        %run_scoped3A = tpu.sem_alloc : memref<!tpu.dma_semaphore, #tpu.memory_space<semaphore_mem>>
        %dma_start3A = arith.constant 0 : i32
        %dma_start3A_22 = tpu.memref_slice %arg2[%arg0, %arg1, %mul3A_15, %dma_start3A] : memref<2x16x80x128xi32, #tpu.memory_space<hbm>> -> memref<1x1x16x128xi32, #tpu.memory_space<hbm>>
        %dma_start3A_23 = tpu.memref_squeeze %dma_start3A_22 : memref<1x1x16x128xi32, #tpu.memory_space<hbm>> -> memref<16x128xi32, #tpu.memory_space<hbm>>
        %dma_start3A_24 = arith.constant 0 : i32
        %dma_start3A_25 = tpu.memref_slice %arg2[%arg0, %arg1, %mul3A_15, %dma_start3A_24] : memref<2x16x80x128xi32, #tpu.memory_space<hbm>> -> memref<1x1x16x128xi32, #tpu.memory_space<hbm>>
        %dma_start3A_26 = tpu.memref_squeeze %dma_start3A_25 : memref<1x1x16x128xi32, #tpu.memory_space<hbm>> -> memref<16x128xi32, #tpu.memory_space<hbm>>
        tpu.enqueue_dma source(%dma_start3A_26 : memref<16x128xi32, #tpu.memory_space<hbm>>) target(%arg7 : memref<16x128xi32, #tpu.memory_space<vmem>>) target_semaphore(%run_scoped3A : memref<!tpu.dma_semaphore, #tpu.memory_space<semaphore_mem>>)
        %dma_wait3A = arith.constant 0 : i32
        %dma_wait3A_27 = tpu.memref_slice %arg2[%arg0, %arg1, %mul3A_15, %dma_wait3A] : memref<2x16x80x128xi32, #tpu.memory_space<hbm>> -> memref<1x1x16x128xi32, #tpu.memory_space<hbm>>
        %dma_wait3A_28 = tpu.memref_squeeze %dma_wait3A_27 : memref<1x1x16x128xi32, #tpu.memory_space<hbm>> -> memref<16x128xi32, #tpu.memory_space<hbm>>
        %dma_wait3A_29 = arith.constant 0 : i32
        %dma_wait3A_30 = tpu.memref_slice %arg2[%arg0, %arg1, %mul3A_15, %dma_wait3A_29] : memref<2x16x80x128xi32, #tpu.memory_space<hbm>> -> memref<1x1x16x128xi32, #tpu.memory_space<hbm>>
        %dma_wait3A_31 = tpu.memref_squeeze %dma_wait3A_30 : memref<1x1x16x128xi32, #tpu.memory_space<hbm>> -> memref<16x128xi32, #tpu.memory_space<hbm>>
        tpu.wait_dma2 semaphore(%run_scoped3A : memref<!tpu.dma_semaphore, #tpu.memory_space<semaphore_mem>>) src(%dma_wait3A_31 : memref<16x128xi32, #tpu.memory_space<hbm>>) dst(%arg7 : memref<16x128xi32, #tpu.memory_space<vmem>>)
        tpu.yield
      }) : () -> ()
      %scan3A_16 = arith.constant 0 : i32
      %scan3A_17 = arith.constant 0 : i32
      %scan3A_18 = arith.constant 16 : i32
      %scan3A_19 = arith.addi %scan3A_17, %scan3A_18 : i32
      %scan3A_20 = arith.constant 1 : i32
      scf.for %scan3A_22 = %scan3A_17 to %scan3A_19 step %scan3A_20  : i32 {
        "tpu.region"() ({
          %run_scoped3A = tpu.sem_alloc : memref<!tpu.dma_semaphore, #tpu.memory_space<semaphore_mem>>
          %dma_start3A = arith.constant 0 : i32
          %dma_start3A_23 = tpu.memref_slice %arg7[%scan3A_22, %dma_start3A] : memref<16x128xi32, #tpu.memory_space<vmem>> -> memref<1x128xi32, #tpu.memory_space<vmem>>
          %dma_start3A_24 = tpu.memref_squeeze %dma_start3A_23 : memref<1x128xi32, #tpu.memory_space<vmem>> -> memref<128xi32, #tpu.memory_space<vmem>>
          %dma_start3A_25 = arith.constant 0 : i32
          %dma_start3A_26 = arith.constant 0 : i32
          %dma_start3A_27 = tpu.memref_slice %arg6[%dma_start3A_25, %dma_start3A_26] : memref<10240x128xf32, #tpu.memory_space<vmem_shared>> -> memref<10240x128xf32, #tpu.memory_space<vmem_shared>>
          tpu.enqueue_indirect_dma source(%arg8 : memref<128x128xf32, #tpu.memory_space<vmem>>) target(%dma_start3A_27 : memref<10240x128xf32, #tpu.memory_space<vmem_shared>>) offsets(%dma_start3A_24 : memref<128xi32, #tpu.memory_space<vmem>>) semaphore(%run_scoped3A : memref<!tpu.dma_semaphore, #tpu.memory_space<semaphore_mem>>) {add = true}
          %dma_wait3A = arith.constant 0 : i32
          %dma_wait3A_28 = tpu.memref_slice %arg7[%scan3A_22, %dma_wait3A] : memref<16x128xi32, #tpu.memory_space<vmem>> -> memref<1x128xi32, #tpu.memory_space<vmem>>
          %dma_wait3A_29 = tpu.memref_squeeze %dma_wait3A_28 : memref<1x128xi32, #tpu.memory_space<vmem>> -> memref<128xi32, #tpu.memory_space<vmem>>
          %dma_wait3A_30 = arith.constant 0 : i32
          %dma_wait3A_31 = arith.constant 0 : i32
          %dma_wait3A_32 = tpu.memref_slice %arg6[%dma_wait3A_30, %dma_wait3A_31] : memref<10240x128xf32, #tpu.memory_space<vmem_shared>> -> memref<10240x128xf32, #tpu.memory_space<vmem_shared>>
          tpu.wait_indirect_dma semaphore(%run_scoped3A : memref<!tpu.dma_semaphore, #tpu.memory_space<semaphore_mem>>) src(%arg8 : memref<128x128xf32, #tpu.memory_space<vmem>>) dst(%dma_wait3A_32 : memref<10240x128xf32, #tpu.memory_space<vmem_shared>>)
          tpu.yield
        }) : () -> ()
      }
      %scan3A_21 = arith.constant 16 : i32
    }
    %scan3A_5 = arith.constant 5 : i32
    %barrier3A_6 = arith.constant 0 : index
    tpu.barrier barrier_id(%barrier3A_6)
    %mul3A_7 = arith.constant 640 : i32
    %mul3A_8 = arith.muli %arg1, %mul3A_7 : i32
    %mul3A_9 = arith.constant 10240 : i32
    %mul3A_10 = arith.muli %arg0, %mul3A_9 : i32
    %mul3A_11 = arith.constant 640 : i32
    %mul3A_12 = arith.muli %arg1, %mul3A_11 : i32
    %add3A = arith.addi %mul3A_10, %mul3A_12 : i32
    "tpu.region"() ({
      %run_scoped3A = tpu.sem_alloc : memref<!tpu.dma_semaphore, #tpu.memory_space<semaphore_mem>>
      %dma_start3A = arith.constant 0 : i32
      %dma_start3A_13 = tpu.memref_slice %arg5[%add3A, %dma_start3A] : memref<20480x128xf32, #tpu.memory_space<hbm>> -> memref<640x128xf32, #tpu.memory_space<hbm>>
      %dma_start3A_14 = arith.constant 0 : i32
      %dma_start3A_15 = tpu.memref_slice %arg6[%mul3A_8, %dma_start3A_14] : memref<10240x128xf32, #tpu.memory_space<vmem_shared>> -> memref<640x128xf32, #tpu.memory_space<vmem_shared>>
      tpu.enqueue_dma source(%dma_start3A_15 : memref<640x128xf32, #tpu.memory_space<vmem_shared>>) target(%dma_start3A_13 : memref<640x128xf32, #tpu.memory_space<hbm>>) target_semaphore(%run_scoped3A : memref<!tpu.dma_semaphore, #tpu.memory_space<semaphore_mem>>)
      %dma_wait3A = arith.constant 0 : i32
      %dma_wait3A_16 = tpu.memref_slice %arg5[%add3A, %dma_wait3A] : memref<20480x128xf32, #tpu.memory_space<hbm>> -> memref<640x128xf32, #tpu.memory_space<hbm>>
      %dma_wait3A_17 = arith.constant 0 : i32
      %dma_wait3A_18 = tpu.memref_slice %arg6[%mul3A_8, %dma_wait3A_17] : memref<10240x128xf32, #tpu.memory_space<vmem_shared>> -> memref<640x128xf32, #tpu.memory_space<vmem_shared>>
      tpu.wait_dma2 semaphore(%run_scoped3A : memref<!tpu.dma_semaphore, #tpu.memory_space<semaphore_mem>>) src(%dma_wait3A_18 : memref<640x128xf32, #tpu.memory_space<vmem_shared>>) dst(%dma_wait3A_16 : memref<640x128xf32, #tpu.memory_space<hbm>>)
      tpu.yield
    }) : () -> ()
    return
  }
}

#map = affine_map<(d0, d1) -> (0, 0)>
#map1 = affine_map<(d0, d1) -> (0, 0, 0, 0)>
module attributes {stable_mosaic.version = 14 : i64} {
  func.func @k(%arg0: i32, %arg1: i32, %arg2: memref<10000x128xf32, #tpu.memory_space<hbm>>, %arg3: memref<2x16x80x128xi32, #tpu.memory_space<hbm>>, %arg4: memref<2x16x80x128xi32, #tpu.memory_space<hbm>>, %arg5: memref<640x128xf32, #tpu.memory_space<hbm>>, %arg6: memref<20480x128xf32, #tpu.memory_space<hbm>>, %arg7: memref<10240x128xf32, #tpu.memory_space<vmem_shared>>, %arg8: memref<2x16x128xi32, #tpu.memory_space<vmem>>, %arg9: memref<2x16x128xi32, #tpu.memory_space<vmem>>, %arg10: memref<128x128xf32, #tpu.memory_space<vmem>>, %arg11: memref<128x128xf32, #tpu.memory_space<vmem>>, %arg12: memref<!tpu.dma_semaphore, #tpu.memory_space<semaphore_mem>>, %arg13: memref<!tpu.dma_semaphore, #tpu.memory_space<semaphore_mem>>) attributes {dimension_semantics = [#tpu.dimension_semantics<core_parallel>, #tpu.dimension_semantics<subcore_parallel>], iteration_bounds = array<i64: 2, 16>, scalar_prefetch = 0 : i64, scratch_operands = 7 : i64, tpu.core_type = #tpu.core_type<sc_vector_subcore>, window_params = [{transform_indices = #map}, {transform_indices = #map1}, {transform_indices = #map1}, {transform_indices = #map}, {transform_indices = #map}]} {
    %mul3A = arith.constant 640 : i32
    %mul3A_0 = arith.muli %arg1, %mul3A : i32
    "tpu.region"() ({
      %run_scoped3A_21 = tpu.sem_alloc : memref<!tpu.dma_semaphore, #tpu.memory_space<semaphore_mem>>
      %dma_start3A_22 = arith.constant 0 : i32
      %dma_start3A_23 = tpu.memref_slice %arg7[%mul3A_0, %dma_start3A_22] : memref<10240x128xf32, #tpu.memory_space<vmem_shared>> -> memref<640x128xf32, #tpu.memory_space<vmem_shared>>
      tpu.enqueue_dma source(%arg5 : memref<640x128xf32, #tpu.memory_space<hbm>>) target(%dma_start3A_23 : memref<640x128xf32, #tpu.memory_space<vmem_shared>>) target_semaphore(%run_scoped3A_21 : memref<!tpu.dma_semaphore, #tpu.memory_space<semaphore_mem>>)
      %dma_wait3A = arith.constant 0 : i32
      %dma_wait3A_24 = tpu.memref_slice %arg7[%mul3A_0, %dma_wait3A] : memref<10240x128xf32, #tpu.memory_space<vmem_shared>> -> memref<640x128xf32, #tpu.memory_space<vmem_shared>>
      tpu.wait_dma2 semaphore(%run_scoped3A_21 : memref<!tpu.dma_semaphore, #tpu.memory_space<semaphore_mem>>) src(%arg5 : memref<640x128xf32, #tpu.memory_space<hbm>>) dst(%dma_wait3A_24 : memref<640x128xf32, #tpu.memory_space<vmem_shared>>)
      tpu.yield
    }) : () -> ()
    %barrier3A = arith.constant 0 : index
    tpu.barrier barrier_id(%barrier3A)
    %run_scoped3A = arith.constant 0 : i32
    "tpu.region"() ({
      %run_scoped3A_21 = tpu.sem_alloc : memref<!tpu.dma_semaphore, #tpu.memory_space<semaphore_mem>>
      %dma_start3A_22 = arith.constant 0 : i32
      %dma_start3A_23 = arith.constant 0 : i32
      %dma_start3A_24 = tpu.memref_slice %arg8[%run_scoped3A, %dma_start3A_22, %dma_start3A_23] : memref<2x16x128xi32, #tpu.memory_space<vmem>> -> memref<1x16x128xi32, #tpu.memory_space<vmem>>
      %dma_start3A_25 = tpu.memref_squeeze %dma_start3A_24 : memref<1x16x128xi32, #tpu.memory_space<vmem>> -> memref<16x128xi32, #tpu.memory_space<vmem>>
      %dma_start3A_26 = arith.constant 0 : i32
      %dma_start3A_27 = arith.constant 0 : i32
      %dma_start3A_28 = tpu.memref_slice %arg3[%arg0, %arg1, %dma_start3A_26, %dma_start3A_27] : memref<2x16x80x128xi32, #tpu.memory_space<hbm>> -> memref<1x1x16x128xi32, #tpu.memory_space<hbm>>
      %dma_start3A_29 = tpu.memref_squeeze %dma_start3A_28 : memref<1x1x16x128xi32, #tpu.memory_space<hbm>> -> memref<16x128xi32, #tpu.memory_space<hbm>>
      %dma_start3A_30 = arith.constant 0 : i32
      %dma_start3A_31 = arith.constant 0 : i32
      %dma_start3A_32 = tpu.memref_slice %arg8[%run_scoped3A, %dma_start3A_30, %dma_start3A_31] : memref<2x16x128xi32, #tpu.memory_space<vmem>> -> memref<1x16x128xi32, #tpu.memory_space<vmem>>
      %dma_start3A_33 = tpu.memref_squeeze %dma_start3A_32 : memref<1x16x128xi32, #tpu.memory_space<vmem>> -> memref<16x128xi32, #tpu.memory_space<vmem>>
      %dma_start3A_34 = arith.constant 0 : i32
      %dma_start3A_35 = arith.constant 0 : i32
      %dma_start3A_36 = tpu.memref_slice %arg3[%arg0, %arg1, %dma_start3A_34, %dma_start3A_35] : memref<2x16x80x128xi32, #tpu.memory_space<hbm>> -> memref<1x1x16x128xi32, #tpu.memory_space<hbm>>
      %dma_start3A_37 = tpu.memref_squeeze %dma_start3A_36 : memref<1x1x16x128xi32, #tpu.memory_space<hbm>> -> memref<16x128xi32, #tpu.memory_space<hbm>>
      tpu.enqueue_dma source(%dma_start3A_37 : memref<16x128xi32, #tpu.memory_space<hbm>>) target(%dma_start3A_33 : memref<16x128xi32, #tpu.memory_space<vmem>>) target_semaphore(%run_scoped3A_21 : memref<!tpu.dma_semaphore, #tpu.memory_space<semaphore_mem>>)
      %dma_wait3A = arith.constant 0 : i32
      %dma_wait3A_38 = arith.constant 0 : i32
      %dma_wait3A_39 = tpu.memref_slice %arg8[%run_scoped3A, %dma_wait3A, %dma_wait3A_38] : memref<2x16x128xi32, #tpu.memory_space<vmem>> -> memref<1x16x128xi32, #tpu.memory_space<vmem>>
      %dma_wait3A_40 = tpu.memref_squeeze %dma_wait3A_39 : memref<1x16x128xi32, #tpu.memory_space<vmem>> -> memref<16x128xi32, #tpu.memory_space<vmem>>
      %dma_wait3A_41 = arith.constant 0 : i32
      %dma_wait3A_42 = arith.constant 0 : i32
      %dma_wait3A_43 = tpu.memref_slice %arg3[%arg0, %arg1, %dma_wait3A_41, %dma_wait3A_42] : memref<2x16x80x128xi32, #tpu.memory_space<hbm>> -> memref<1x1x16x128xi32, #tpu.memory_space<hbm>>
      %dma_wait3A_44 = tpu.memref_squeeze %dma_wait3A_43 : memref<1x1x16x128xi32, #tpu.memory_space<hbm>> -> memref<16x128xi32, #tpu.memory_space<hbm>>
      %dma_wait3A_45 = arith.constant 0 : i32
      %dma_wait3A_46 = arith.constant 0 : i32
      %dma_wait3A_47 = tpu.memref_slice %arg8[%run_scoped3A, %dma_wait3A_45, %dma_wait3A_46] : memref<2x16x128xi32, #tpu.memory_space<vmem>> -> memref<1x16x128xi32, #tpu.memory_space<vmem>>
      %dma_wait3A_48 = tpu.memref_squeeze %dma_wait3A_47 : memref<1x16x128xi32, #tpu.memory_space<vmem>> -> memref<16x128xi32, #tpu.memory_space<vmem>>
      %dma_wait3A_49 = arith.constant 0 : i32
      %dma_wait3A_50 = arith.constant 0 : i32
      %dma_wait3A_51 = tpu.memref_slice %arg3[%arg0, %arg1, %dma_wait3A_49, %dma_wait3A_50] : memref<2x16x80x128xi32, #tpu.memory_space<hbm>> -> memref<1x1x16x128xi32, #tpu.memory_space<hbm>>
      %dma_wait3A_52 = tpu.memref_squeeze %dma_wait3A_51 : memref<1x1x16x128xi32, #tpu.memory_space<hbm>> -> memref<16x128xi32, #tpu.memory_space<hbm>>
      tpu.wait_dma2 semaphore(%run_scoped3A_21 : memref<!tpu.dma_semaphore, #tpu.memory_space<semaphore_mem>>) src(%dma_wait3A_52 : memref<16x128xi32, #tpu.memory_space<hbm>>) dst(%dma_wait3A_48 : memref<16x128xi32, #tpu.memory_space<vmem>>)
      tpu.yield
    }) : () -> ()
    %run_scoped3A_1 = arith.constant 0 : i32
    "tpu.region"() ({
      %run_scoped3A_21 = tpu.sem_alloc : memref<!tpu.dma_semaphore, #tpu.memory_space<semaphore_mem>>
      %dma_start3A_22 = arith.constant 0 : i32
      %dma_start3A_23 = arith.constant 0 : i32
      %dma_start3A_24 = tpu.memref_slice %arg9[%run_scoped3A_1, %dma_start3A_22, %dma_start3A_23] : memref<2x16x128xi32, #tpu.memory_space<vmem>> -> memref<1x16x128xi32, #tpu.memory_space<vmem>>
      %dma_start3A_25 = tpu.memref_squeeze %dma_start3A_24 : memref<1x16x128xi32, #tpu.memory_space<vmem>> -> memref<16x128xi32, #tpu.memory_space<vmem>>
      %dma_start3A_26 = arith.constant 0 : i32
      %dma_start3A_27 = arith.constant 0 : i32
      %dma_start3A_28 = tpu.memref_slice %arg4[%arg0, %arg1, %dma_start3A_26, %dma_start3A_27] : memref<2x16x80x128xi32, #tpu.memory_space<hbm>> -> memref<1x1x16x128xi32, #tpu.memory_space<hbm>>
      %dma_start3A_29 = tpu.memref_squeeze %dma_start3A_28 : memref<1x1x16x128xi32, #tpu.memory_space<hbm>> -> memref<16x128xi32, #tpu.memory_space<hbm>>
      %dma_start3A_30 = arith.constant 0 : i32
      %dma_start3A_31 = arith.constant 0 : i32
      %dma_start3A_32 = tpu.memref_slice %arg9[%run_scoped3A_1, %dma_start3A_30, %dma_start3A_31] : memref<2x16x128xi32, #tpu.memory_space<vmem>> -> memref<1x16x128xi32, #tpu.memory_space<vmem>>
      %dma_start3A_33 = tpu.memref_squeeze %dma_start3A_32 : memref<1x16x128xi32, #tpu.memory_space<vmem>> -> memref<16x128xi32, #tpu.memory_space<vmem>>
      %dma_start3A_34 = arith.constant 0 : i32
      %dma_start3A_35 = arith.constant 0 : i32
      %dma_start3A_36 = tpu.memref_slice %arg4[%arg0, %arg1, %dma_start3A_34, %dma_start3A_35] : memref<2x16x80x128xi32, #tpu.memory_space<hbm>> -> memref<1x1x16x128xi32, #tpu.memory_space<hbm>>
      %dma_start3A_37 = tpu.memref_squeeze %dma_start3A_36 : memref<1x1x16x128xi32, #tpu.memory_space<hbm>> -> memref<16x128xi32, #tpu.memory_space<hbm>>
      tpu.enqueue_dma source(%dma_start3A_37 : memref<16x128xi32, #tpu.memory_space<hbm>>) target(%dma_start3A_33 : memref<16x128xi32, #tpu.memory_space<vmem>>) target_semaphore(%run_scoped3A_21 : memref<!tpu.dma_semaphore, #tpu.memory_space<semaphore_mem>>)
      %dma_wait3A = arith.constant 0 : i32
      %dma_wait3A_38 = arith.constant 0 : i32
      %dma_wait3A_39 = tpu.memref_slice %arg9[%run_scoped3A_1, %dma_wait3A, %dma_wait3A_38] : memref<2x16x128xi32, #tpu.memory_space<vmem>> -> memref<1x16x128xi32, #tpu.memory_space<vmem>>
      %dma_wait3A_40 = tpu.memref_squeeze %dma_wait3A_39 : memref<1x16x128xi32, #tpu.memory_space<vmem>> -> memref<16x128xi32, #tpu.memory_space<vmem>>
      %dma_wait3A_41 = arith.constant 0 : i32
      %dma_wait3A_42 = arith.constant 0 : i32
      %dma_wait3A_43 = tpu.memref_slice %arg4[%arg0, %arg1, %dma_wait3A_41, %dma_wait3A_42] : memref<2x16x80x128xi32, #tpu.memory_space<hbm>> -> memref<1x1x16x128xi32, #tpu.memory_space<hbm>>
      %dma_wait3A_44 = tpu.memref_squeeze %dma_wait3A_43 : memref<1x1x16x128xi32, #tpu.memory_space<hbm>> -> memref<16x128xi32, #tpu.memory_space<hbm>>
      %dma_wait3A_45 = arith.constant 0 : i32
      %dma_wait3A_46 = arith.constant 0 : i32
      %dma_wait3A_47 = tpu.memref_slice %arg9[%run_scoped3A_1, %dma_wait3A_45, %dma_wait3A_46] : memref<2x16x128xi32, #tpu.memory_space<vmem>> -> memref<1x16x128xi32, #tpu.memory_space<vmem>>
      %dma_wait3A_48 = tpu.memref_squeeze %dma_wait3A_47 : memref<1x16x128xi32, #tpu.memory_space<vmem>> -> memref<16x128xi32, #tpu.memory_space<vmem>>
      %dma_wait3A_49 = arith.constant 0 : i32
      %dma_wait3A_50 = arith.constant 0 : i32
      %dma_wait3A_51 = tpu.memref_slice %arg4[%arg0, %arg1, %dma_wait3A_49, %dma_wait3A_50] : memref<2x16x80x128xi32, #tpu.memory_space<hbm>> -> memref<1x1x16x128xi32, #tpu.memory_space<hbm>>
      %dma_wait3A_52 = tpu.memref_squeeze %dma_wait3A_51 : memref<1x1x16x128xi32, #tpu.memory_space<hbm>> -> memref<16x128xi32, #tpu.memory_space<hbm>>
      tpu.wait_dma2 semaphore(%run_scoped3A_21 : memref<!tpu.dma_semaphore, #tpu.memory_space<semaphore_mem>>) src(%dma_wait3A_52 : memref<16x128xi32, #tpu.memory_space<hbm>>) dst(%dma_wait3A_48 : memref<16x128xi32, #tpu.memory_space<vmem>>)
      tpu.yield
    }) : () -> ()
    %dma_start3A = arith.constant 0 : i32
    %dma_start3A_2 = arith.constant 0 : i32
    %dma_start3A_3 = arith.constant 0 : i32
    %dma_start3A_4 = tpu.memref_slice %arg8[%dma_start3A, %dma_start3A_2, %dma_start3A_3] : memref<2x16x128xi32, #tpu.memory_space<vmem>> -> memref<1x1x128xi32, #tpu.memory_space<vmem>>
    %dma_start3A_5 = tpu.memref_squeeze %dma_start3A_4 : memref<1x1x128xi32, #tpu.memory_space<vmem>> -> memref<128xi32, #tpu.memory_space<vmem>>
    %dma_start3A_6 = arith.constant 0 : i32
    %dma_start3A_7 = arith.constant 0 : i32
    %dma_start3A_8 = tpu.memref_slice %arg2[%dma_start3A_6, %dma_start3A_7] : memref<10000x128xf32, #tpu.memory_space<hbm>> -> memref<10000x128xf32, #tpu.memory_space<hbm>>
    tpu.enqueue_indirect_dma source(%dma_start3A_8 : memref<10000x128xf32, #tpu.memory_space<hbm>>) target(%arg10 : memref<128x128xf32, #tpu.memory_space<vmem>>) offsets(%dma_start3A_5 : memref<128xi32, #tpu.memory_space<vmem>>) semaphore(%arg12 : memref<!tpu.dma_semaphore, #tpu.memory_space<semaphore_mem>>)
    %scan3A = arith.constant 0 : i32
    %scan3A_9 = arith.constant 0 : i32
    %scan3A_10 = arith.constant 5 : i32
    %scan3A_11 = arith.addi %scan3A_9, %scan3A_10 : i32
    %scan3A_12 = arith.constant 1 : i32
    scf.for %scan3A_21 = %scan3A_9 to %scan3A_11 step %scan3A_12  : i32 {
      %jit3A = arith.constant 2 : i32
      %eq3A = arith.constant 0 : i32
      %eq3A_22 = arith.cmpi eq, %jit3A, %eq3A : i32
      %jit3A_23 = arith.constant 1 : i32
      %select_n3A = arith.select %eq3A_22, %jit3A_23, %jit3A : i32
      %rem3A = arith.remsi %scan3A_21, %select_n3A : i32
      %ne3A = arith.constant 0 : i32
      %ne3A_24 = arith.cmpi ne, %rem3A, %ne3A : i32
      %lt3A = arith.constant 0 : i32
      %lt3A_25 = arith.cmpi slt, %rem3A, %lt3A : i32
      %lt3A_26 = arith.constant 0 : i32
      %lt3A_27 = arith.cmpi slt, %select_n3A, %lt3A_26 : i32
      %ne3A_28 = arith.xori %lt3A_25, %lt3A_27 : i1
      %and3A = arith.andi %ne3A_28, %ne3A_24 : i1
      %add3A_29 = arith.addi %rem3A, %select_n3A : i32
      %select_n3A_30 = arith.select %and3A, %add3A_29, %rem3A : i32
      %add3A_31 = arith.constant 1 : i32
      %add3A_32 = arith.addi %scan3A_21, %add3A_31 : i32
      %lt3A_33 = arith.constant 5 : i32
      %lt3A_34 = arith.cmpi slt, %add3A_32, %lt3A_33 : i32
      %convert_element_type3A = arith.extui %lt3A_34 : i1 to i32
      %cond3A = arith.constant 0 : i32
      %cond3A_35 = arith.cmpi ne, %convert_element_type3A, %cond3A : i32
      scf.if %cond3A_35 {
        %add3A_42 = arith.constant 1 : i32
        %add3A_43 = arith.addi %scan3A_21, %add3A_42 : i32
        %jit3A_44 = arith.constant 2 : i32
        %eq3A_45 = arith.constant 0 : i32
        %eq3A_46 = arith.cmpi eq, %jit3A_44, %eq3A_45 : i32
        %jit3A_47 = arith.constant 1 : i32
        %select_n3A_48 = arith.select %eq3A_46, %jit3A_47, %jit3A_44 : i32
        %rem3A_49 = arith.remsi %add3A_43, %select_n3A_48 : i32
        %ne3A_50 = arith.constant 0 : i32
        %ne3A_51 = arith.cmpi ne, %rem3A_49, %ne3A_50 : i32
        %lt3A_52 = arith.constant 0 : i32
        %lt3A_53 = arith.cmpi slt, %rem3A_49, %lt3A_52 : i32
        %lt3A_54 = arith.constant 0 : i32
        %lt3A_55 = arith.cmpi slt, %select_n3A_48, %lt3A_54 : i32
        %ne3A_56 = arith.xori %lt3A_53, %lt3A_55 : i1
        %and3A_57 = arith.andi %ne3A_56, %ne3A_51 : i1
        %add3A_58 = arith.addi %rem3A_49, %select_n3A_48 : i32
        %select_n3A_59 = arith.select %and3A_57, %add3A_58, %rem3A_49 : i32
        %add3A_60 = arith.constant 1 : i32
        %add3A_61 = arith.addi %scan3A_21, %add3A_60 : i32
        %mul3A_62 = arith.constant 16 : i32
        %mul3A_63 = arith.muli %add3A_61, %mul3A_62 : i32
        "tpu.region"() ({
          %run_scoped3A_68 = tpu.sem_alloc : memref<!tpu.dma_semaphore, #tpu.memory_space<semaphore_mem>>
          %dma_start3A_69 = arith.constant 0 : i32
          %dma_start3A_70 = arith.constant 0 : i32
          %dma_start3A_71 = tpu.memref_slice %arg8[%select_n3A_59, %dma_start3A_69, %dma_start3A_70] : memref<2x16x128xi32, #tpu.memory_space<vmem>> -> memref<1x16x128xi32, #tpu.memory_space<vmem>>
          %dma_start3A_72 = tpu.memref_squeeze %dma_start3A_71 : memref<1x16x128xi32, #tpu.memory_space<vmem>> -> memref<16x128xi32, #tpu.memory_space<vmem>>
          %dma_start3A_73 = arith.constant 0 : i32
          %dma_start3A_74 = tpu.memref_slice %arg3[%arg0, %arg1, %mul3A_63, %dma_start3A_73] : memref<2x16x80x128xi32, #tpu.memory_space<hbm>> -> memref<1x1x16x128xi32, #tpu.memory_space<hbm>>
          %dma_start3A_75 = tpu.memref_squeeze %dma_start3A_74 : memref<1x1x16x128xi32, #tpu.memory_space<hbm>> -> memref<16x128xi32, #tpu.memory_space<hbm>>
          %dma_start3A_76 = arith.constant 0 : i32
          %dma_start3A_77 = arith.constant 0 : i32
          %dma_start3A_78 = tpu.memref_slice %arg8[%select_n3A_59, %dma_start3A_76, %dma_start3A_77] : memref<2x16x128xi32, #tpu.memory_space<vmem>> -> memref<1x16x128xi32, #tpu.memory_space<vmem>>
          %dma_start3A_79 = tpu.memref_squeeze %dma_start3A_78 : memref<1x16x128xi32, #tpu.memory_space<vmem>> -> memref<16x128xi32, #tpu.memory_space<vmem>>
          %dma_start3A_80 = arith.constant 0 : i32
          %dma_start3A_81 = tpu.memref_slice %arg3[%arg0, %arg1, %mul3A_63, %dma_start3A_80] : memref<2x16x80x128xi32, #tpu.memory_space<hbm>> -> memref<1x1x16x128xi32, #tpu.memory_space<hbm>>
          %dma_start3A_82 = tpu.memref_squeeze %dma_start3A_81 : memref<1x1x16x128xi32, #tpu.memory_space<hbm>> -> memref<16x128xi32, #tpu.memory_space<hbm>>
          tpu.enqueue_dma source(%dma_start3A_82 : memref<16x128xi32, #tpu.memory_space<hbm>>) target(%dma_start3A_79 : memref<16x128xi32, #tpu.memory_space<vmem>>) target_semaphore(%run_scoped3A_68 : memref<!tpu.dma_semaphore, #tpu.memory_space<semaphore_mem>>)
          %dma_wait3A = arith.constant 0 : i32
          %dma_wait3A_83 = arith.constant 0 : i32
          %dma_wait3A_84 = tpu.memref_slice %arg8[%select_n3A_59, %dma_wait3A, %dma_wait3A_83] : memref<2x16x128xi32, #tpu.memory_space<vmem>> -> memref<1x16x128xi32, #tpu.memory_space<vmem>>
          %dma_wait3A_85 = tpu.memref_squeeze %dma_wait3A_84 : memref<1x16x128xi32, #tpu.memory_space<vmem>> -> memref<16x128xi32, #tpu.memory_space<vmem>>
          %dma_wait3A_86 = arith.constant 0 : i32
          %dma_wait3A_87 = tpu.memref_slice %arg3[%arg0, %arg1, %mul3A_63, %dma_wait3A_86] : memref<2x16x80x128xi32, #tpu.memory_space<hbm>> -> memref<1x1x16x128xi32, #tpu.memory_space<hbm>>
          %dma_wait3A_88 = tpu.memref_squeeze %dma_wait3A_87 : memref<1x1x16x128xi32, #tpu.memory_space<hbm>> -> memref<16x128xi32, #tpu.memory_space<hbm>>
          %dma_wait3A_89 = arith.constant 0 : i32
          %dma_wait3A_90 = arith.constant 0 : i32
          %dma_wait3A_91 = tpu.memref_slice %arg8[%select_n3A_59, %dma_wait3A_89, %dma_wait3A_90] : memref<2x16x128xi32, #tpu.memory_space<vmem>> -> memref<1x16x128xi32, #tpu.memory_space<vmem>>
          %dma_wait3A_92 = tpu.memref_squeeze %dma_wait3A_91 : memref<1x16x128xi32, #tpu.memory_space<vmem>> -> memref<16x128xi32, #tpu.memory_space<vmem>>
          %dma_wait3A_93 = arith.constant 0 : i32
          %dma_wait3A_94 = tpu.memref_slice %arg3[%arg0, %arg1, %mul3A_63, %dma_wait3A_93] : memref<2x16x80x128xi32, #tpu.memory_space<hbm>> -> memref<1x1x16x128xi32, #tpu.memory_space<hbm>>
          %dma_wait3A_95 = tpu.memref_squeeze %dma_wait3A_94 : memref<1x1x16x128xi32, #tpu.memory_space<hbm>> -> memref<16x128xi32, #tpu.memory_space<hbm>>
          tpu.wait_dma2 semaphore(%run_scoped3A_68 : memref<!tpu.dma_semaphore, #tpu.memory_space<semaphore_mem>>) src(%dma_wait3A_95 : memref<16x128xi32, #tpu.memory_space<hbm>>) dst(%dma_wait3A_92 : memref<16x128xi32, #tpu.memory_space<vmem>>)
          tpu.yield
        }) : () -> ()
        %add3A_64 = arith.constant 1 : i32
        %add3A_65 = arith.addi %scan3A_21, %add3A_64 : i32
        %mul3A_66 = arith.constant 16 : i32
        %mul3A_67 = arith.muli %add3A_65, %mul3A_66 : i32
        "tpu.region"() ({
          %run_scoped3A_68 = tpu.sem_alloc : memref<!tpu.dma_semaphore, #tpu.memory_space<semaphore_mem>>
          %dma_start3A_69 = arith.constant 0 : i32
          %dma_start3A_70 = arith.constant 0 : i32
          %dma_start3A_71 = tpu.memref_slice %arg9[%select_n3A_59, %dma_start3A_69, %dma_start3A_70] : memref<2x16x128xi32, #tpu.memory_space<vmem>> -> memref<1x16x128xi32, #tpu.memory_space<vmem>>
          %dma_start3A_72 = tpu.memref_squeeze %dma_start3A_71 : memref<1x16x128xi32, #tpu.memory_space<vmem>> -> memref<16x128xi32, #tpu.memory_space<vmem>>
          %dma_start3A_73 = arith.constant 0 : i32
          %dma_start3A_74 = tpu.memref_slice %arg4[%arg0, %arg1, %mul3A_67, %dma_start3A_73] : memref<2x16x80x128xi32, #tpu.memory_space<hbm>> -> memref<1x1x16x128xi32, #tpu.memory_space<hbm>>
          %dma_start3A_75 = tpu.memref_squeeze %dma_start3A_74 : memref<1x1x16x128xi32, #tpu.memory_space<hbm>> -> memref<16x128xi32, #tpu.memory_space<hbm>>
          %dma_start3A_76 = arith.constant 0 : i32
          %dma_start3A_77 = arith.constant 0 : i32
          %dma_start3A_78 = tpu.memref_slice %arg9[%select_n3A_59, %dma_start3A_76, %dma_start3A_77] : memref<2x16x128xi32, #tpu.memory_space<vmem>> -> memref<1x16x128xi32, #tpu.memory_space<vmem>>
          %dma_start3A_79 = tpu.memref_squeeze %dma_start3A_78 : memref<1x16x128xi32, #tpu.memory_space<vmem>> -> memref<16x128xi32, #tpu.memory_space<vmem>>
          %dma_start3A_80 = arith.constant 0 : i32
          %dma_start3A_81 = tpu.memref_slice %arg4[%arg0, %arg1, %mul3A_67, %dma_start3A_80] : memref<2x16x80x128xi32, #tpu.memory_space<hbm>> -> memref<1x1x16x128xi32, #tpu.memory_space<hbm>>
          %dma_start3A_82 = tpu.memref_squeeze %dma_start3A_81 : memref<1x1x16x128xi32, #tpu.memory_space<hbm>> -> memref<16x128xi32, #tpu.memory_space<hbm>>
          tpu.enqueue_dma source(%dma_start3A_82 : memref<16x128xi32, #tpu.memory_space<hbm>>) target(%dma_start3A_79 : memref<16x128xi32, #tpu.memory_space<vmem>>) target_semaphore(%run_scoped3A_68 : memref<!tpu.dma_semaphore, #tpu.memory_space<semaphore_mem>>)
          %dma_wait3A = arith.constant 0 : i32
          %dma_wait3A_83 = arith.constant 0 : i32
          %dma_wait3A_84 = tpu.memref_slice %arg9[%select_n3A_59, %dma_wait3A, %dma_wait3A_83] : memref<2x16x128xi32, #tpu.memory_space<vmem>> -> memref<1x16x128xi32, #tpu.memory_space<vmem>>
          %dma_wait3A_85 = tpu.memref_squeeze %dma_wait3A_84 : memref<1x16x128xi32, #tpu.memory_space<vmem>> -> memref<16x128xi32, #tpu.memory_space<vmem>>
          %dma_wait3A_86 = arith.constant 0 : i32
          %dma_wait3A_87 = tpu.memref_slice %arg4[%arg0, %arg1, %mul3A_67, %dma_wait3A_86] : memref<2x16x80x128xi32, #tpu.memory_space<hbm>> -> memref<1x1x16x128xi32, #tpu.memory_space<hbm>>
          %dma_wait3A_88 = tpu.memref_squeeze %dma_wait3A_87 : memref<1x1x16x128xi32, #tpu.memory_space<hbm>> -> memref<16x128xi32, #tpu.memory_space<hbm>>
          %dma_wait3A_89 = arith.constant 0 : i32
          %dma_wait3A_90 = arith.constant 0 : i32
          %dma_wait3A_91 = tpu.memref_slice %arg9[%select_n3A_59, %dma_wait3A_89, %dma_wait3A_90] : memref<2x16x128xi32, #tpu.memory_space<vmem>> -> memref<1x16x128xi32, #tpu.memory_space<vmem>>
          %dma_wait3A_92 = tpu.memref_squeeze %dma_wait3A_91 : memref<1x16x128xi32, #tpu.memory_space<vmem>> -> memref<16x128xi32, #tpu.memory_space<vmem>>
          %dma_wait3A_93 = arith.constant 0 : i32
          %dma_wait3A_94 = tpu.memref_slice %arg4[%arg0, %arg1, %mul3A_67, %dma_wait3A_93] : memref<2x16x80x128xi32, #tpu.memory_space<hbm>> -> memref<1x1x16x128xi32, #tpu.memory_space<hbm>>
          %dma_wait3A_95 = tpu.memref_squeeze %dma_wait3A_94 : memref<1x1x16x128xi32, #tpu.memory_space<hbm>> -> memref<16x128xi32, #tpu.memory_space<hbm>>
          tpu.wait_dma2 semaphore(%run_scoped3A_68 : memref<!tpu.dma_semaphore, #tpu.memory_space<semaphore_mem>>) src(%dma_wait3A_95 : memref<16x128xi32, #tpu.memory_space<hbm>>) dst(%dma_wait3A_92 : memref<16x128xi32, #tpu.memory_space<vmem>>)
          tpu.yield
        }) : () -> ()
      } else {
      }
      %scan3A_36 = arith.constant 0 : i32
      %scan3A_37 = arith.constant 0 : i32
      %scan3A_38 = arith.constant 8 : i32
      %scan3A_39 = arith.addi %scan3A_37, %scan3A_38 : i32
      %scan3A_40 = arith.constant 1 : i32
      scf.for %scan3A_42 = %scan3A_37 to %scan3A_39 step %scan3A_40  : i32 {
        %mul3A_43 = arith.constant 2 : i32
        %mul3A_44 = arith.muli %scan3A_42, %mul3A_43 : i32
        %dma_wait3A = arith.constant 0 : i32
        %dma_wait3A_45 = tpu.memref_slice %arg8[%select_n3A_30, %mul3A_44, %dma_wait3A] : memref<2x16x128xi32, #tpu.memory_space<vmem>> -> memref<1x1x128xi32, #tpu.memory_space<vmem>>
        %dma_wait3A_46 = tpu.memref_squeeze %dma_wait3A_45 : memref<1x1x128xi32, #tpu.memory_space<vmem>> -> memref<128xi32, #tpu.memory_space<vmem>>
        %dma_wait3A_47 = arith.constant 0 : i32
        %dma_wait3A_48 = arith.constant 0 : i32
        %dma_wait3A_49 = tpu.memref_slice %arg2[%dma_wait3A_47, %dma_wait3A_48] : memref<10000x128xf32, #tpu.memory_space<hbm>> -> memref<10000x128xf32, #tpu.memory_space<hbm>>
        tpu.wait_indirect_dma semaphore(%arg12 : memref<!tpu.dma_semaphore, #tpu.memory_space<semaphore_mem>>) src(%dma_wait3A_49 : memref<10000x128xf32, #tpu.memory_space<hbm>>) dst(%arg10 : memref<128x128xf32, #tpu.memory_space<vmem>>)
        %add3A_50 = arith.constant 1 : i32
        %add3A_51 = arith.addi %mul3A_44, %add3A_50 : i32
        %dma_start3A_52 = arith.constant 0 : i32
        %dma_start3A_53 = tpu.memref_slice %arg8[%select_n3A_30, %add3A_51, %dma_start3A_52] : memref<2x16x128xi32, #tpu.memory_space<vmem>> -> memref<1x1x128xi32, #tpu.memory_space<vmem>>
        %dma_start3A_54 = tpu.memref_squeeze %dma_start3A_53 : memref<1x1x128xi32, #tpu.memory_space<vmem>> -> memref<128xi32, #tpu.memory_space<vmem>>
        %dma_start3A_55 = arith.constant 0 : i32
        %dma_start3A_56 = arith.constant 0 : i32
        %dma_start3A_57 = tpu.memref_slice %arg2[%dma_start3A_55, %dma_start3A_56] : memref<10000x128xf32, #tpu.memory_space<hbm>> -> memref<10000x128xf32, #tpu.memory_space<hbm>>
        tpu.enqueue_indirect_dma source(%dma_start3A_57 : memref<10000x128xf32, #tpu.memory_space<hbm>>) target(%arg11 : memref<128x128xf32, #tpu.memory_space<vmem>>) offsets(%dma_start3A_54 : memref<128xi32, #tpu.memory_space<vmem>>) semaphore(%arg13 : memref<!tpu.dma_semaphore, #tpu.memory_space<semaphore_mem>>)
        "tpu.region"() ({
          %run_scoped3A_79 = tpu.sem_alloc : memref<!tpu.dma_semaphore, #tpu.memory_space<semaphore_mem>>
          %dma_start3A_80 = arith.constant 0 : i32
          %dma_start3A_81 = tpu.memref_slice %arg9[%select_n3A_30, %mul3A_44, %dma_start3A_80] : memref<2x16x128xi32, #tpu.memory_space<vmem>> -> memref<1x1x128xi32, #tpu.memory_space<vmem>>
          %dma_start3A_82 = tpu.memref_squeeze %dma_start3A_81 : memref<1x1x128xi32, #tpu.memory_space<vmem>> -> memref<128xi32, #tpu.memory_space<vmem>>
          %dma_start3A_83 = arith.constant 0 : i32
          %dma_start3A_84 = arith.constant 0 : i32
          %dma_start3A_85 = tpu.memref_slice %arg7[%dma_start3A_83, %dma_start3A_84] : memref<10240x128xf32, #tpu.memory_space<vmem_shared>> -> memref<10240x128xf32, #tpu.memory_space<vmem_shared>>
          tpu.enqueue_indirect_dma source(%arg10 : memref<128x128xf32, #tpu.memory_space<vmem>>) target(%dma_start3A_85 : memref<10240x128xf32, #tpu.memory_space<vmem_shared>>) offsets(%dma_start3A_82 : memref<128xi32, #tpu.memory_space<vmem>>) semaphore(%run_scoped3A_79 : memref<!tpu.dma_semaphore, #tpu.memory_space<semaphore_mem>>) {add = true}
          %dma_wait3A_86 = arith.constant 0 : i32
          %dma_wait3A_87 = tpu.memref_slice %arg9[%select_n3A_30, %mul3A_44, %dma_wait3A_86] : memref<2x16x128xi32, #tpu.memory_space<vmem>> -> memref<1x1x128xi32, #tpu.memory_space<vmem>>
          %dma_wait3A_88 = tpu.memref_squeeze %dma_wait3A_87 : memref<1x1x128xi32, #tpu.memory_space<vmem>> -> memref<128xi32, #tpu.memory_space<vmem>>
          %dma_wait3A_89 = arith.constant 0 : i32
          %dma_wait3A_90 = arith.constant 0 : i32
          %dma_wait3A_91 = tpu.memref_slice %arg7[%dma_wait3A_89, %dma_wait3A_90] : memref<10240x128xf32, #tpu.memory_space<vmem_shared>> -> memref<10240x128xf32, #tpu.memory_space<vmem_shared>>
          tpu.wait_indirect_dma semaphore(%run_scoped3A_79 : memref<!tpu.dma_semaphore, #tpu.memory_space<semaphore_mem>>) src(%arg10 : memref<128x128xf32, #tpu.memory_space<vmem>>) dst(%dma_wait3A_91 : memref<10240x128xf32, #tpu.memory_space<vmem_shared>>)
          tpu.yield
        }) : () -> ()
        %add3A_58 = arith.constant 1 : i32
        %add3A_59 = arith.addi %mul3A_44, %add3A_58 : i32
        %dma_wait3A_60 = arith.constant 0 : i32
        %dma_wait3A_61 = tpu.memref_slice %arg8[%select_n3A_30, %add3A_59, %dma_wait3A_60] : memref<2x16x128xi32, #tpu.memory_space<vmem>> -> memref<1x1x128xi32, #tpu.memory_space<vmem>>
        %dma_wait3A_62 = tpu.memref_squeeze %dma_wait3A_61 : memref<1x1x128xi32, #tpu.memory_space<vmem>> -> memref<128xi32, #tpu.memory_space<vmem>>
        %dma_wait3A_63 = arith.constant 0 : i32
        %dma_wait3A_64 = arith.constant 0 : i32
        %dma_wait3A_65 = tpu.memref_slice %arg2[%dma_wait3A_63, %dma_wait3A_64] : memref<10000x128xf32, #tpu.memory_space<hbm>> -> memref<10000x128xf32, #tpu.memory_space<hbm>>
        tpu.wait_indirect_dma semaphore(%arg13 : memref<!tpu.dma_semaphore, #tpu.memory_space<semaphore_mem>>) src(%dma_wait3A_65 : memref<10000x128xf32, #tpu.memory_space<hbm>>) dst(%arg11 : memref<128x128xf32, #tpu.memory_space<vmem>>)
        %add3A_66 = arith.constant 1 : i32
        %add3A_67 = arith.addi %scan3A_42, %add3A_66 : i32
        %lt3A_68 = arith.constant 8 : i32
        %lt3A_69 = arith.cmpi slt, %add3A_67, %lt3A_68 : i32
        %add3A_70 = arith.constant 1 : i32
        %add3A_71 = arith.addi %scan3A_21, %add3A_70 : i32
        %lt3A_72 = arith.constant 5 : i32
        %lt3A_73 = arith.cmpi slt, %add3A_71, %lt3A_72 : i32
        %or3A = arith.ori %lt3A_69, %lt3A_73 : i1
        %convert_element_type3A_74 = arith.extui %or3A : i1 to i32
        %cond3A_75 = arith.constant 0 : i32
        %cond3A_76 = arith.cmpi ne, %convert_element_type3A_74, %cond3A_75 : i32
        scf.if %cond3A_76 {
          %add3A_79 = arith.constant 1 : i32
          %add3A_80 = arith.addi %scan3A_42, %add3A_79 : i32
          %lt3A_81 = arith.constant 8 : i32
          %lt3A_82 = arith.cmpi slt, %add3A_80, %lt3A_81 : i32
          %add3A_83 = arith.constant 2 : i32
          %add3A_84 = arith.addi %mul3A_44, %add3A_83 : i32
          %select_n3A_85 = arith.constant 0 : i32
          %select_n3A_86 = arith.select %lt3A_82, %add3A_84, %select_n3A_85 : i32
          %add3A_87 = arith.constant 1 : i32
          %add3A_88 = arith.addi %scan3A_42, %add3A_87 : i32
          %lt3A_89 = arith.constant 8 : i32
          %lt3A_90 = arith.cmpi slt, %add3A_88, %lt3A_89 : i32
          %add3A_91 = arith.constant 1 : i32
          %add3A_92 = arith.addi %scan3A_21, %add3A_91 : i32
          %jit3A_93 = arith.constant 2 : i32
          %eq3A_94 = arith.constant 0 : i32
          %eq3A_95 = arith.cmpi eq, %jit3A_93, %eq3A_94 : i32
          %jit3A_96 = arith.constant 1 : i32
          %select_n3A_97 = arith.select %eq3A_95, %jit3A_96, %jit3A_93 : i32
          %rem3A_98 = arith.remsi %add3A_92, %select_n3A_97 : i32
          %ne3A_99 = arith.constant 0 : i32
          %ne3A_100 = arith.cmpi ne, %rem3A_98, %ne3A_99 : i32
          %lt3A_101 = arith.constant 0 : i32
          %lt3A_102 = arith.cmpi slt, %rem3A_98, %lt3A_101 : i32
          %lt3A_103 = arith.constant 0 : i32
          %lt3A_104 = arith.cmpi slt, %select_n3A_97, %lt3A_103 : i32
          %ne3A_105 = arith.xori %lt3A_102, %lt3A_104 : i1
          %and3A_106 = arith.andi %ne3A_105, %ne3A_100 : i1
          %add3A_107 = arith.addi %rem3A_98, %select_n3A_97 : i32
          %select_n3A_108 = arith.select %and3A_106, %add3A_107, %rem3A_98 : i32
          %select_n3A_109 = arith.select %lt3A_90, %select_n3A_30, %select_n3A_108 : i32
          %dma_start3A_110 = arith.constant 0 : i32
          %dma_start3A_111 = tpu.memref_slice %arg8[%select_n3A_109, %select_n3A_86, %dma_start3A_110] : memref<2x16x128xi32, #tpu.memory_space<vmem>> -> memref<1x1x128xi32, #tpu.memory_space<vmem>>
          %dma_start3A_112 = tpu.memref_squeeze %dma_start3A_111 : memref<1x1x128xi32, #tpu.memory_space<vmem>> -> memref<128xi32, #tpu.memory_space<vmem>>
          %dma_start3A_113 = arith.constant 0 : i32
          %dma_start3A_114 = arith.constant 0 : i32
          %dma_start3A_115 = tpu.memref_slice %arg2[%dma_start3A_113, %dma_start3A_114] : memref<10000x128xf32, #tpu.memory_space<hbm>> -> memref<10000x128xf32, #tpu.memory_space<hbm>>
          tpu.enqueue_indirect_dma source(%dma_start3A_115 : memref<10000x128xf32, #tpu.memory_space<hbm>>) target(%arg10 : memref<128x128xf32, #tpu.memory_space<vmem>>) offsets(%dma_start3A_112 : memref<128xi32, #tpu.memory_space<vmem>>) semaphore(%arg12 : memref<!tpu.dma_semaphore, #tpu.memory_space<semaphore_mem>>)
        } else {
        }
        %add3A_77 = arith.constant 1 : i32
        %add3A_78 = arith.addi %mul3A_44, %add3A_77 : i32
        "tpu.region"() ({
          %run_scoped3A_79 = tpu.sem_alloc : memref<!tpu.dma_semaphore, #tpu.memory_space<semaphore_mem>>
          %dma_start3A_80 = arith.constant 0 : i32
          %dma_start3A_81 = tpu.memref_slice %arg9[%select_n3A_30, %add3A_78, %dma_start3A_80] : memref<2x16x128xi32, #tpu.memory_space<vmem>> -> memref<1x1x128xi32, #tpu.memory_space<vmem>>
          %dma_start3A_82 = tpu.memref_squeeze %dma_start3A_81 : memref<1x1x128xi32, #tpu.memory_space<vmem>> -> memref<128xi32, #tpu.memory_space<vmem>>
          %dma_start3A_83 = arith.constant 0 : i32
          %dma_start3A_84 = arith.constant 0 : i32
          %dma_start3A_85 = tpu.memref_slice %arg7[%dma_start3A_83, %dma_start3A_84] : memref<10240x128xf32, #tpu.memory_space<vmem_shared>> -> memref<10240x128xf32, #tpu.memory_space<vmem_shared>>
          tpu.enqueue_indirect_dma source(%arg11 : memref<128x128xf32, #tpu.memory_space<vmem>>) target(%dma_start3A_85 : memref<10240x128xf32, #tpu.memory_space<vmem_shared>>) offsets(%dma_start3A_82 : memref<128xi32, #tpu.memory_space<vmem>>) semaphore(%run_scoped3A_79 : memref<!tpu.dma_semaphore, #tpu.memory_space<semaphore_mem>>) {add = true}
          %dma_wait3A_86 = arith.constant 0 : i32
          %dma_wait3A_87 = tpu.memref_slice %arg9[%select_n3A_30, %add3A_78, %dma_wait3A_86] : memref<2x16x128xi32, #tpu.memory_space<vmem>> -> memref<1x1x128xi32, #tpu.memory_space<vmem>>
          %dma_wait3A_88 = tpu.memref_squeeze %dma_wait3A_87 : memref<1x1x128xi32, #tpu.memory_space<vmem>> -> memref<128xi32, #tpu.memory_space<vmem>>
          %dma_wait3A_89 = arith.constant 0 : i32
          %dma_wait3A_90 = arith.constant 0 : i32
          %dma_wait3A_91 = tpu.memref_slice %arg7[%dma_wait3A_89, %dma_wait3A_90] : memref<10240x128xf32, #tpu.memory_space<vmem_shared>> -> memref<10240x128xf32, #tpu.memory_space<vmem_shared>>
          tpu.wait_indirect_dma semaphore(%run_scoped3A_79 : memref<!tpu.dma_semaphore, #tpu.memory_space<semaphore_mem>>) src(%arg11 : memref<128x128xf32, #tpu.memory_space<vmem>>) dst(%dma_wait3A_91 : memref<10240x128xf32, #tpu.memory_space<vmem_shared>>)
          tpu.yield
        }) : () -> ()
      }
      %scan3A_41 = arith.constant 8 : i32
    }
    %scan3A_13 = arith.constant 5 : i32
    %barrier3A_14 = arith.constant 0 : index
    tpu.barrier barrier_id(%barrier3A_14)
    %mul3A_15 = arith.constant 640 : i32
    %mul3A_16 = arith.muli %arg1, %mul3A_15 : i32
    %mul3A_17 = arith.constant 10240 : i32
    %mul3A_18 = arith.muli %arg0, %mul3A_17 : i32
    %mul3A_19 = arith.constant 640 : i32
    %mul3A_20 = arith.muli %arg1, %mul3A_19 : i32
    %add3A = arith.addi %mul3A_18, %mul3A_20 : i32
    "tpu.region"() ({
      %run_scoped3A_21 = tpu.sem_alloc : memref<!tpu.dma_semaphore, #tpu.memory_space<semaphore_mem>>
      %dma_start3A_22 = arith.constant 0 : i32
      %dma_start3A_23 = tpu.memref_slice %arg6[%add3A, %dma_start3A_22] : memref<20480x128xf32, #tpu.memory_space<hbm>> -> memref<640x128xf32, #tpu.memory_space<hbm>>
      %dma_start3A_24 = arith.constant 0 : i32
      %dma_start3A_25 = tpu.memref_slice %arg7[%mul3A_16, %dma_start3A_24] : memref<10240x128xf32, #tpu.memory_space<vmem_shared>> -> memref<640x128xf32, #tpu.memory_space<vmem_shared>>
      tpu.enqueue_dma source(%dma_start3A_25 : memref<640x128xf32, #tpu.memory_space<vmem_shared>>) target(%dma_start3A_23 : memref<640x128xf32, #tpu.memory_space<hbm>>) target_semaphore(%run_scoped3A_21 : memref<!tpu.dma_semaphore, #tpu.memory_space<semaphore_mem>>)
      %dma_wait3A = arith.constant 0 : i32
      %dma_wait3A_26 = tpu.memref_slice %arg6[%add3A, %dma_wait3A] : memref<20480x128xf32, #tpu.memory_space<hbm>> -> memref<640x128xf32, #tpu.memory_space<hbm>>
      %dma_wait3A_27 = arith.constant 0 : i32
      %dma_wait3A_28 = tpu.memref_slice %arg7[%mul3A_16, %dma_wait3A_27] : memref<10240x128xf32, #tpu.memory_space<vmem_shared>> -> memref<640x128xf32, #tpu.memory_space<vmem_shared>>
      tpu.wait_dma2 semaphore(%run_scoped3A_21 : memref<!tpu.dma_semaphore, #tpu.memory_space<semaphore_mem>>) src(%dma_wait3A_28 : memref<640x128xf32, #tpu.memory_space<vmem_shared>>) dst(%dma_wait3A_26 : memref<640x128xf32, #tpu.memory_space<hbm>>)
      tpu.yield
    }) : () -> ()
    return
  }
}

module attributes {stable_mosaic.version = 14 : i64} {
  func.func @_tc_u1_body(%arg0: i32, %arg1: memref<1000x16xf32, #tpu.memory_space<vmem>>, %arg2: memref<1000x16xf32, #tpu.memory_space<vmem>>, %arg3: memref<1000x128xf32, #tpu.memory_space<vmem>>, %arg4: memref<1000x128xf32, #tpu.memory_space<vmem>>) attributes {dimension_semantics = [#tpu.dimension_semantics<arbitrary>], iteration_bounds = array<i64: 10>, scalar_prefetch = 0 : i64, scratch_operands = 0 : i64, tpu.core_type = #tpu.core_type<tc>, window_params = [{transform_indices = @transform_0, window_bounds = array<i64: 1000, 16>}, {transform_indices = @transform_1, window_bounds = array<i64: 1000, 16>}, {transform_indices = @transform_2, window_bounds = array<i64: 1000, 128>}, {transform_indices = @transform_3, window_bounds = array<i64: 1000, 128>}]} {
    %get3A = arith.constant 0 : index
    %get3A_0 = arith.constant 0 : index
    %get3A_1 = vector.load %arg3[%get3A, %get3A_0] : memref<1000x128xf32, #tpu.memory_space<vmem>>, vector<1000x128xf32>
    %get3A_2 = arith.constant 0 : index
    %get3A_3 = arith.constant 0 : index
    %get3A_4 = vector.load %arg1[%get3A_2, %get3A_3] : memref<1000x16xf32, #tpu.memory_space<vmem>>, vector<1000x1xf32>
    %get3A_5 = arith.constant 0 : index
    %get3A_6 = arith.constant 0 : index
    %get3A_7 = vector.load %arg2[%get3A_5, %get3A_6] : memref<1000x16xf32, #tpu.memory_space<vmem>>, vector<1000x1xf32>
    %add3A = arith.addf %get3A_4, %get3A_7 : vector<1000x1xf32>
    %add3A_8 = arith.constant 1.000000e+00 : f32
    %add3A_9 = vector.broadcast %add3A_8 : f32 to vector<1000x1xf32>
    %add3A_10 = arith.addf %add3A, %add3A_9 : vector<1000x1xf32>
    %rsqrt3A = math.rsqrt %add3A_10 : vector<1000x1xf32>
    %mul3A = vector.broadcast %rsqrt3A : vector<1000x1xf32> to vector<1000x128xf32>
    %mul3A_11 = arith.mulf %get3A_1, %mul3A : vector<1000x128xf32>
    %swap3A = arith.constant 0 : index
    %swap3A_12 = arith.constant 0 : index
    %swap3A_13 = vector.load %arg4[%swap3A, %swap3A_12] : memref<1000x128xf32, #tpu.memory_space<vmem>>, vector<1000x128xf32>
    tpu.vector_store %arg4[%swap3A, %swap3A_12], %mul3A_11 {strides = array<i32>} : memref<1000x128xf32, #tpu.memory_space<vmem>>, vector<1000x128xf32>,
    return
  }
  func.func @transform_0(%arg0: i32) -> (i32, i32) {
    %c0_i32 = arith.constant 0 : i32
    %c0_i32_0 = arith.constant 0 : i32
    return %arg0, %c0_i32 : i32, i32
  }
  func.func @transform_1(%arg0: i32) -> (i32, i32) {
    %c0_i32 = arith.constant 0 : i32
    %c0_i32_0 = arith.constant 0 : i32
    return %arg0, %c0_i32 : i32, i32
  }
  func.func @transform_2(%arg0: i32) -> (i32, i32) {
    %c0_i32 = arith.constant 0 : i32
    %c0_i32_0 = arith.constant 0 : i32
    return %arg0, %c0_i32 : i32, i32
  }
  func.func @transform_3(%arg0: i32) -> (i32, i32) {
    %c0_i32 = arith.constant 0 : i32
    %c0_i32_0 = arith.constant 0 : i32
    return %arg0, %c0_i32 : i32, i32
  }
}

module attributes {stable_mosaic.version = 14 : i64} {
  func.func @_tc_hidden_body(%arg0: i32, %arg1: memref<1000x128xf32, #tpu.memory_space<vmem>>, %arg2: memref<1000x128xf32, #tpu.memory_space<vmem>>, %arg3: memref<1000x128xf32, #tpu.memory_space<vmem>>, %arg4: memref<1000x16xf32, #tpu.memory_space<vmem>>, %arg5: memref<1000x16xf32, #tpu.memory_space<vmem>>, %arg6: memref<128x256xf32, #tpu.memory_space<vmem>>, %arg7: memref<1x256xf32, #tpu.memory_space<vmem>>, %arg8: memref<1000x256xf32, #tpu.memory_space<vmem>>) attributes {dimension_semantics = [#tpu.dimension_semantics<arbitrary>], iteration_bounds = array<i64: 10>, scalar_prefetch = 0 : i64, scratch_operands = 0 : i64, tpu.core_type = #tpu.core_type<tc>, window_params = [{transform_indices = @transform_0, window_bounds = array<i64: 1000, 128>}, {transform_indices = @transform_1, window_bounds = array<i64: 1000, 128>}, {transform_indices = @transform_2, window_bounds = array<i64: 1000, 128>}, {transform_indices = @transform_3, window_bounds = array<i64: 1000, 16>}, {transform_indices = @transform_4, window_bounds = array<i64: 1000, 16>}, {pipeline_mode = #tpu.pipeline_mode<synchronous>, transform_indices = @transform_5, window_bounds = array<i64: 128, 256>}, {pipeline_mode = #tpu.pipeline_mode<synchronous>, transform_indices = @transform_6, window_bounds = array<i64: 1, 256>}, {transform_indices = @transform_7, window_bounds = array<i64: 1000, 256>}]} {
    %get3A = arith.constant 0 : index
    %get3A_0 = arith.constant 0 : index
    %get3A_1 = vector.load %arg4[%get3A, %get3A_0] : memref<1000x16xf32, #tpu.memory_space<vmem>>, vector<1000x1xf32>
    %get3A_2 = arith.constant 0 : index
    %get3A_3 = arith.constant 0 : index
    %get3A_4 = vector.load %arg5[%get3A_2, %get3A_3] : memref<1000x16xf32, #tpu.memory_space<vmem>>, vector<1000x1xf32>
    %add3A = arith.addf %get3A_1, %get3A_4 : vector<1000x1xf32>
    %add3A_5 = arith.constant 1.000000e+00 : f32
    %add3A_6 = vector.broadcast %add3A_5 : f32 to vector<1000x1xf32>
    %add3A_7 = arith.addf %add3A, %add3A_6 : vector<1000x1xf32>
    %rsqrt3A = math.rsqrt %add3A_7 : vector<1000x1xf32>
    %get3A_8 = arith.constant 0 : index
    %get3A_9 = arith.constant 0 : index
    %get3A_10 = vector.load %arg3[%get3A_8, %get3A_9] : memref<1000x128xf32, #tpu.memory_space<vmem>>, vector<1000x128xf32>
    %mul3A = vector.broadcast %rsqrt3A : vector<1000x1xf32> to vector<1000x128xf32>
    %mul3A_11 = arith.mulf %get3A_10, %mul3A : vector<1000x128xf32>
    %get3A_12 = arith.constant 0 : index
    %get3A_13 = arith.constant 0 : index
    %get3A_14 = vector.load %arg1[%get3A_12, %get3A_13] : memref<1000x128xf32, #tpu.memory_space<vmem>>, vector<1000x128xf32>
    %get3A_15 = arith.constant 0 : index
    %get3A_16 = arith.constant 0 : index
    %get3A_17 = vector.load %arg2[%get3A_15, %get3A_16] : memref<1000x128xf32, #tpu.memory_space<vmem>>, vector<1000x128xf32>
    %add3A_18 = arith.addf %get3A_14, %get3A_17 : vector<1000x128xf32>
    %add3A_19 = arith.addf %add3A_18, %mul3A_11 : vector<1000x128xf32>
    %mul3A_20 = vector.broadcast %rsqrt3A : vector<1000x1xf32> to vector<1000x128xf32>
    %mul3A_21 = arith.mulf %add3A_19, %mul3A_20 : vector<1000x128xf32>
    %get3A_22 = arith.constant 0 : index
    %get3A_23 = arith.constant 0 : index
    %get3A_24 = vector.load %arg6[%get3A_22, %get3A_23] : memref<128x256xf32, #tpu.memory_space<vmem>>, vector<128x256xf32>
    %dot_general3A = arith.constant dense<0.000000e+00> : vector<1000x256xf32>
    %dot_general3A_25 = tpu.matmul %mul3A_21, %get3A_24, %dot_general3A {dimension_numbers = #tpu.dot_dimension_numbers<[1], [0], [0], [1], [0, 0, 1, 1], [], []>, transpose_lhs_hint = false} : vector<1000x128xf32>, vector<128x256xf32>, vector<1000x256xf32> -> vector<1000x256xf32>
    %get3A_26 = arith.constant 0 : index
    %get3A_27 = arith.constant 0 : index
    %get3A_28 = vector.load %arg7[%get3A_26, %get3A_27] : memref<1x256xf32, #tpu.memory_space<vmem>>, vector<1x256xf32>
    %add3A_29 = vector.broadcast %get3A_28 : vector<1x256xf32> to vector<1000x256xf32>
    %add3A_30 = arith.addf %dot_general3A_25, %add3A_29 : vector<1000x256xf32>
    %max3A = arith.constant 0.000000e+00 : f32
    %max3A_31 = vector.broadcast %max3A : f32 to vector<1000x256xf32>
    %max3A_32 = arith.maximumf %add3A_30, %max3A_31 : vector<1000x256xf32>
    %mul3A_33 = arith.mulf %max3A_32, %max3A_32 : vector<1000x256xf32>
    %reduce_sum3A = arith.constant dense<0.000000e+00> : vector<1000xf32>
    %reduce_sum3A_34 = vector.multi_reduction <add>, %mul3A_33, %reduce_sum3A [1] : vector<1000x256xf32> to vector<1000xf32>
    %broadcast_in_dim3A = vector.shape_cast %reduce_sum3A_34 : vector<1000xf32> to vector<1000x1xf32>
    %sqrt3A = math.sqrt %broadcast_in_dim3A : vector<1000x1xf32>
    %max3A_35 = arith.constant 9.99999996E-13 : f32
    %max3A_36 = vector.broadcast %max3A_35 : f32 to vector<1000x1xf32>
    %max3A_37 = arith.maximumf %sqrt3A, %max3A_36 : vector<1000x1xf32>
    %div3A = vector.broadcast %max3A_37 : vector<1000x1xf32> to vector<1000x256xf32>
    %div3A_38 = arith.divf %max3A_32, %div3A : vector<1000x256xf32>
    %mul3A_39 = vector.broadcast %rsqrt3A : vector<1000x1xf32> to vector<1000x256xf32>
    %mul3A_40 = arith.mulf %div3A_38, %mul3A_39 : vector<1000x256xf32>
    %swap3A = arith.constant 0 : index
    %swap3A_41 = arith.constant 0 : index
    %swap3A_42 = vector.load %arg8[%swap3A, %swap3A_41] : memref<1000x256xf32, #tpu.memory_space<vmem>>, vector<1000x256xf32>
    tpu.vector_store %arg8[%swap3A, %swap3A_41], %mul3A_40 {strides = array<i32>} : memref<1000x256xf32, #tpu.memory_space<vmem>>, vector<1000x256xf32>,
    return
  }
  func.func @transform_0(%arg0: i32) -> (i32, i32) {
    %c0_i32 = arith.constant 0 : i32
    %c0_i32_0 = arith.constant 0 : i32
    return %arg0, %c0_i32 : i32, i32
  }
  func.func @transform_1(%arg0: i32) -> (i32, i32) {
    %c0_i32 = arith.constant 0 : i32
    %c0_i32_0 = arith.constant 0 : i32
    return %arg0, %c0_i32 : i32, i32
  }
  func.func @transform_2(%arg0: i32) -> (i32, i32) {
    %c0_i32 = arith.constant 0 : i32
    %c0_i32_0 = arith.constant 0 : i32
    return %arg0, %c0_i32 : i32, i32
  }
  func.func @transform_3(%arg0: i32) -> (i32, i32) {
    %c0_i32 = arith.constant 0 : i32
    %c0_i32_0 = arith.constant 0 : i32
    return %arg0, %c0_i32 : i32, i32
  }
  func.func @transform_4(%arg0: i32) -> (i32, i32) {
    %c0_i32 = arith.constant 0 : i32
    %c0_i32_0 = arith.constant 0 : i32
    return %arg0, %c0_i32 : i32, i32
  }
  func.func @transform_5(%arg0: i32) -> (i32, i32) {
    %c0_i32 = arith.constant 0 : i32
    %c0_i32_0 = arith.constant 0 : i32
    %c0_i32_1 = arith.constant 0 : i32
    return %c0_i32, %c0_i32_0 : i32, i32
  }
  func.func @transform_6(%arg0: i32) -> (i32, i32) {
    %c0_i32 = arith.constant 0 : i32
    %c0_i32_0 = arith.constant 0 : i32
    %c0_i32_1 = arith.constant 0 : i32
    return %c0_i32, %c0_i32_0 : i32, i32
  }
  func.func @transform_7(%arg0: i32) -> (i32, i32) {
    %c0_i32 = arith.constant 0 : i32
    %c0_i32_0 = arith.constant 0 : i32
    return %arg0, %c0_i32 : i32, i32
  }
}

module attributes {stable_mosaic.version = 14 : i64} {
  func.func @_tc_out_body(%arg0: i32, %arg1: memref<1000x128xf32, #tpu.memory_space<vmem>>, %arg2: memref<1000x128xf32, #tpu.memory_space<vmem>>, %arg3: memref<1000x128xf32, #tpu.memory_space<vmem>>, %arg4: memref<1000x128xf32, #tpu.memory_space<vmem>>, %arg5: memref<1000x16xf32, #tpu.memory_space<vmem>>, %arg6: memref<1000x16xf32, #tpu.memory_space<vmem>>, %arg7: memref<256x256xf32, #tpu.memory_space<vmem>>, %arg8: memref<1x256xf32, #tpu.memory_space<vmem>>, %arg9: memref<1000x256xf32, #tpu.memory_space<vmem>>) attributes {dimension_semantics = [#tpu.dimension_semantics<arbitrary>], iteration_bounds = array<i64: 10>, scalar_prefetch = 0 : i64, scratch_operands = 0 : i64, tpu.core_type = #tpu.core_type<tc>, window_params = [{transform_indices = @transform_0, window_bounds = array<i64: 1000, 128>}, {transform_indices = @transform_1, window_bounds = array<i64: 1000, 128>}, {transform_indices = @transform_2, window_bounds = array<i64: 1000, 128>}, {transform_indices = @transform_3, window_bounds = array<i64: 1000, 128>}, {transform_indices = @transform_4, window_bounds = array<i64: 1000, 16>}, {transform_indices = @transform_5, window_bounds = array<i64: 1000, 16>}, {pipeline_mode = #tpu.pipeline_mode<synchronous>, transform_indices = @transform_6, window_bounds = array<i64: 256, 256>}, {pipeline_mode = #tpu.pipeline_mode<synchronous>, transform_indices = @transform_7, window_bounds = array<i64: 1, 256>}, {transform_indices = @transform_8, window_bounds = array<i64: 1000, 256>}]} {
    %get3A = arith.constant 0 : index
    %get3A_0 = arith.constant 0 : index
    %get3A_1 = vector.load %arg5[%get3A, %get3A_0] : memref<1000x16xf32, #tpu.memory_space<vmem>>, vector<1000x1xf32>
    %get3A_2 = arith.constant 0 : index
    %get3A_3 = arith.constant 0 : index
    %get3A_4 = vector.load %arg6[%get3A_2, %get3A_3] : memref<1000x16xf32, #tpu.memory_space<vmem>>, vector<1000x1xf32>
    %add3A = arith.addf %get3A_1, %get3A_4 : vector<1000x1xf32>
    %add3A_5 = arith.constant 1.000000e+00 : f32
    %add3A_6 = vector.broadcast %add3A_5 : f32 to vector<1000x1xf32>
    %add3A_7 = arith.addf %add3A, %add3A_6 : vector<1000x1xf32>
    %rsqrt3A = math.rsqrt %add3A_7 : vector<1000x1xf32>
    %get3A_8 = arith.constant 0 : index
    %get3A_9 = arith.constant 0 : index
    %get3A_10 = vector.load %arg1[%get3A_8, %get3A_9] : memref<1000x128xf32, #tpu.memory_space<vmem>>, vector<1000x128xf32>
    %get3A_11 = arith.constant 0 : index
    %get3A_12 = arith.constant 0 : index
    %get3A_13 = vector.load %arg3[%get3A_11, %get3A_12] : memref<1000x128xf32, #tpu.memory_space<vmem>>, vector<1000x128xf32>
    %add3A_14 = arith.addf %get3A_10, %get3A_13 : vector<1000x128xf32>
    %mul3A = vector.broadcast %rsqrt3A : vector<1000x1xf32> to vector<1000x128xf32>
    %mul3A_15 = arith.mulf %add3A_14, %mul3A : vector<1000x128xf32>
    %get3A_16 = arith.constant 0 : index
    %get3A_17 = arith.constant 0 : index
    %get3A_18 = vector.load %arg2[%get3A_16, %get3A_17] : memref<1000x128xf32, #tpu.memory_space<vmem>>, vector<1000x128xf32>
    %get3A_19 = arith.constant 0 : index
    %get3A_20 = arith.constant 0 : index
    %get3A_21 = vector.load %arg4[%get3A_19, %get3A_20] : memref<1000x128xf32, #tpu.memory_space<vmem>>, vector<1000x128xf32>
    %add3A_22 = arith.addf %get3A_18, %get3A_21 : vector<1000x128xf32>
    %mul3A_23 = vector.broadcast %rsqrt3A : vector<1000x1xf32> to vector<1000x128xf32>
    %mul3A_24 = arith.mulf %add3A_22, %mul3A_23 : vector<1000x128xf32>
    %get3A_25 = arith.constant 0 : index
    %get3A_26 = arith.constant 0 : index
    %get3A_27 = vector.load %arg7[%get3A_25, %get3A_26] : memref<256x256xf32, #tpu.memory_space<vmem>>, vector<128x256xf32>
    %dot_general3A = arith.constant dense<0.000000e+00> : vector<1000x256xf32>
    %dot_general3A_28 = tpu.matmul %mul3A_15, %get3A_27, %dot_general3A {dimension_numbers = #tpu.dot_dimension_numbers<[1], [0], [0], [1], [0, 0, 1, 1], [], []>, transpose_lhs_hint = false} : vector<1000x128xf32>, vector<128x256xf32>, vector<1000x256xf32> -> vector<1000x256xf32>
    %get3A_29 = arith.constant 128 : index
    %get3A_30 = arith.constant 0 : index
    %get3A_31 = vector.load %arg7[%get3A_29, %get3A_30] : memref<256x256xf32, #tpu.memory_space<vmem>>, vector<128x256xf32>
    %dot_general3A_32 = arith.constant dense<0.000000e+00> : vector<1000x256xf32>
    %dot_general3A_33 = tpu.matmul %mul3A_24, %get3A_31, %dot_general3A_32 {dimension_numbers = #tpu.dot_dimension_numbers<[1], [0], [0], [1], [0, 0, 1, 1], [], []>, transpose_lhs_hint = false} : vector<1000x128xf32>, vector<128x256xf32>, vector<1000x256xf32> -> vector<1000x256xf32>
    %add3A_34 = arith.addf %dot_general3A_28, %dot_general3A_33 : vector<1000x256xf32>
    %get3A_35 = arith.constant 0 : index
    %get3A_36 = arith.constant 0 : index
    %get3A_37 = vector.load %arg8[%get3A_35, %get3A_36] : memref<1x256xf32, #tpu.memory_space<vmem>>, vector<1x256xf32>
    %add3A_38 = vector.broadcast %get3A_37 : vector<1x256xf32> to vector<1000x256xf32>
    %add3A_39 = arith.addf %add3A_34, %add3A_38 : vector<1000x256xf32>
    %swap3A = arith.constant 0 : index
    %swap3A_40 = arith.constant 0 : index
    %swap3A_41 = vector.load %arg9[%swap3A, %swap3A_40] : memref<1000x256xf32, #tpu.memory_space<vmem>>, vector<1000x256xf32>
    tpu.vector_store %arg9[%swap3A, %swap3A_40], %add3A_39 {strides = array<i32>} : memref<1000x256xf32, #tpu.memory_space<vmem>>, vector<1000x256xf32>,
    return
  }
  func.func @transform_0(%arg0: i32) -> (i32, i32) {
    %c0_i32 = arith.constant 0 : i32
    %c0_i32_0 = arith.constant 0 : i32
    return %arg0, %c0_i32 : i32, i32
  }
  func.func @transform_1(%arg0: i32) -> (i32, i32) {
    %c0_i32 = arith.constant 0 : i32
    %c0_i32_0 = arith.constant 0 : i32
    return %arg0, %c0_i32 : i32, i32
  }
  func.func @transform_2(%arg0: i32) -> (i32, i32) {
    %c0_i32 = arith.constant 0 : i32
    %c0_i32_0 = arith.constant 0 : i32
    return %arg0, %c0_i32 : i32, i32
  }
  func.func @transform_3(%arg0: i32) -> (i32, i32) {
    %c0_i32 = arith.constant 0 : i32
    %c0_i32_0 = arith.constant 0 : i32
    return %arg0, %c0_i32 : i32, i32
  }
  func.func @transform_4(%arg0: i32) -> (i32, i32) {
    %c0_i32 = arith.constant 0 : i32
    %c0_i32_0 = arith.constant 0 : i32
    return %arg0, %c0_i32 : i32, i32
  }
  func.func @transform_5(%arg0: i32) -> (i32, i32) {
    %c0_i32 = arith.constant 0 : i32
    %c0_i32_0 = arith.constant 0 : i32
    return %arg0, %c0_i32 : i32, i32
  }
  func.func @transform_6(%arg0: i32) -> (i32, i32) {
    %c0_i32 = arith.constant 0 : i32
    %c0_i32_0 = arith.constant 0 : i32
    %c0_i32_1 = arith.constant 0 : i32
    return %c0_i32, %c0_i32_0 : i32, i32
  }
  func.func @transform_7(%arg0: i32) -> (i32, i32) {
    %c0_i32 = arith.constant 0 : i32
    %c0_i32_0 = arith.constant 0 : i32
    %c0_i32_1 = arith.constant 0 : i32
    return %c0_i32, %c0_i32_0 : i32, i32
  }
  func.func @transform_8(%arg0: i32) -> (i32, i32) {
    %c0_i32 = arith.constant 0 : i32
    %c0_i32_0 = arith.constant 0 : i32
    return %arg0, %c0_i32 : i32, i32
  }
}

</mosaic_0001>

<sc_bundles>
// kernel: kernel.11.cloned.1.call-start
scs
__scs_entry_jumppad:
0x0: {  	(pc) =	sbr.rel $0x88, $3  }
0x1: {  	(tag) =	ssettag $0x0;
	lr =	simm.s32 $0x1  }
0x2: {  	[smem:$0x3F99] =	sst lr;
	_ =	strace $0xD0000000  }
0x3: {  	_ = 	snop  }
0x4: {  	_ = 	snop  }
0x5: {  	_ = 	snop  }
0x6: {  	_ = 	snop  }
0x7: {  	_ = 	snop  }
__scs_overlays_trampoline_lowered:
0x8: {  	[smem:$0x3FA8] =	sst s0  }
0x9: {  	[smem:$0x3FA9] =	sst s1  }
0xa: {  	[smem:$0x3FAA] =	sst s2  }
0xb: {  	[smem:$0x3FAB] =	sst s3  }
0xc: {  	[smem:$0x3FAC] =	sst s4  }
0xd: {  	[smem:$0x3FAD] =	sst s5  }
0xe: {  	[smem:$0x3FAE] =	sst s6  }
0xf: {  	[smem:$0x3FAF] =	sst s7  }
0x10: {  	[smem:$0x3FB0] =	sst s8  }
0x11: {  	[smem:$0x3FB1] =	sst s9;
	s0 =	simm.s32 @!p0 $0x0  }
0x12: {  	s1 =	sld [smem:$0x3F97];
	s0 =	simm.s32 @p0 $0x1  }
0x13: {  	[smem:$0x3FB2] =	sst s0;
	s0 =	simm.s32 @!p1 $0x0  }
0x14: {  	s2 =	sld [smem:$0x3F96];
	s0 =	simm.s32 @p1 $0x1  }
0x15: {  	[smem:$0x3FB3] =	sst s0;
	s0 =	simm.s32 @!p2 $0x0  }
0x16: {  	s3 =	sld [smem:$0x3FDB];
	s0 =	simm.s32 @p2 $0x1  }
0x17: {  	s4 =	simm.s32 $0x1BF5;
	[smem:$0x3FB5] =	sst s0  }
0x18: {  	s0 =	sld [smem:$0x3F98];
	_ =	swait.ge [sflag:s4], $0x0  }
0x19: {  	s7 =	sld [smem:$0x3F99]  }
0x1a: {  	s8 =	sadd.s32 $0xFFFFE003, lr  }
0x1b: {  	s9 =	sadd.s32 $0xFFFFFEF7, lr;
	s5 =	simm.s32 $0xFFFFFFFF;
	p2 =	slt.u32 s8, $0xFFFFF086  }
0x1c: {  	p1 =	slt.u32 s9, $0xF7A;
	s5 =	simm.s32 @!p2 $0x0  }
0x1d: {  	s5 =	simm.s32 @p1 $0x1;
	p0 =	seq.s32 s7, s2  }
0x1e: {  	s7 =	smul.u32 @!p0 $0xF7A, s2;
	p2 =	seq.s32 @!p0 s5, $0x0  }
0x1f: {  	s9 =	smul.u32 $0xF7A, s1;
	s8 =	simm.s32 @!p0 $0x1BF5;
	p2 =	por !p2, p0  }
0x20: {  	[sflag:s8] =	ssyncset.s32 @!p0 $0xFFFFF086;
	s6 =	sadd.s32 @!p0 s3, s7;
	s7 =	simm.s32 @!p0 $0x108  }
0x21: {  	s3 =	sadd.s32 s3, s9;
	s6 =	sadd.s32 @!p0 $0x88, s6;
	s7 =	simm.s32 @p2 $0x1082  }
0x22: {  	[simem:s7], [sflag:s8] =	dma.local @!p0 [hbm:s6], $0xF7A  }
0x23: {  	s9 =	sor.u32 $0xD0000000, s2;
	s6 =	simm.s32 $0x108;
	_ =	swait.ge @!p0 [sflag:s8], $0x0  }
0x24: {  	s3 =	sadd.s32 $0x88, s3;
	s6 =	simm.s32 @!p1 $0x1082;
	[sflag:s4] =	ssyncset.s32 $0xFFFFF086  }
0x25: {  	[simem:s6], [sflag:s4] =	dma.local [hbm:s3], $0xF7A  }
0x26: {  	[smem:$0x3F99] =	sst s1;
	(tag) =	ssettag s2;
	_ =	strace s9  }
0x27: {  	s1 =	sld [smem:$0x3FA9]  }
0x28: {  	s2 =	sld [smem:$0x3FAA]  }
0x29: {  	s4 =	sld [smem:$0x3FAC]  }
0x2a: {  	p0 =	seq.s32 s5, $0x0;
	s5 =	sld [smem:$0x3FAD]  }
0x2b: {  	s6 =	sld [smem:$0x3FAE]  }
0x2c: {  	s7 =	sld [smem:$0x3FAF]  }
0x2d: {  	s3 =	simm.s32 $0x108;
	s8 =	sld [smem:$0x3FB0]  }
0x2e: {  	s3 =	simm.s32 @!p0 $0x1082;
	s9 =	sld [smem:$0x3FB1]  }
0x2f: {  	lr =	sadd.s32 s0, s3;
	s0 =	sld [smem:$0x3FA8]  }
0x30: {  	s3 =	sld [smem:$0x3FAB]  }
0x31: {  	[smem:$0x3FB4] =	sst s10  }
0x32: {  	s10 =	sld [smem:$0x3FB2];
	_ =	sdelay $0x3  }
0x33: {  	p0 =	seq.s32 s10, $0x1;
	s10 =	sld [smem:$0x3FB4];
	_ =	sdelay $0x3  }
0x34: {  	[smem:$0x3FB4] =	sst s10  }
0x35: {  	s10 =	sld [smem:$0x3FB3];
	_ =	sdelay $0x3  }
0x36: {  	p1 =	seq.s32 s10, $0x1;
	s10 =	sld [smem:$0x3FB4];
	_ =	sdelay $0x3  }
0x37: {  	[smem:$0x3FB4] =	sst s10  }
0x38: {  	s10 =	sld [smem:$0x3FB5]  }
0x39: {  	_ = 	snop;
	(pc) =	sbr.ind lr, $3  }
0x3a: {  	_ = 	snop  }
0x3b: {  	_ = 	snop  }
0x3c: {  	p2 =	seq.s32 s10, $0x1;
	s10 =	sld [smem:$0x3FB4]  }
0x3d: {  	_ =	shalt  }
0x3e: {  	_ =	shalt  }
0x3f: {  	_ =	shalt  }
0x40: {  	_ =	shalt  }
0x41: {  	_ =	shalt  }
0x42: {  	_ =	shalt  }
0x43: {  	_ =	shalt  }
0x44: {  	_ =	shalt  }
0x45: {  	_ =	shalt  }
0x46: {  	_ =	shalt  }
0x47: {  	_ =	shalt  }
0x48: {  	_ =	shalt  }
0x49: {  	_ =	shalt  }
0x4a: {  	_ =	shalt  }
0x4b: {  	_ =	shalt  }
0x4c: {  	_ =	shalt  }
0x4d: {  	_ =	shalt  }
0x4e: {  	_ =	shalt  }
0x4f: {  	_ =	shalt  }
0x50: {  	_ =	shalt  }
0x51: {  	_ =	shalt  }
0x52: {  	_ =	shalt  }
0x53: {  	_ =	shalt  }
0x54: {  	_ =	shalt  }
0x55: {  	_ =	shalt  }
0x56: {  	_ =	shalt  }
0x57: {  	_ =	shalt  }
0x58: {  	_ =	shalt  }
0x59: {  	_ =	shalt  }
0x5a: {  	_ =	shalt  }
0x5b: {  	_ =	shalt  }
0x5c: {  	_ =	shalt  }
0x5d: {  	_ =	shalt  }
0x5e: {  	_ =	shalt  }
0x5f: {  	_ =	shalt  }
0x60: {  	_ =	shalt  }
0x61: {  	_ =	shalt  }
0x62: {  	_ =	shalt  }
0x63: {  	_ =	shalt  }
0x64: {  	_ =	shalt  }
0x65: {  	_ =	shalt  }
0x66: {  	_ =	shalt  }
0x67: {  	_ =	shalt  }
0x68: {  	_ =	shalt  }
0x69: {  	_ =	shalt  }
0x6a: {  	_ =	shalt  }
0x6b: {  	_ =	shalt  }
0x6c: {  	_ =	shalt  }
0x6d: {  	_ =	shalt  }
0x6e: {  	_ =	shalt  }
0x6f: {  	_ =	shalt  }
0x70: {  	_ =	shalt  }
0x71: {  	_ =	shalt  }
0x72: {  	_ =	shalt  }
0x73: {  	_ =	shalt  }
0x74: {  	_ =	shalt  }
0x75: {  	_ =	shalt  }
0x76: {  	_ =	shalt  }
0x77: {  	_ =	shalt  }
0x78: {  	_ =	shalt  }
0x79: {  	_ =	shalt  }
0x7a: {  	_ =	shalt  }
0x7b: {  	_ =	shalt  }
0x7c: {  	_ =	shalt  }
0x7d: {  	_ =	shalt  }
0x7e: {  	_ =	shalt  }
0x7f: {  	_ =	shalt  }
0x80: {  	_ =	shalt  }
0x81: {  	_ =	shalt  }
0x82: {  	_ =	shalt  }
0x83: {  	_ =	shalt  }
0x84: {  	_ =	shalt  }
0x85: {  	_ =	shalt  }
0x86: {  	_ =	shalt  }
0x87: {  	_ =	shalt  }
.Lfunc_end0:
.L_simem_size_0:
called_computation.1_lowered:
.L_overlay_start_0:
0x88: {  	s2 =	sld [smem:$0x3FD9]  }
0x89: {  	s3 =	sld [smem:$0x3FFE];
	_ =	sdelay $0x1  }
0x8a: {  	s1 =	srdreg.scid  }
0x8b: {  	s0 =	sand.u32 $0x1, s1  }
0x8c: {  	s14 =	sshll.u32 s0, $0xA;
	s2 =	sadd.s32 s3, s2  }
0x8d: {  	s2 =	sadd.s32 s2, s14  }
0x8e: {  	[smem:$0x3FC0] =	sst s2  }
0x8f: {  	_ = 	snop  }
0x90: {  	s2 =	sld [smem:$0x3FD0];
	_ =	sdelay $0x2  }
0x91: {  	s15 =	simm.s32 $0xA;
	s4 =	simm.s32 $0x10  }
0x92: {  	[smem:s4], [sflag:s15] =	dma.local [hbm:s2], $0x1  }
0x93: {  	_ =	swait.eq [sflag:s15], $0x1  }
0x94: {  	[sflag:s15] =	ssyncset.done $0x0  }
0x95: {  	[sflag:s15] =	ssyncadd.s32 $0xFFFFFFFF  }
0x96: {  	s16 =	sld [smem:$0x10];
	(tm) =	ssettm $0x1  }
0x97: {  	s17 =	sld [smem:$0x3FFB];
	_ =	sdelay $0x3  }
0x98: {  	_ =	strace s17  }
0x99: {  	s3 =	sld [smem:$0x3FFC];
	_ =	sdelay $0x3  }
0x9a: {  	_ =	strace s3  }
0x9b: {  	s3 =	sld [smem:$0x3FFD];
	_ =	sdelay $0x3  }
0x9c: {  	_ =	strace s3  }
0x9d: {  	_ =	strace $0x8FFFFFFF  }
0x9e: {  	s18 =	sld [smem:$0x3FDB];
	_ =	sdelay $0x1  }
0x9f: {  	s19 =	simm.s32 $_scs_section_size  }
0xa0: {  	s5 =	simm.s32 $_size__tile_overlayer_lowered;
	s6 =	simm.s32 $_tile_overlayer_lowered  }
0xa1: {  	s22 =	simm.s32 $0x1BFF;
	s21 =	sshll.u32 s6, $0x1;
	s3 =	sadd.s32 s19, s18  }
0xa2: {  	s7 =	simm.s32 $0x0;
	s20 =	sshll.u32 s5, $0x1;
	s5 =	sadd.s32 s21, s3  }
0xa3: {  	[timem:s7], [sflag:s22] =	dma.local [hbm:s5], s20  }
0xa4: {  	_ =	swait.ge [sflag:s22], s20  }
0xa5: {  	s4 =	ssub.s32 $0x0, s20;
	[sflag:s22] =	ssyncset.done $0x0  }
0xa6: {  	[sflag:s22] =	ssyncadd.s32 s4;
	_ =	sdelay $0x1  }
0xa7: {  	s23 =	simm.s32 $0x1B8B  }
0xa8: {  	_ =	swait.ge [sflag:s23], $0x1  }
0xa9: {  	[sflag:s23] =	ssyncset.done $0x0  }
0xaa: {  	s25 =	simm.s32 $0x1B8E;
	s24 =	sld [smem:$0x3FFE];
	[sflag:s23] =	ssyncadd.s32 $0xFFFFFFFF  }
0xab: {  	s26 =	simm.s32 $execute0_lowered;
	[smem:$0x3FD2] =	sst s25  }
0xac: {  	s5 =	sshll.u32 s26, $0x1;
	_ =	strace $0x80000049;
	[dreg:$0x1] =	wrdreg $0xFFFFFFFF  }
0xad: {  	s28 =	simm.s32 $_size_execute0_lowered;
	s3 =	sadd.s32 s3, s5;
	[dreg:$0x0] =	wrdreg $0x0  }
0xae: {  	s5 =	sshll.u32 s28, $0x1;
	[dreg:$0x2] =	wrdreg s3  }
0xaf: {  	[dreg:$0x3] =	wrdreg s5  }
0xb0: {  	[dreg:$0x4] =	wrdreg $0xC0  }
0xb1: {  	_ =	task [dreg:s7], $0x5FFFF  }
0xb2: {  	[dreg:$0x1] =	wrdreg $0xFFFFFFFF  }
0xb3: {  	[dreg:$0x0] =	wrdreg $0x60  }
0xb4: {  	[dreg:$0x2] =	wrdreg s16  }
0xb5: {  	[dreg:$0x3] =	wrdreg s24  }
0xb6: {  	[dreg:$0x4] =	wrdreg $0x0  }
0xb7: {  	[dreg:$0x5] =	wrdreg $0x9  }
0xb8: {  	_ =	task.clear_ibuf [dreg:s7], $0x6FFFF;
	_ =	strace $0x90000049  }
0xb9: {  	s29 =	simm.s32 $0x9;
	_ =	strace $0x8000004B  }
0xba: {  	_ =	swait.ge [sflag:s29], $0x1  }
0xbb: {  	[sflag:s29] =	ssyncadd.s32 $0xFFFFFFFF  }
0xbc: {  	_ =	strace $0x9000004B  }
0xbd: {  	_ =	sfence  }
0xbe: {  	s30 =	sld [smem:$0x0];
	_ =	sdelay $0x2  }
0xbf: {  	s31 =	sshll.u32 s1, $0xD;
	s1 =	sshrl.u32 s1, $0x2  }
0xc0: {  	s3 =	sand.u32 $0x4000, s31;
	s1 =	sadd.s32 s1, s30  }
0xc1: {  	s0 =	sor.u32 s3, s0;
	s1 =	sshll.u32 s1, $0x11  }
0xc2: {  	s0 =	sor.u32 s1, s0  }
0xc3: {  	s0 =	sadd.s32 $0x8F2B, s0  }
0xc4: {  	[sflag:s0] =	ssyncadd.remote.s32 $0x1  }
0xc5: {  	_ =	sfence.sel $0xFFFF  }
0xc6: {  	[dreg:$0x0] =	wrdreg $0xFFFFFFFF;
	(pc) =	sbr.abs _section_cstart, $3  }
0xc7: {  	[dreg:$0x1] =	wrdreg $0xFFFFFFFF  }
0xc8: {  	_ =	task.clear_ibuf [dreg:s7], $0x2FFFF;
	_ =	strace $0x9FFFFFFF  }
0xc9: {  	(tm) =	ssettm $0x7FFFFFFF  }
tec
execute0_lowered:
.L_overlay_start_1:
0x0: {  	(tag) =	ssettag $0x1  }
0x1: {  	s1 =	rddreg [dreg:$0x0]  }
0x2: {  	s9 =	rddreg [dreg:$0x1]  }
0x3: {  	s3 =	rddreg [dreg:$0x2]  }
0x4: {  	s4 =	simm.s32 $0x0;
	s5 =	srdreg.scid;
	s0 =	stileid.u32  }
0x5: {  	s16 =	simm.s32 $0x14000;
	s18 =	simm.s32 $0x80;
	s19 =	simm.s32 $0x16000  }
0x6: {  	s20 =	simm.s32 $0x1;
	s21 =	simm.s32 $0x1A000;
	s22 =	simm.s32 $0x2  }
0x7: {  	s23 =	simm.s32 $0x0;
	[smem:$0x7FF] =	sst s4;
	s7 =	sand.u32 $0x1, s5  }
0x8: {  	s8 =	smul.u32 $0x2800, s0;
	s5 =	sadd.s32 $0x5F800, s9;
	s6 =	sadd.s32 $0x3000, s9  }
0x9: {  	s12 =	smul.u32 $0x50000, s0;
	s2 =	sadd.s32 $0xD000, s9;
	s30 =	sshll.u32 s0, $0x6  }
0xa: {  	_ =	strace $0x8000004A;
	s10 =	smul.u32 $0x28000, s7;
	s11 =	ssub.s32 $0x2, s7  }
0xb: {  	[dreg:$0x4] =	wrdreg s2;
	s28 =	sshrl.u32 s11, $0x1;
	s29 =	sshrl.u32 s12, $0x2  }
0xc: {  	s8 =	sadd.s32 s8, s10;
	s14 =	ssub.s32 s11, s28;
	s15 =	sadd.s32 s29, s3  }
0xd: {  	s13 =	sadd.s32 s8, s9;
	s31 =	sshrl.u32 s8, $0x3;
	s9 =	sor.u32 $0x1C03, s30  }
0xe: {  	s10 =	sadd.s32 s5, s31;
	s11 =	sadd.s32 s6, s31;
	s12 =	sadd.s32 $0x69800, s13  }
0xf: {  	s13 =	smax.u32 s14, $0x1;
	s14 =	sshrl.u32 s15, $0x3;
	s15 =	simm.s32 $0x3  }
.LBB2_1:
0x10: {  	s0 =	rddreg [dreg:$0x4]  }
0x11: {  	[spmem:s14], [sflag:s9] =	dma.local [hbm:s0], $0x2800  }
0x12: {  	_ =	swait.ge [sflag:s15], $0x2800  }
0x13: {  	[sflag:s15] =	ssyncset.done $0x0  }
0x14: {  	[sflag:s15] =	ssyncadd.s32 $0xFFFFD800  }
0x15: {  	[bflag:$0x0] =	sbarrier.arrive $0xFFFF  }
0x16: {  	[tilespmem:s16], [sflag:$0x3] =	stream.linear.gather [hbm4b:s10+s4], $0x800, $0x38;
	[tilespmem:$0x1E000] =	vst v63  }
0x17: {  	_ =	swait.ge [sflag:s15], $0x800  }
0x18: {  	[sflag:s15] =	ssyncset.done $0x0  }
0x19: {  	s31 =	simm.s32 $0x15000;
	[sflag:s15] =	ssyncadd.s32 $0xFFFFF800  }
0x1a: {  	[tilespmem:s31], [sflag:$0x3] =	stream.linear.gather [hbm4b:s11+s4], $0x800, $0x38;
	[tilespmem:$0x1E000] =	vst v63  }
0x1b: {  	p0 =	por $0x0, $0x0;
	s24 =	simm.s32 $0x800;
	_ =	swait.ge [sflag:s15], $0x800  }
0x1c: {  	s25 =	sadd.s32 @!p0 $0x800, s8;
	s24 =	sand.u32 @!p0 $0x800, s24;
	[sflag:s15] =	ssyncset.done $0x0  }
0x1d: {  	s26 =	simm.s32 @!p0 $0x3;
	s25 =	sshrl.u32 @!p0 s25, $0x3;
	[sflag:s15] =	ssyncadd.s32 $0xFFFFF800  }
0x1e: {  	[tilespmem:s19], [sflag:$0x1] =	stream.indirect.gather [hbm4b:s1+s18], $0x80, s16, s18, $0xb8;
	[tilespmem:$0x1E000] =	vst v63  }
0x1f: {  	s30 =	simm.s32 @!p0 $0x0;
	s28 =	sor.u32 @!p0 $0x14000, s24;
	s29 =	sadd.s32 @!p0 s5, s25  }
0x20: {  	[tilespmem:s28], [sflag:$0x3] =	stream.linear.gather @!p0 [hbm4b:s29+s30], $0x800, $0x38;
	[tilespmem:$0x1E000] =	vst v63  }
0x21: {  	_ =	swait.ge @!p0 [sflag:s26], $0x800  }
0x22: {  	[sflag:s26] =	ssyncset.done @!p0 $0x0  }
0x23: {  	s24 =	sor.u32 @!p0 $0x15000, s24;
	s25 =	sadd.s32 @!p0 s6, s25;
	[sflag:s26] =	ssyncadd.s32 @!p0 $0xFFFFF800  }
0x24: {  	[tilespmem:s24], [sflag:$0x3] =	stream.linear.gather @!p0 [hbm4b:s25+s30], $0x800, $0x38;
	[tilespmem:$0x1E000] =	vst v63  }
0x25: {  	_ =	swait.ge @!p0 [sflag:s26], $0x800  }
0x26: {  	[sflag:s26] =	ssyncset.done @!p0 $0x0  }
0x27: {  	[sflag:s26] =	ssyncadd.s32 @!p0 $0xFFFFF800  }
0x28: {  	s0 =	sand.u32 $0x1, s4;
	_ =	swait.ge [sflag:s20], $0x4000  }
0x29: {  	s25 =	sshll.u32 s0, $0xB;
	[sflag:s20] =	ssyncset.done $0x0  }
0x2a: {  	s24 =	sor.u32 $0x14080, s25;
	[sflag:s20] =	ssyncadd.s32 $0xFFFFC000  }
0x2b: {  	[tilespmem:s21], [sflag:$0x2] =	stream.indirect.gather [hbm4b:s1+s18], $0x80, s24, s18, $0xb8;
	[tilespmem:$0x1E000] =	vst v63  }
0x2c: {  	s2 =	sor.u32 $0x15000, s25  }
0x2d: {  	[spmem:s3] =	stream.indirect.scatter.add.f32 [tilespmem:s19], [sflag:$0x3], $0x80, s2, s18, $0xb8;
	[tilespmem:$0x1E000] =	vst v63  }
0x2e: {  	_ =	swait.ge [sflag:s15], $0x4000  }
0x2f: {  	[sflag:s15] =	ssyncset.done $0x0  }
0x30: {  	[sflag:s15] =	ssyncadd.s32 $0xFFFFC000  }
0x31: {  	_ =	swait.ge [sflag:s22], $0x4000  }
0x32: {  	[sflag:s22] =	ssyncset.done $0x0  }
0x33: {  	s7 =	sor.u32 $0x14100, s25;
	[sflag:s22] =	ssyncadd.s32 $0xFFFFC000  }
0x34: {  	[tilespmem:s19], [sflag:$0x1] =	stream.indirect.gather [hbm4b:s1+s18], $0x80, s7, s18, $0xb8;
	[tilespmem:$0x1E000] =	vst v63  }
0x35: {  	s17 =	sor.u32 $0x15080, s25  }
0x36: {  	[spmem:s3] =	stream.indirect.scatter.add.f32 [tilespmem:s21], [sflag:$0x3], $0x80, s17, s18, $0xb8;
	[tilespmem:$0x1E000] =	vst v63  }
0x37: {  	_ =	swait.ge [sflag:s15], $0x4000  }
0x38: {  	[sflag:s15] =	ssyncset.done $0x0  }
0x39: {  	[sflag:s15] =	ssyncadd.s32 $0xFFFFC000  }
0x3a: {  	_ =	swait.ge [sflag:s20], $0x4000  }
0x3b: {  	[sflag:s20] =	ssyncset.done $0x0  }
0x3c: {  	s26 =	sor.u32 $0x14180, s25;
	[sflag:s20] =	ssyncadd.s32 $0xFFFFC000  }
0x3d: {  	[tilespmem:s21], [sflag:$0x2] =	stream.indirect.gather [hbm4b:s1+s18], $0x80, s26, s18, $0xb8;
	[tilespmem:$0x1E000] =	vst v63  }
0x3e: {  	s31 =	sor.u32 $0x15100, s25  }
0x3f: {  	[spmem:s3] =	stream.indirect.scatter.add.f32 [tilespmem:s19], [sflag:$0x3], $0x80, s31, s18, $0xb8;
	[tilespmem:$0x1E000] =	vst v63  }
0x40: {  	_ =	swait.ge [sflag:s15], $0x4000  }
0x41: {  	[sflag:s15] =	ssyncset.done $0x0  }
0x42: {  	[sflag:s15] =	ssyncadd.s32 $0xFFFFC000  }
0x43: {  	_ =	swait.ge [sflag:s22], $0x4000  }
0x44: {  	[sflag:s22] =	ssyncset.done $0x0  }
0x45: {  	s0 =	sor.u32 $0x14200, s25;
	[sflag:s22] =	ssyncadd.s32 $0xFFFFC000  }
0x46: {  	[tilespmem:s19], [sflag:$0x1] =	stream.indirect.gather [hbm4b:s1+s18], $0x80, s0, s18, $0xb8;
	[tilespmem:$0x1E000] =	vst v63  }
0x47: {  	s2 =	sor.u32 $0x15180, s25  }
0x48: {  	[spmem:s3] =	stream.indirect.scatter.add.f32 [tilespmem:s21], [sflag:$0x3], $0x80, s2, s18, $0xb8;
	[tilespmem:$0x1E000] =	vst v63  }
0x49: {  	_ =	swait.ge [sflag:s15], $0x4000  }
0x4a: {  	[sflag:s15] =	ssyncset.done $0x0  }
0x4b: {  	[sflag:s15] =	ssyncadd.s32 $0xFFFFC000  }
0x4c: {  	_ =	swait.ge [sflag:s20], $0x4000  }
0x4d: {  	[sflag:s20] =	ssyncset.done $0x0  }
0x4e: {  	s7 =	sor.u32 $0x14280, s25;
	[sflag:s20] =	ssyncadd.s32 $0xFFFFC000  }
0x4f: {  	[tilespmem:s21], [sflag:$0x2] =	stream.indirect.gather [hbm4b:s1+s18], $0x80, s7, s18, $0xb8;
	[tilespmem:$0x1E000] =	vst v63  }
0x50: {  	s17 =	sor.u32 $0x15200, s25  }
0x51: {  	[spmem:s3] =	stream.indirect.scatter.add.f32 [tilespmem:s19], [sflag:$0x3], $0x80, s17, s18, $0xb8;
	[tilespmem:$0x1E000] =	vst v63  }
0x52: {  	_ =	swait.ge [sflag:s15], $0x4000  }
0x53: {  	[sflag:s15] =	ssyncset.done $0x0  }
0x54: {  	[sflag:s15] =	ssyncadd.s32 $0xFFFFC000  }
0x55: {  	_ =	swait.ge [sflag:s22], $0x4000  }
0x56: {  	[sflag:s22] =	ssyncset.done $0x0  }
0x57: {  	s26 =	sor.u32 $0x14300, s25;
	[sflag:s22] =	ssyncadd.s32 $0xFFFFC000  }
0x58: {  	[tilespmem:s19], [sflag:$0x1] =	stream.indirect.gather [hbm4b:s1+s18], $0x80, s26, s18, $0xb8;
	[tilespmem:$0x1E000] =	vst v63  }
0x59: {  	s31 =	sor.u32 $0x15280, s25  }
0x5a: {  	[spmem:s3] =	stream.indirect.scatter.add.f32 [tilespmem:s21], [sflag:$0x3], $0x80, s31, s18, $0xb8;
	[tilespmem:$0x1E000] =	vst v63  }
0x5b: {  	_ =	swait.ge [sflag:s15], $0x4000  }
0x5c: {  	[sflag:s15] =	ssyncset.done $0x0  }
0x5d: {  	[sflag:s15] =	ssyncadd.s32 $0xFFFFC000  }
0x5e: {  	_ =	swait.ge [sflag:s20], $0x4000  }
0x5f: {  	[sflag:s20] =	ssyncset.done $0x0  }
0x60: {  	s0 =	sor.u32 $0x14380, s25;
	[sflag:s20] =	ssyncadd.s32 $0xFFFFC000  }
0x61: {  	[tilespmem:s21], [sflag:$0x2] =	stream.indirect.gather [hbm4b:s1+s18], $0x80, s0, s18, $0xb8;
	[tilespmem:$0x1E000] =	vst v63  }
0x62: {  	s2 =	sor.u32 $0x15300, s25  }
0x63: {  	[spmem:s3] =	stream.indirect.scatter.add.f32 [tilespmem:s19], [sflag:$0x3], $0x80, s2, s18, $0xb8;
	[tilespmem:$0x1E000] =	vst v63  }
0x64: {  	_ =	swait.ge [sflag:s15], $0x4000  }
0x65: {  	[sflag:s15] =	ssyncset.done $0x0  }
0x66: {  	[sflag:s15] =	ssyncadd.s32 $0xFFFFC000  }
0x67: {  	_ =	swait.ge [sflag:s22], $0x4000  }
0x68: {  	[sflag:s22] =	ssyncset.done $0x0  }
0x69: {  	s7 =	sor.u32 $0x14400, s25;
	[sflag:s22] =	ssyncadd.s32 $0xFFFFC000  }
0x6a: {  	[tilespmem:s19], [sflag:$0x1] =	stream.indirect.gather [hbm4b:s1+s18], $0x80, s7, s18, $0xb8;
	[tilespmem:$0x1E000] =	vst v63  }
0x6b: {  	s17 =	sor.u32 $0x15380, s25  }
0x6c: {  	[spmem:s3] =	stream.indirect.scatter.add.f32 [tilespmem:s21], [sflag:$0x3], $0x80, s17, s18, $0xb8;
	[tilespmem:$0x1E000] =	vst v63  }
0x6d: {  	_ =	swait.ge [sflag:s15], $0x4000  }
0x6e: {  	[sflag:s15] =	ssyncset.done $0x0  }
0x6f: {  	[sflag:s15] =	ssyncadd.s32 $0xFFFFC000  }
0x70: {  	_ =	swait.ge [sflag:s20], $0x4000  }
0x71: {  	[sflag:s20] =	ssyncset.done $0x0  }
0x72: {  	s26 =	sor.u32 $0x14480, s25;
	[sflag:s20] =	ssyncadd.s32 $0xFFFFC000  }
0x73: {  	[tilespmem:s21], [sflag:$0x2] =	stream.indirect.gather [hbm4b:s1+s18], $0x80, s26, s18, $0xb8;
	[tilespmem:$0x1E000] =	vst v63  }
0x74: {  	s31 =	sor.u32 $0x15400, s25  }
0x75: {  	[spmem:s3] =	stream.indirect.scatter.add.f32 [tilespmem:s19], [sflag:$0x3], $0x80, s31, s18, $0xb8;
	[tilespmem:$0x1E000] =	vst v63  }
0x76: {  	_ =	swait.ge [sflag:s15], $0x4000  }
0x77: {  	[sflag:s15] =	ssyncset.done $0x0  }
0x78: {  	[sflag:s15] =	ssyncadd.s32 $0xFFFFC000  }
0x79: {  	_ =	swait.ge [sflag:s22], $0x4000  }
0x7a: {  	[sflag:s22] =	ssyncset.done $0x0  }
0x7b: {  	s0 =	sor.u32 $0x14500, s25;
	[sflag:s22] =	ssyncadd.s32 $0xFFFFC000  }
0x7c: {  	[tilespmem:s19], [sflag:$0x1] =	stream.indirect.gather [hbm4b:s1+s18], $0x80, s0, s18, $0xb8;
	[tilespmem:$0x1E000] =	vst v63  }
0x7d: {  	s2 =	sor.u32 $0x15480, s25  }
0x7e: {  	[spmem:s3] =	stream.indirect.scatter.add.f32 [tilespmem:s21], [sflag:$0x3], $0x80, s2, s18, $0xb8;
	[tilespmem:$0x1E000] =	vst v63  }
0x7f: {  	_ =	swait.ge [sflag:s15], $0x4000  }
0x80: {  	[sflag:s15] =	ssyncset.done $0x0  }
0x81: {  	[sflag:s15] =	ssyncadd.s32 $0xFFFFC000  }
0x82: {  	_ =	swait.ge [sflag:s20], $0x4000  }
0x83: {  	[sflag:s20] =	ssyncset.done $0x0  }
0x84: {  	s7 =	sor.u32 $0x14580, s25;
	[sflag:s20] =	ssyncadd.s32 $0xFFFFC000  }
0x85: {  	[tilespmem:s21], [sflag:$0x2] =	stream.indirect.gather [hbm4b:s1+s18], $0x80, s7, s18, $0xb8;
	[tilespmem:$0x1E000] =	vst v63  }
0x86: {  	s17 =	sor.u32 $0x15500, s25  }
0x87: {  	[spmem:s3] =	stream.indirect.scatter.add.f32 [tilespmem:s19], [sflag:$0x3], $0x80, s17, s18, $0xb8;
	[tilespmem:$0x1E000] =	vst v63  }
0x88: {  	_ =	swait.ge [sflag:s15], $0x4000  }
0x89: {  	[sflag:s15] =	ssyncset.done $0x0  }
0x8a: {  	[sflag:s15] =	ssyncadd.s32 $0xFFFFC000  }
0x8b: {  	_ =	swait.ge [sflag:s22], $0x4000  }
0x8c: {  	[sflag:s22] =	ssyncset.done $0x0  }
0x8d: {  	s26 =	sor.u32 $0x14600, s25;
	[sflag:s22] =	ssyncadd.s32 $0xFFFFC000  }
0x8e: {  	[tilespmem:s19], [sflag:$0x1] =	stream.indirect.gather [hbm4b:s1+s18], $0x80, s26, s18, $0xb8;
	[tilespmem:$0x1E000] =	vst v63  }
0x8f: {  	s31 =	sor.u32 $0x15580, s25  }
0x90: {  	[spmem:s3] =	stream.indirect.scatter.add.f32 [tilespmem:s21], [sflag:$0x3], $0x80, s31, s18, $0xb8;
	[tilespmem:$0x1E000] =	vst v63  }
0x91: {  	_ =	swait.ge [sflag:s15], $0x4000  }
0x92: {  	[sflag:s15] =	ssyncset.done $0x0  }
0x93: {  	[sflag:s15] =	ssyncadd.s32 $0xFFFFC000  }
0x94: {  	_ =	swait.ge [sflag:s20], $0x4000  }
0x95: {  	[sflag:s20] =	ssyncset.done $0x0  }
0x96: {  	s0 =	sor.u32 $0x14680, s25;
	[sflag:s20] =	ssyncadd.s32 $0xFFFFC000  }
0x97: {  	[tilespmem:s21], [sflag:$0x2] =	stream.indirect.gather [hbm4b:s1+s18], $0x80, s0, s18, $0xb8;
	[tilespmem:$0x1E000] =	vst v63  }
0x98: {  	s2 =	sor.u32 $0x15600, s25  }
0x99: {  	[spmem:s3] =	stream.indirect.scatter.add.f32 [tilespmem:s19], [sflag:$0x3], $0x80, s2, s18, $0xb8;
	[tilespmem:$0x1E000] =	vst v63  }
0x9a: {  	_ =	swait.ge [sflag:s15], $0x4000  }
0x9b: {  	[sflag:s15] =	ssyncset.done $0x0  }
0x9c: {  	[sflag:s15] =	ssyncadd.s32 $0xFFFFC000  }
0x9d: {  	_ =	swait.ge [sflag:s22], $0x4000  }
0x9e: {  	[sflag:s22] =	ssyncset.done $0x0  }
0x9f: {  	s7 =	sor.u32 $0x14700, s25;
	[sflag:s22] =	ssyncadd.s32 $0xFFFFC000  }
0xa0: {  	[tilespmem:s19], [sflag:$0x1] =	stream.indirect.gather [hbm4b:s1+s18], $0x80, s7, s18, $0xb8;
	[tilespmem:$0x1E000] =	vst v63  }
0xa1: {  	s17 =	sor.u32 $0x15680, s25  }
0xa2: {  	[spmem:s3] =	stream.indirect.scatter.add.f32 [tilespmem:s21], [sflag:$0x3], $0x80, s17, s18, $0xb8;
	[tilespmem:$0x1E000] =	vst v63  }
0xa3: {  	_ =	swait.ge [sflag:s15], $0x4000  }
0xa4: {  	[sflag:s15] =	ssyncset.done $0x0  }
0xa5: {  	[sflag:s15] =	ssyncadd.s32 $0xFFFFC000  }
0xa6: {  	_ =	swait.ge [sflag:s20], $0x4000  }
0xa7: {  	[sflag:s20] =	ssyncset.done $0x0  }
0xa8: {  	s26 =	sor.u32 $0x14780, s25;
	[sflag:s20] =	ssyncadd.s32 $0xFFFFC000  }
0xa9: {  	[tilespmem:s21], [sflag:$0x2] =	stream.indirect.gather [hbm4b:s1+s18], $0x80, s26, s18, $0xb8;
	[tilespmem:$0x1E000] =	vst v63  }
0xaa: {  	s31 =	sor.u32 $0x15700, s25  }
0xab: {  	[spmem:s3] =	stream.indirect.scatter.add.f32 [tilespmem:s19], [sflag:$0x3], $0x80, s31, s18, $0xb8;
	[tilespmem:$0x1E000] =	vst v63  }
0xac: {  	_ =	swait.ge [sflag:s15], $0x4000  }
0xad: {  	[sflag:s15] =	ssyncset.done $0x0  }
0xae: {  	s28 =	simm.s32 @!p0 $0x80;
	s24 =	simm.s32 $0x2000;
	[sflag:s15] =	ssyncadd.s32 $0xFFFFC000  }
0xaf: {  	s29 =	simm.s32 @!p0 $0x16000;
	s26 =	sand.u32 @!p0 $0x2000, s24;
	_ =	swait.ge [sflag:s22], $0x4000  }
0xb0: {  	s25 =	sor.u32 $0x780, s25;
	s26 =	sshrl.u32 @!p0 s26, $0x2;
	[sflag:s22] =	ssyncset.done $0x0  }
0xb1: {  	s24 =	simm.s32 $0x4000;
	s26 =	sor.u32 @!p0 $0x14000, s26;
	[sflag:s22] =	ssyncadd.s32 $0xFFFFC000  }
0xb2: {  	[tilespmem:s29], [sflag:$0x1] =	stream.indirect.gather @!p0 [hbm4b:s1+s28], $0x80, s26, s28, $0xb8;
	[tilespmem:$0x1E000] =	vst v63  }
0xb3: {  	s26 =	simm.s32 $0x6000;
	s28 =	sor.u32 $0x15000, s25;
	s25 =	simm.s32 $0x1  }
0xb4: {  	[spmem:s3] =	stream.indirect.scatter.add.f32 [tilespmem:s21], [sflag:$0x3], $0x80, s28, s18, $0xb8;
	[tilespmem:$0x1E000] =	vst v63  }
0xb5: {  	p0 =	por $0x0, $0x0;
	s28 =	simm.s32 $0x1000;
	_ =	swait.ge [sflag:s15], $0x4000  }
0xb6: {  	s30 =	sadd.s32 @!p0 $0x1000, s8;
	s29 =	sand.u32 @!p0 $0x800, s28;
	[sflag:s15] =	ssyncset.done $0x0  }
.LBB2_2:
0xb7: {  	s30 =	sshrl.u32 @!p0 s30, $0x3  }
0xb8: {  	s31 =	simm.s32 @!p0 $0x3;
	[sflag:s15] =	ssyncadd.s32 $0xFFFFC000;
	s0 =	smov.u32 s26  }
0xb9: {  	s2 =	sor.u32 @!p0 $0x14000, s29;
	s7 =	simm.s32 @!p0 $0x0;
	s17 =	sadd.s32 @!p0 s5, s30  }
0xba: {  	[tilespmem:s2], [sflag:$0x3] =	stream.linear.gather @!p0 [hbm4b:s17+s7], $0x800, $0x38;
	[tilespmem:$0x1E000] =	vst v63  }
0xbb: {  	s2 =	sadd.s32 @!p0 s6, s30;
	s17 =	sand.u32 @!p0 $0x2000, s24;
	_ =	swait.ge @!p0 [sflag:s31], $0x800  }
0xbc: {  	s26 =	sadd.s32 $0x2000, s26;
	s17 =	sshrl.u32 @!p0 s17, $0x2;
	[sflag:s31] =	ssyncset.done @!p0 $0x0  }
0xbd: {  	s24 =	sor.u32 @!p0 $0x15000, s29;
	s29 =	sor.u32 @!p0 $0x14000, s17;
	[sflag:s31] =	ssyncadd.s32 @!p0 $0xFFFFF800  }
0xbe: {  	[tilespmem:s24], [sflag:$0x3] =	stream.linear.gather @!p0 [hbm4b:s2+s7], $0x800, $0x38;
	[tilespmem:$0x1E000] =	vst v63  }
0xbf: {  	p1 =	sne.s32 s26, $0xC000;
	s24 =	smov.u32 s0;
	_ =	swait.ge @!p0 [sflag:s31], $0x800  }
0xc0: {  	[sflag:s31] =	ssyncset.done @!p0 $0x0  }
0xc1: {  	[sflag:s31] =	ssyncadd.s32 @!p0 $0xFFFFF800  }
0xc2: {  	s0 =	sand.u32 $0x1, s25;
	_ =	swait.ge [sflag:s20], $0x4000  }
0xc3: {  	s31 =	sshll.u32 s0, $0xB;
	[sflag:s20] =	ssyncset.done $0x0  }
0xc4: {  	s0 =	sor.u32 $0x14080, s31;
	s30 =	sor.u32 $0x780, s31;
	[sflag:s20] =	ssyncadd.s32 $0xFFFFC000  }
0xc5: {  	[tilespmem:s21], [sflag:$0x2] =	stream.indirect.gather [hbm4b:s1+s18], $0x80, s0, s18, $0xb8;
	[tilespmem:$0x1E000] =	vst v63  }
0xc6: {  	s0 =	sor.u32 $0x15000, s31  }
0xc7: {  	[spmem:s3] =	stream.indirect.scatter.add.f32 [tilespmem:s19], [sflag:$0x3], $0x80, s0, s18, $0xb8;
	[tilespmem:$0x1E000] =	vst v63  }
0xc8: {  	_ =	swait.ge [sflag:s15], $0x4000  }
0xc9: {  	[sflag:s15] =	ssyncset.done $0x0  }
0xca: {  	[sflag:s15] =	ssyncadd.s32 $0xFFFFC000  }
0xcb: {  	_ =	swait.ge [sflag:s22], $0x4000  }
0xcc: {  	[sflag:s22] =	ssyncset.done $0x0  }
0xcd: {  	s0 =	sor.u32 $0x14100, s31;
	[sflag:s22] =	ssyncadd.s32 $0xFFFFC000  }
0xce: {  	[tilespmem:s19], [sflag:$0x1] =	stream.indirect.gather [hbm4b:s1+s18], $0x80, s0, s18, $0xb8;
	[tilespmem:$0x1E000] =	vst v63  }
0xcf: {  	s0 =	sor.u32 $0x15080, s31  }
0xd0: {  	[spmem:s3] =	stream.indirect.scatter.add.f32 [tilespmem:s21], [sflag:$0x3], $0x80, s0, s18, $0xb8;
	[tilespmem:$0x1E000] =	vst v63  }
0xd1: {  	_ =	swait.ge [sflag:s15], $0x4000  }
0xd2: {  	[sflag:s15] =	ssyncset.done $0x0  }
0xd3: {  	[sflag:s15] =	ssyncadd.s32 $0xFFFFC000  }
0xd4: {  	_ =	swait.ge [sflag:s20], $0x4000  }
0xd5: {  	[sflag:s20] =	ssyncset.done $0x0  }
0xd6: {  	s0 =	sor.u32 $0x14180, s31;
	[sflag:s20] =	ssyncadd.s32 $0xFFFFC000  }
0xd7: {  	[tilespmem:s21], [sflag:$0x2] =	stream.indirect.gather [hbm4b:s1+s18], $0x80, s0, s18, $0xb8;
	[tilespmem:$0x1E000] =	vst v63  }
0xd8: {  	s0 =	sor.u32 $0x15100, s31  }
0xd9: {  	[spmem:s3] =	stream.indirect.scatter.add.f32 [tilespmem:s19], [sflag:$0x3], $0x80, s0, s18, $0xb8;
	[tilespmem:$0x1E000] =	vst v63  }
0xda: {  	_ =	swait.ge [sflag:s15], $0x4000  }
0xdb: {  	[sflag:s15] =	ssyncset.done $0x0  }
0xdc: {  	[sflag:s15] =	ssyncadd.s32 $0xFFFFC000  }
0xdd: {  	_ =	swait.ge [sflag:s22], $0x4000  }
0xde: {  	[sflag:s22] =	ssyncset.done $0x0  }
0xdf: {  	s0 =	sor.u32 $0x14200, s31;
	[sflag:s22] =	ssyncadd.s32 $0xFFFFC000  }
0xe0: {  	[tilespmem:s19], [sflag:$0x1] =	stream.indirect.gather [hbm4b:s1+s18], $0x80, s0, s18, $0xb8;
	[tilespmem:$0x1E000] =	vst v63  }
0xe1: {  	s0 =	sor.u32 $0x15180, s31  }
0xe2: {  	[spmem:s3] =	stream.indirect.scatter.add.f32 [tilespmem:s21], [sflag:$0x3], $0x80, s0, s18, $0xb8;
	[tilespmem:$0x1E000] =	vst v63  }
0xe3: {  	_ =	swait.ge [sflag:s15], $0x4000  }
0xe4: {  	[sflag:s15] =	ssyncset.done $0x0  }
0xe5: {  	[sflag:s15] =	ssyncadd.s32 $0xFFFFC000  }
0xe6: {  	_ =	swait.ge [sflag:s20], $0x4000  }
0xe7: {  	[sflag:s20] =	ssyncset.done $0x0  }
0xe8: {  	s0 =	sor.u32 $0x14280, s31;
	[sflag:s20] =	ssyncadd.s32 $0xFFFFC000  }
0xe9: {  	[tilespmem:s21], [sflag:$0x2] =	stream.indirect.gather [hbm4b:s1+s18], $0x80, s0, s18, $0xb8;
	[tilespmem:$0x1E000] =	vst v63  }
0xea: {  	s0 =	sor.u32 $0x15200, s31  }
0xeb: {  	[spmem:s3] =	stream.indirect.scatter.add.f32 [tilespmem:s19], [sflag:$0x3], $0x80, s0, s18, $0xb8;
	[tilespmem:$0x1E000] =	vst v63  }
0xec: {  	_ =	swait.ge [sflag:s15], $0x4000  }
0xed: {  	[sflag:s15] =	ssyncset.done $0x0  }
0xee: {  	[sflag:s15] =	ssyncadd.s32 $0xFFFFC000  }
0xef: {  	_ =	swait.ge [sflag:s22], $0x4000  }
0xf0: {  	[sflag:s22] =	ssyncset.done $0x0  }
0xf1: {  	s0 =	sor.u32 $0x14300, s31;
	[sflag:s22] =	ssyncadd.s32 $0xFFFFC000  }
0xf2: {  	[tilespmem:s19], [sflag:$0x1] =	stream.indirect.gather [hbm4b:s1+s18], $0x80, s0, s18, $0xb8;
	[tilespmem:$0x1E000] =	vst v63  }
0xf3: {  	s0 =	sor.u32 $0x15280, s31  }
0xf4: {  	[spmem:s3] =	stream.indirect.scatter.add.f32 [tilespmem:s21], [sflag:$0x3], $0x80, s0, s18, $0xb8;
	[tilespmem:$0x1E000] =	vst v63  }
0xf5: {  	_ =	swait.ge [sflag:s15], $0x4000  }
0xf6: {  	[sflag:s15] =	ssyncset.done $0x0  }
0xf7: {  	[sflag:s15] =	ssyncadd.s32 $0xFFFFC000  }
0xf8: {  	_ =	swait.ge [sflag:s20], $0x4000  }
0xf9: {  	[sflag:s20] =	ssyncset.done $0x0  }
0xfa: {  	s0 =	sor.u32 $0x14380, s31;
	[sflag:s20] =	ssyncadd.s32 $0xFFFFC000  }
0xfb: {  	[tilespmem:s21], [sflag:$0x2] =	stream.indirect.gather [hbm4b:s1+s18], $0x80, s0, s18, $0xb8;
	[tilespmem:$0x1E000] =	vst v63  }
0xfc: {  	s0 =	sor.u32 $0x15300, s31  }
0xfd: {  	[spmem:s3] =	stream.indirect.scatter.add.f32 [tilespmem:s19], [sflag:$0x3], $0x80, s0, s18, $0xb8;
	[tilespmem:$0x1E000] =	vst v63  }
0xfe: {  	_ =	swait.ge [sflag:s15], $0x4000  }
0xff: {  	[sflag:s15] =	ssyncset.done $0x0  }
0x100: {  	[sflag:s15] =	ssyncadd.s32 $0xFFFFC000  }
0x101: {  	_ =	swait.ge [sflag:s22], $0x4000  }
0x102: {  	[sflag:s22] =	ssyncset.done $0x0  }
0x103: {  	s0 =	sor.u32 $0x14400, s31;
	[sflag:s22] =	ssyncadd.s32 $0xFFFFC000  }
0x104: {  	[tilespmem:s19], [sflag:$0x1] =	stream.indirect.gather [hbm4b:s1+s18], $0x80, s0, s18, $0xb8;
	[tilespmem:$0x1E000] =	vst v63  }
0x105: {  	s0 =	sor.u32 $0x15380, s31  }
0x106: {  	[spmem:s3] =	stream.indirect.scatter.add.f32 [tilespmem:s21], [sflag:$0x3], $0x80, s0, s18, $0xb8;
	[tilespmem:$0x1E000] =	vst v63  }
0x107: {  	_ =	swait.ge [sflag:s15], $0x4000  }
0x108: {  	[sflag:s15] =	ssyncset.done $0x0  }
0x109: {  	[sflag:s15] =	ssyncadd.s32 $0xFFFFC000  }
0x10a: {  	_ =	swait.ge [sflag:s20], $0x4000  }
0x10b: {  	[sflag:s20] =	ssyncset.done $0x0  }
0x10c: {  	s0 =	sor.u32 $0x14480, s31;
	[sflag:s20] =	ssyncadd.s32 $0xFFFFC000  }
0x10d: {  	[tilespmem:s21], [sflag:$0x2] =	stream.indirect.gather [hbm4b:s1+s18], $0x80, s0, s18, $0xb8;
	[tilespmem:$0x1E000] =	vst v63  }
0x10e: {  	s0 =	sor.u32 $0x15400, s31  }
0x10f: {  	[spmem:s3] =	stream.indirect.scatter.add.f32 [tilespmem:s19], [sflag:$0x3], $0x80, s0, s18, $0xb8;
	[tilespmem:$0x1E000] =	vst v63  }
0x110: {  	_ =	swait.ge [sflag:s15], $0x4000  }
0x111: {  	[sflag:s15] =	ssyncset.done $0x0  }
0x112: {  	[sflag:s15] =	ssyncadd.s32 $0xFFFFC000  }
0x113: {  	_ =	swait.ge [sflag:s22], $0x4000  }
0x114: {  	[sflag:s22] =	ssyncset.done $0x0  }
0x115: {  	s0 =	sor.u32 $0x14500, s31;
	[sflag:s22] =	ssyncadd.s32 $0xFFFFC000  }
0x116: {  	[tilespmem:s19], [sflag:$0x1] =	stream.indirect.gather [hbm4b:s1+s18], $0x80, s0, s18, $0xb8;
	[tilespmem:$0x1E000] =	vst v63  }
0x117: {  	s0 =	sor.u32 $0x15480, s31  }
0x118: {  	[spmem:s3] =	stream.indirect.scatter.add.f32 [tilespmem:s21], [sflag:$0x3], $0x80, s0, s18, $0xb8;
	[tilespmem:$0x1E000] =	vst v63  }
0x119: {  	_ =	swait.ge [sflag:s15], $0x4000  }
0x11a: {  	[sflag:s15] =	ssyncset.done $0x0  }
0x11b: {  	[sflag:s15] =	ssyncadd.s32 $0xFFFFC000  }
0x11c: {  	_ =	swait.ge [sflag:s20], $0x4000  }
0x11d: {  	[sflag:s20] =	ssyncset.done $0x0  }
0x11e: {  	s0 =	sor.u32 $0x14580, s31;
	[sflag:s20] =	ssyncadd.s32 $0xFFFFC000  }
0x11f: {  	[tilespmem:s21], [sflag:$0x2] =	stream.indirect.gather [hbm4b:s1+s18], $0x80, s0, s18, $0xb8;
	[tilespmem:$0x1E000] =	vst v63  }
0x120: {  	s0 =	sor.u32 $0x15500, s31  }
0x121: {  	[spmem:s3] =	stream.indirect.scatter.add.f32 [tilespmem:s19], [sflag:$0x3], $0x80, s0, s18, $0xb8;
	[tilespmem:$0x1E000] =	vst v63  }
0x122: {  	_ =	swait.ge [sflag:s15], $0x4000  }
0x123: {  	[sflag:s15] =	ssyncset.done $0x0  }
0x124: {  	[sflag:s15] =	ssyncadd.s32 $0xFFFFC000  }
0x125: {  	_ =	swait.ge [sflag:s22], $0x4000  }
0x126: {  	[sflag:s22] =	ssyncset.done $0x0  }
0x127: {  	s0 =	sor.u32 $0x14600, s31;
	[sflag:s22] =	ssyncadd.s32 $0xFFFFC000  }
0x128: {  	[tilespmem:s19], [sflag:$0x1] =	stream.indirect.gather [hbm4b:s1+s18], $0x80, s0, s18, $0xb8;
	[tilespmem:$0x1E000] =	vst v63  }
0x129: {  	s0 =	sor.u32 $0x15580, s31  }
0x12a: {  	[spmem:s3] =	stream.indirect.scatter.add.f32 [tilespmem:s21], [sflag:$0x3], $0x80, s0, s18, $0xb8;
	[tilespmem:$0x1E000] =	vst v63  }
0x12b: {  	_ =	swait.ge [sflag:s15], $0x4000  }
0x12c: {  	[sflag:s15] =	ssyncset.done $0x0  }
0x12d: {  	[sflag:s15] =	ssyncadd.s32 $0xFFFFC000  }
0x12e: {  	_ =	swait.ge [sflag:s20], $0x4000  }
0x12f: {  	[sflag:s20] =	ssyncset.done $0x0  }
0x130: {  	s0 =	sor.u32 $0x14680, s31;
	[sflag:s20] =	ssyncadd.s32 $0xFFFFC000  }
0x131: {  	[tilespmem:s21], [sflag:$0x2] =	stream.indirect.gather [hbm4b:s1+s18], $0x80, s0, s18, $0xb8;
	[tilespmem:$0x1E000] =	vst v63  }
0x132: {  	s0 =	sor.u32 $0x15600, s31  }
0x133: {  	[spmem:s3] =	stream.indirect.scatter.add.f32 [tilespmem:s19], [sflag:$0x3], $0x80, s0, s18, $0xb8;
	[tilespmem:$0x1E000] =	vst v63  }
0x134: {  	_ =	swait.ge [sflag:s15], $0x4000  }
0x135: {  	[sflag:s15] =	ssyncset.done $0x0  }
0x136: {  	[sflag:s15] =	ssyncadd.s32 $0xFFFFC000  }
0x137: {  	_ =	swait.ge [sflag:s22], $0x4000  }
0x138: {  	[sflag:s22] =	ssyncset.done $0x0  }
0x139: {  	s0 =	sor.u32 $0x14700, s31;
	[sflag:s22] =	ssyncadd.s32 $0xFFFFC000  }
0x13a: {  	[tilespmem:s19], [sflag:$0x1] =	stream.indirect.gather [hbm4b:s1+s18], $0x80, s0, s18, $0xb8;
	[tilespmem:$0x1E000] =	vst v63  }
0x13b: {  	s0 =	sor.u32 $0x15680, s31  }
0x13c: {  	[spmem:s3] =	stream.indirect.scatter.add.f32 [tilespmem:s21], [sflag:$0x3], $0x80, s0, s18, $0xb8;
	[tilespmem:$0x1E000] =	vst v63  }
0x13d: {  	_ =	swait.ge [sflag:s15], $0x4000  }
0x13e: {  	[sflag:s15] =	ssyncset.done $0x0  }
0x13f: {  	[sflag:s15] =	ssyncadd.s32 $0xFFFFC000  }
0x140: {  	_ =	swait.ge [sflag:s20], $0x4000  }
0x141: {  	[sflag:s20] =	ssyncset.done $0x0  }
0x142: {  	s0 =	sor.u32 $0x14780, s31;
	[sflag:s20] =	ssyncadd.s32 $0xFFFFC000  }
0x143: {  	[tilespmem:s21], [sflag:$0x2] =	stream.indirect.gather [hbm4b:s1+s18], $0x80, s0, s18, $0xb8;
	[tilespmem:$0x1E000] =	vst v63  }
0x144: {  	s0 =	sor.u32 $0x15700, s31  }
0x145: {  	[spmem:s3] =	stream.indirect.scatter.add.f32 [tilespmem:s19], [sflag:$0x3], $0x80, s0, s18, $0xb8;
	[tilespmem:$0x1E000] =	vst v63  }
0x146: {  	_ =	swait.ge [sflag:s15], $0x4000  }
0x147: {  	[sflag:s15] =	ssyncset.done $0x0  }
0x148: {  	[sflag:s15] =	ssyncadd.s32 $0xFFFFC000  }
0x149: {  	_ =	swait.ge [sflag:s22], $0x4000  }
0x14a: {  	[sflag:s22] =	ssyncset.done $0x0  }
0x14b: {  	s2 =	simm.s32 @!p0 $0x16000;
	s0 =	simm.s32 @!p0 $0x80;
	[sflag:s22] =	ssyncadd.s32 $0xFFFFC000  }
0x14c: {  	[tilespmem:s2], [sflag:$0x1] =	stream.indirect.gather @!p0 [hbm4b:s1+s0], $0x80, s29, s0, $0xb8;
	[tilespmem:$0x1E000] =	vst v63  }
.Ltmp0:
0x14d: {  	_ = 	snop;
	(pc) =	sbr.rel @p1 .LBB2_2-.Ltmp0, $4  }
0x14e: {  	s25 =	sadd.s32 $0x1, s25;
	s0 =	sor.u32 $0x15000, s30  }
0x14f: {  	[spmem:s3] =	stream.indirect.scatter.add.f32 [tilespmem:s21], [sflag:$0x3], $0x80, s0, s18, $0xb8;
	[tilespmem:$0x1E000] =	vst v63  }
0x150: {  	s28 =	sadd.s32 $0x800, s28;
	p0 =	seq.s32 s25, $0x4;
	_ =	swait.ge [sflag:s15], $0x4000  }
0x151: {  	s30 =	sadd.s32 @!p0 s28, s8;
	s29 =	sand.u32 @!p0 $0x800, s28;
	[sflag:s15] =	ssyncset.done $0x0  }
0x152: {  	s0 =	sshrl.u32 @!p0 s30, $0x3;
	s2 =	simm.s32 @!p0 $0x3;
	[sflag:s15] =	ssyncadd.s32 $0xFFFFC000  }
0x153: {  	s7 =	sor.u32 @!p0 $0x14000, s29;
	s26 =	simm.s32 @!p0 $0x0;
	s17 =	sadd.s32 @!p0 s5, s0  }
0x154: {  	[tilespmem:s7], [sflag:$0x3] =	stream.linear.gather @!p0 [hbm4b:s17+s26], $0x800, $0x38;
	[tilespmem:$0x1E000] =	vst v63  }
0x155: {  	_ =	swait.ge @!p0 [sflag:s2], $0x800  }
0x156: {  	[sflag:s2] =	ssyncset.done @!p0 $0x0  }
0x157: {  	s0 =	sadd.s32 @!p0 s6, s0;
	s7 =	sor.u32 @!p0 $0x15000, s29;
	[sflag:s2] =	ssyncadd.s32 @!p0 $0xFFFFF800  }
0x158: {  	[tilespmem:s7], [sflag:$0x3] =	stream.linear.gather @!p0 [hbm4b:s0+s26], $0x800, $0x38;
	[tilespmem:$0x1E000] =	vst v63  }
0x159: {  	_ =	swait.ge @!p0 [sflag:s2], $0x800  }
0x15a: {  	[sflag:s2] =	ssyncset.done @!p0 $0x0  }
0x15b: {  	[sflag:s2] =	ssyncadd.s32 @!p0 $0xFFFFF800  }
0x15c: {  	s2 =	sand.u32 $0x1, s25;
	_ =	swait.ge [sflag:s20], $0x4000  }
0x15d: {  	s25 =	sshll.u32 s2, $0xB;
	[sflag:s20] =	ssyncset.done $0x0  }
0x15e: {  	s0 =	sor.u32 $0x14080, s25;
	[sflag:s20] =	ssyncadd.s32 $0xFFFFC000  }
0x15f: {  	[tilespmem:s21], [sflag:$0x2] =	stream.indirect.gather [hbm4b:s1+s18], $0x80, s0, s18, $0xb8;
	[tilespmem:$0x1E000] =	vst v63  }
0x160: {  	s7 =	sor.u32 $0x15000, s25  }
0x161: {  	[spmem:s3] =	stream.indirect.scatter.add.f32 [tilespmem:s19], [sflag:$0x3], $0x80, s7, s18, $0xb8;
	[tilespmem:$0x1E000] =	vst v63  }
0x162: {  	_ =	swait.ge [sflag:s15], $0x4000  }
0x163: {  	[sflag:s15] =	ssyncset.done $0x0  }
0x164: {  	[sflag:s15] =	ssyncadd.s32 $0xFFFFC000  }
0x165: {  	_ =	swait.ge [sflag:s22], $0x4000  }
0x166: {  	[sflag:s22] =	ssyncset.done $0x0  }
0x167: {  	s17 =	sor.u32 $0x14100, s25;
	[sflag:s22] =	ssyncadd.s32 $0xFFFFC000  }
0x168: {  	[tilespmem:s19], [sflag:$0x1] =	stream.indirect.gather [hbm4b:s1+s18], $0x80, s17, s18, $0xb8;
	[tilespmem:$0x1E000] =	vst v63  }
0x169: {  	s26 =	sor.u32 $0x15080, s25  }
0x16a: {  	[spmem:s3] =	stream.indirect.scatter.add.f32 [tilespmem:s21], [sflag:$0x3], $0x80, s26, s18, $0xb8;
	[tilespmem:$0x1E000] =	vst v63  }
0x16b: {  	_ =	swait.ge [sflag:s15], $0x4000  }
0x16c: {  	[sflag:s15] =	ssyncset.done $0x0  }
0x16d: {  	[sflag:s15] =	ssyncadd.s32 $0xFFFFC000  }
0x16e: {  	_ =	swait.ge [sflag:s20], $0x4000  }
0x16f: {  	[sflag:s20] =	ssyncset.done $0x0  }
0x170: {  	s28 =	sor.u32 $0x14180, s25;
	[sflag:s20] =	ssyncadd.s32 $0xFFFFC000  }
0x171: {  	[tilespmem:s21], [sflag:$0x2] =	stream.indirect.gather [hbm4b:s1+s18], $0x80, s28, s18, $0xb8;
	[tilespmem:$0x1E000] =	vst v63  }
0x172: {  	s29 =	sor.u32 $0x15100, s25  }
0x173: {  	[spmem:s3] =	stream.indirect.scatter.add.f32 [tilespmem:s19], [sflag:$0x3], $0x80, s29, s18, $0xb8;
	[tilespmem:$0x1E000] =	vst v63  }
0x174: {  	_ =	swait.ge [sflag:s15], $0x4000  }
0x175: {  	[sflag:s15] =	ssyncset.done $0x0  }
0x176: {  	[sflag:s15] =	ssyncadd.s32 $0xFFFFC000  }
0x177: {  	_ =	swait.ge [sflag:s22], $0x4000  }
0x178: {  	[sflag:s22] =	ssyncset.done $0x0  }
0x179: {  	s30 =	sor.u32 $0x14200, s25;
	[sflag:s22] =	ssyncadd.s32 $0xFFFFC000  }
0x17a: {  	[tilespmem:s19], [sflag:$0x1] =	stream.indirect.gather [hbm4b:s1+s18], $0x80, s30, s18, $0xb8;
	[tilespmem:$0x1E000] =	vst v63  }
0x17b: {  	s31 =	sor.u32 $0x15180, s25  }
0x17c: {  	[spmem:s3] =	stream.indirect.scatter.add.f32 [tilespmem:s21], [sflag:$0x3], $0x80, s31, s18, $0xb8;
	[tilespmem:$0x1E000] =	vst v63  }
0x17d: {  	_ =	swait.ge [sflag:s15], $0x4000  }
0x17e: {  	[sflag:s15] =	ssyncset.done $0x0  }
0x17f: {  	[sflag:s15] =	ssyncadd.s32 $0xFFFFC000  }
0x180: {  	_ =	swait.ge [sflag:s20], $0x4000  }
0x181: {  	[sflag:s20] =	ssyncset.done $0x0  }
0x182: {  	s2 =	sor.u32 $0x14280, s25;
	[sflag:s20] =	ssyncadd.s32 $0xFFFFC000  }
0x183: {  	[tilespmem:s21], [sflag:$0x2] =	stream.indirect.gather [hbm4b:s1+s18], $0x80, s2, s18, $0xb8;
	[tilespmem:$0x1E000] =	vst v63  }
0x184: {  	s7 =	sor.u32 $0x15200, s25  }
0x185: {  	[spmem:s3] =	stream.indirect.scatter.add.f32 [tilespmem:s19], [sflag:$0x3], $0x80, s7, s18, $0xb8;
	[tilespmem:$0x1E000] =	vst v63  }
0x186: {  	_ =	swait.ge [sflag:s15], $0x4000  }
0x187: {  	[sflag:s15] =	ssyncset.done $0x0  }
0x188: {  	[sflag:s15] =	ssyncadd.s32 $0xFFFFC000  }
0x189: {  	_ =	swait.ge [sflag:s22], $0x4000  }
0x18a: {  	[sflag:s22] =	ssyncset.done $0x0  }
0x18b: {  	s17 =	sor.u32 $0x14300, s25;
	[sflag:s22] =	ssyncadd.s32 $0xFFFFC000  }
0x18c: {  	[tilespmem:s19], [sflag:$0x1] =	stream.indirect.gather [hbm4b:s1+s18], $0x80, s17, s18, $0xb8;
	[tilespmem:$0x1E000] =	vst v63  }
0x18d: {  	s26 =	sor.u32 $0x15280, s25  }
0x18e: {  	[spmem:s3] =	stream.indirect.scatter.add.f32 [tilespmem:s21], [sflag:$0x3], $0x80, s26, s18, $0xb8;
	[tilespmem:$0x1E000] =	vst v63  }
0x18f: {  	_ =	swait.ge [sflag:s15], $0x4000  }
0x190: {  	[sflag:s15] =	ssyncset.done $0x0  }
0x191: {  	[sflag:s15] =	ssyncadd.s32 $0xFFFFC000  }
0x192: {  	_ =	swait.ge [sflag:s20], $0x4000  }
0x193: {  	[sflag:s20] =	ssyncset.done $0x0  }
0x194: {  	s28 =	sor.u32 $0x14380, s25;
	[sflag:s20] =	ssyncadd.s32 $0xFFFFC000  }
0x195: {  	[tilespmem:s21], [sflag:$0x2] =	stream.indirect.gather [hbm4b:s1+s18], $0x80, s28, s18, $0xb8;
	[tilespmem:$0x1E000] =	vst v63  }
0x196: {  	s29 =	sor.u32 $0x15300, s25  }
0x197: {  	[spmem:s3] =	stream.indirect.scatter.add.f32 [tilespmem:s19], [sflag:$0x3], $0x80, s29, s18, $0xb8;
	[tilespmem:$0x1E000] =	vst v63  }
0x198: {  	_ =	swait.ge [sflag:s15], $0x4000  }
0x199: {  	[sflag:s15] =	ssyncset.done $0x0  }
0x19a: {  	[sflag:s15] =	ssyncadd.s32 $0xFFFFC000  }
0x19b: {  	_ =	swait.ge [sflag:s22], $0x4000  }
0x19c: {  	[sflag:s22] =	ssyncset.done $0x0  }
0x19d: {  	s30 =	sor.u32 $0x14400, s25;
	[sflag:s22] =	ssyncadd.s32 $0xFFFFC000  }
0x19e: {  	[tilespmem:s19], [sflag:$0x1] =	stream.indirect.gather [hbm4b:s1+s18], $0x80, s30, s18, $0xb8;
	[tilespmem:$0x1E000] =	vst v63  }
0x19f: {  	s31 =	sor.u32 $0x15380, s25  }
0x1a0: {  	[spmem:s3] =	stream.indirect.scatter.add.f32 [tilespmem:s21], [sflag:$0x3], $0x80, s31, s18, $0xb8;
	[tilespmem:$0x1E000] =	vst v63  }
0x1a1: {  	_ =	swait.ge [sflag:s15], $0x4000  }
0x1a2: {  	[sflag:s15] =	ssyncset.done $0x0  }
0x1a3: {  	[sflag:s15] =	ssyncadd.s32 $0xFFFFC000  }
0x1a4: {  	_ =	swait.ge [sflag:s20], $0x4000  }
0x1a5: {  	[sflag:s20] =	ssyncset.done $0x0  }
0x1a6: {  	s2 =	sor.u32 $0x14480, s25;
	[sflag:s20] =	ssyncadd.s32 $0xFFFFC000  }
0x1a7: {  	[tilespmem:s21], [sflag:$0x2] =	stream.indirect.gather [hbm4b:s1+s18], $0x80, s2, s18, $0xb8;
	[tilespmem:$0x1E000] =	vst v63  }
0x1a8: {  	s7 =	sor.u32 $0x15400, s25  }
0x1a9: {  	[spmem:s3] =	stream.indirect.scatter.add.f32 [tilespmem:s19], [sflag:$0x3], $0x80, s7, s18, $0xb8;
	[tilespmem:$0x1E000] =	vst v63  }
0x1aa: {  	_ =	swait.ge [sflag:s15], $0x4000  }
0x1ab: {  	[sflag:s15] =	ssyncset.done $0x0  }
0x1ac: {  	[sflag:s15] =	ssyncadd.s32 $0xFFFFC000  }
0x1ad: {  	_ =	swait.ge [sflag:s22], $0x4000  }
0x1ae: {  	[sflag:s22] =	ssyncset.done $0x0  }
0x1af: {  	s17 =	sor.u32 $0x14500, s25;
	[sflag:s22] =	ssyncadd.s32 $0xFFFFC000  }
0x1b0: {  	[tilespmem:s19], [sflag:$0x1] =	stream.indirect.gather [hbm4b:s1+s18], $0x80, s17, s18, $0xb8;
	[tilespmem:$0x1E000] =	vst v63  }
0x1b1: {  	s26 =	sor.u32 $0x15480, s25  }
0x1b2: {  	[spmem:s3] =	stream.indirect.scatter.add.f32 [tilespmem:s21], [sflag:$0x3], $0x80, s26, s18, $0xb8;
	[tilespmem:$0x1E000] =	vst v63  }
0x1b3: {  	_ =	swait.ge [sflag:s15], $0x4000  }
0x1b4: {  	[sflag:s15] =	ssyncset.done $0x0  }
0x1b5: {  	[sflag:s15] =	ssyncadd.s32 $0xFFFFC000  }
0x1b6: {  	_ =	swait.ge [sflag:s20], $0x4000  }
0x1b7: {  	[sflag:s20] =	ssyncset.done $0x0  }
0x1b8: {  	s28 =	sor.u32 $0x14580, s25;
	[sflag:s20] =	ssyncadd.s32 $0xFFFFC000  }
0x1b9: {  	[tilespmem:s21], [sflag:$0x2] =	stream.indirect.gather [hbm4b:s1+s18], $0x80, s28, s18, $0xb8;
	[tilespmem:$0x1E000] =	vst v63  }
0x1ba: {  	s29 =	sor.u32 $0x15500, s25  }
0x1bb: {  	[spmem:s3] =	stream.indirect.scatter.add.f32 [tilespmem:s19], [sflag:$0x3], $0x80, s29, s18, $0xb8;
	[tilespmem:$0x1E000] =	vst v63  }
0x1bc: {  	_ =	swait.ge [sflag:s15], $0x4000  }
0x1bd: {  	[sflag:s15] =	ssyncset.done $0x0  }
0x1be: {  	[sflag:s15] =	ssyncadd.s32 $0xFFFFC000  }
0x1bf: {  	_ =	swait.ge [sflag:s22], $0x4000  }
0x1c0: {  	[sflag:s22] =	ssyncset.done $0x0  }
0x1c1: {  	s30 =	sor.u32 $0x14600, s25;
	[sflag:s22] =	ssyncadd.s32 $0xFFFFC000  }
0x1c2: {  	[tilespmem:s19], [sflag:$0x1] =	stream.indirect.gather [hbm4b:s1+s18], $0x80, s30, s18, $0xb8;
	[tilespmem:$0x1E000] =	vst v63  }
0x1c3: {  	s31 =	sor.u32 $0x15580, s25  }
0x1c4: {  	[spmem:s3] =	stream.indirect.scatter.add.f32 [tilespmem:s21], [sflag:$0x3], $0x80, s31, s18, $0xb8;
	[tilespmem:$0x1E000] =	vst v63  }
0x1c5: {  	_ =	swait.ge [sflag:s15], $0x4000  }
0x1c6: {  	[sflag:s15] =	ssyncset.done $0x0  }
0x1c7: {  	[sflag:s15] =	ssyncadd.s32 $0xFFFFC000  }
0x1c8: {  	_ =	swait.ge [sflag:s20], $0x4000  }
0x1c9: {  	[sflag:s20] =	ssyncset.done $0x0  }
0x1ca: {  	s2 =	sor.u32 $0x14680, s25;
	[sflag:s20] =	ssyncadd.s32 $0xFFFFC000  }
0x1cb: {  	[tilespmem:s21], [sflag:$0x2] =	stream.indirect.gather [hbm4b:s1+s18], $0x80, s2, s18, $0xb8;
	[tilespmem:$0x1E000] =	vst v63  }
0x1cc: {  	s7 =	sor.u32 $0x15600, s25  }
0x1cd: {  	[spmem:s3] =	stream.indirect.scatter.add.f32 [tilespmem:s19], [sflag:$0x3], $0x80, s7, s18, $0xb8;
	[tilespmem:$0x1E000] =	vst v63  }
0x1ce: {  	_ =	swait.ge [sflag:s15], $0x4000  }
0x1cf: {  	[sflag:s15] =	ssyncset.done $0x0  }
0x1d0: {  	[sflag:s15] =	ssyncadd.s32 $0xFFFFC000  }
0x1d1: {  	_ =	swait.ge [sflag:s22], $0x4000  }
0x1d2: {  	[sflag:s22] =	ssyncset.done $0x0  }
0x1d3: {  	s17 =	sor.u32 $0x14700, s25;
	[sflag:s22] =	ssyncadd.s32 $0xFFFFC000  }
0x1d4: {  	[tilespmem:s19], [sflag:$0x1] =	stream.indirect.gather [hbm4b:s1+s18], $0x80, s17, s18, $0xb8;
	[tilespmem:$0x1E000] =	vst v63  }
0x1d5: {  	s26 =	sor.u32 $0x15680, s25  }
0x1d6: {  	[spmem:s3] =	stream.indirect.scatter.add.f32 [tilespmem:s21], [sflag:$0x3], $0x80, s26, s18, $0xb8;
	[tilespmem:$0x1E000] =	vst v63  }
0x1d7: {  	_ =	swait.ge [sflag:s15], $0x4000  }
0x1d8: {  	[sflag:s15] =	ssyncset.done $0x0  }
0x1d9: {  	[sflag:s15] =	ssyncadd.s32 $0xFFFFC000  }
0x1da: {  	_ =	swait.ge [sflag:s20], $0x4000  }
0x1db: {  	[sflag:s20] =	ssyncset.done $0x0  }
0x1dc: {  	s28 =	sor.u32 $0x14780, s25;
	[sflag:s20] =	ssyncadd.s32 $0xFFFFC000  }
0x1dd: {  	[tilespmem:s21], [sflag:$0x2] =	stream.indirect.gather [hbm4b:s1+s18], $0x80, s28, s18, $0xb8;
	[tilespmem:$0x1E000] =	vst v63  }
0x1de: {  	s29 =	sor.u32 $0x15700, s25  }
0x1df: {  	[spmem:s3] =	stream.indirect.scatter.add.f32 [tilespmem:s19], [sflag:$0x3], $0x80, s29, s18, $0xb8;
	[tilespmem:$0x1E000] =	vst v63  }
0x1e0: {  	_ =	swait.ge [sflag:s15], $0x4000  }
0x1e1: {  	[sflag:s15] =	ssyncset.done $0x0  }
0x1e2: {  	s0 =	sand.u32 @!p0 $0x2000, s24;
	[sflag:s15] =	ssyncadd.s32 $0xFFFFC000  }
0x1e3: {  	s0 =	sshrl.u32 @!p0 s0, $0x2;
	_ =	swait.ge [sflag:s22], $0x4000  }
0x1e4: {  	s0 =	sor.u32 @!p0 $0x14000, s0;
	s30 =	sor.u32 $0x780, s25;
	[sflag:s22] =	ssyncset.done $0x0  }
0x1e5: {  	s7 =	simm.s32 @!p0 $0x80;
	s17 =	simm.s32 @!p0 $0x16000;
	[sflag:s22] =	ssyncadd.s32 $0xFFFFC000  }
0x1e6: {  	[tilespmem:s17], [sflag:$0x1] =	stream.indirect.gather @!p0 [hbm4b:s1+s7], $0x80, s0, s7, $0xb8;
	[tilespmem:$0x1E000] =	vst v63  }
0x1e7: {  	s31 =	sor.u32 $0x15000, s30  }
0x1e8: {  	[spmem:s3] =	stream.indirect.scatter.add.f32 [tilespmem:s21], [sflag:$0x3], $0x80, s31, s18, $0xb8;
	[tilespmem:$0x1E000] =	vst v63  }
0x1e9: {  	_ =	swait.ge [sflag:s15], $0x4000  }
0x1ea: {  	s23 =	sadd.s32 $0x1, s23;
	[sflag:s15] =	ssyncset.done $0x0  }
0x1eb: {  	p0 =	sne.s32 s23, s13;
	[sflag:s15] =	ssyncadd.s32 $0xFFFFC000  }
.Ltmp1:
0x1ec: {  	[bflag:$0x0] =	sbarrier.arrive $0xFFFF;
	(pc) =	sbr.rel @p0 .LBB2_1-.Ltmp1, $4  }
0x1ed: {  	[hbm:s12], [sflag:s9] =	dma.local [spmem:s14], $0x2800  }
0x1ee: {  	_ =	swait.ge [sflag:s15], $0x2800  }
0x1ef: {  	[sflag:s15] =	ssyncset.done $0x0  }
0x1f0: {  	[sflag:s15] =	ssyncadd.s32 $0xFFFFD800  }
0x1f1: {  	_ =	sfence.sel $0x180000  }
0x1f2: {  	[bflag:$0x0] =	sbarrier.arrive $0xFFFF  }
0x1f3: {  	_ =	strace $0x9000004A  }
0x1f4: {  	s0 =	stileid.u32;
	[bflag:$0x2] =	sbarrier.arrive $0xFFFF  }
0x1f5: {  	p0 =	sne.s32 s0, $0x0;
	s0 =	rddreg [dreg:$0x3]  }
0x1f6: {  	s0 =	sadd.s32 @!p0 $0x100000, s0  }
0x1f7: {  	[sflag:s0] =	ssyncadd.tile.s32 @!p0 $0x1;
	_ =	shalt  }
.Lfunc_end2:
_tile_overlayer_lowered:
.L_overlay_start_2:
0x1f8: {  	(tag) =	ssettag $0x2  }
0x1f9: {  	s0 =	rddreg [dreg:$0x0];
	s2 =	stileid.u32  }
0x1fa: {  	s1 =	rddreg [dreg:$0x1];
	p0 =	sne.s32 s2, $0x0  }
0x1fb: {  	s3 =	rddreg [dreg:$0x2];
	[bflag:$0x3] =	sbarrier.arrive $0xFFFF;
	s2 =	simm.s32 @!p0 $0x1C03  }
0x1fc: {  	[timem:s3], [sflag:s2] =	dma.local @!p0 [hbm:s0], s1  }
0x1fd: {  	s0 =	simm.s32 @!p0 $0x3  }
0x1fe: {  	_ =	swait.ge @!p0 [sflag:s0], s1  }
0x1ff: {  	s1 =	ssub.s32 @!p0 $0x0, s1;
	[sflag:s0] =	ssyncset.done @!p0 $0x0  }
0x200: {  	[sflag:s0] =	ssyncadd.s32 @!p0 s1  }
0x201: {  	[bflag:$0x3] =	sbarrier.arrive $0xFFFF  }
0x202: {  	_ =	shalt  }

// kernel: kernel.14.cloned.1.call-start
scs
__scs_entry_jumppad:
0x0: {  	(pc) =	sbr.rel $0x88, $3  }
0x1: {  	(tag) =	ssettag $0x0;
	lr =	simm.s32 $0x1  }
0x2: {  	[smem:$0x3F99] =	sst lr;
	_ =	strace $0xD0000000  }
0x3: {  	_ = 	snop  }
0x4: {  	_ = 	snop  }
0x5: {  	_ = 	snop  }
0x6: {  	_ = 	snop  }
0x7: {  	_ = 	snop  }
__scs_overlays_trampoline_lowered:
0x8: {  	[smem:$0x3FA8] =	sst s0  }
0x9: {  	[smem:$0x3FA9] =	sst s1  }
0xa: {  	[smem:$0x3FAA] =	sst s2  }
0xb: {  	[smem:$0x3FAB] =	sst s3  }
0xc: {  	[smem:$0x3FAC] =	sst s4  }
0xd: {  	[smem:$0x3FAD] =	sst s5  }
0xe: {  	[smem:$0x3FAE] =	sst s6  }
0xf: {  	[smem:$0x3FAF] =	sst s7  }
0x10: {  	[smem:$0x3FB0] =	sst s8  }
0x11: {  	[smem:$0x3FB1] =	sst s9;
	s0 =	simm.s32 @!p0 $0x0  }
0x12: {  	s1 =	sld [smem:$0x3F97];
	s0 =	simm.s32 @p0 $0x1  }
0x13: {  	[smem:$0x3FB2] =	sst s0;
	s0 =	simm.s32 @!p1 $0x0  }
0x14: {  	s2 =	sld [smem:$0x3F96];
	s0 =	simm.s32 @p1 $0x1  }
0x15: {  	[smem:$0x3FB3] =	sst s0;
	s0 =	simm.s32 @!p2 $0x0  }
0x16: {  	s3 =	sld [smem:$0x3FDB];
	s0 =	simm.s32 @p2 $0x1  }
0x17: {  	s4 =	simm.s32 $0x1BF5;
	[smem:$0x3FB5] =	sst s0  }
0x18: {  	s0 =	sld [smem:$0x3F98];
	_ =	swait.ge [sflag:s4], $0x0  }
0x19: {  	s7 =	sld [smem:$0x3F99]  }
0x1a: {  	s8 =	sadd.s32 $0xFFFFE003, lr  }
0x1b: {  	s9 =	sadd.s32 $0xFFFFFEF7, lr;
	s5 =	simm.s32 $0xFFFFFFFF;
	p2 =	slt.u32 s8, $0xFFFFF086  }
0x1c: {  	p1 =	slt.u32 s9, $0xF7A;
	s5 =	simm.s32 @!p2 $0x0  }
0x1d: {  	s5 =	simm.s32 @p1 $0x1;
	p0 =	seq.s32 s7, s2  }
0x1e: {  	s7 =	smul.u32 @!p0 $0xF7A, s2;
	p2 =	seq.s32 @!p0 s5, $0x0  }
0x1f: {  	s9 =	smul.u32 $0xF7A, s1;
	s8 =	simm.s32 @!p0 $0x1BF5;
	p2 =	por !p2, p0  }
0x20: {  	[sflag:s8] =	ssyncset.s32 @!p0 $0xFFFFF086;
	s6 =	sadd.s32 @!p0 s3, s7;
	s7 =	simm.s32 @!p0 $0x108  }
0x21: {  	s3 =	sadd.s32 s3, s9;
	s6 =	sadd.s32 @!p0 $0x88, s6;
	s7 =	simm.s32 @p2 $0x1082  }
0x22: {  	[simem:s7], [sflag:s8] =	dma.local @!p0 [hbm:s6], $0xF7A  }
0x23: {  	s9 =	sor.u32 $0xD0000000, s2;
	s6 =	simm.s32 $0x108;
	_ =	swait.ge @!p0 [sflag:s8], $0x0  }
0x24: {  	s3 =	sadd.s32 $0x88, s3;
	s6 =	simm.s32 @!p1 $0x1082;
	[sflag:s4] =	ssyncset.s32 $0xFFFFF086  }
0x25: {  	[simem:s6], [sflag:s4] =	dma.local [hbm:s3], $0xF7A  }
0x26: {  	[smem:$0x3F99] =	sst s1;
	(tag) =	ssettag s2;
	_ =	strace s9  }
0x27: {  	s1 =	sld [smem:$0x3FA9]  }
0x28: {  	s2 =	sld [smem:$0x3FAA]  }
0x29: {  	s4 =	sld [smem:$0x3FAC]  }
0x2a: {  	p0 =	seq.s32 s5, $0x0;
	s5 =	sld [smem:$0x3FAD]  }
0x2b: {  	s6 =	sld [smem:$0x3FAE]  }
0x2c: {  	s7 =	sld [smem:$0x3FAF]  }
0x2d: {  	s3 =	simm.s32 $0x108;
	s8 =	sld [smem:$0x3FB0]  }
0x2e: {  	s3 =	simm.s32 @!p0 $0x1082;
	s9 =	sld [smem:$0x3FB1]  }
0x2f: {  	lr =	sadd.s32 s0, s3;
	s0 =	sld [smem:$0x3FA8]  }
0x30: {  	s3 =	sld [smem:$0x3FAB]  }
0x31: {  	[smem:$0x3FB4] =	sst s10  }
0x32: {  	s10 =	sld [smem:$0x3FB2];
	_ =	sdelay $0x3  }
0x33: {  	p0 =	seq.s32 s10, $0x1;
	s10 =	sld [smem:$0x3FB4];
	_ =	sdelay $0x3  }
0x34: {  	[smem:$0x3FB4] =	sst s10  }
0x35: {  	s10 =	sld [smem:$0x3FB3];
	_ =	sdelay $0x3  }
0x36: {  	p1 =	seq.s32 s10, $0x1;
	s10 =	sld [smem:$0x3FB4];
	_ =	sdelay $0x3  }
0x37: {  	[smem:$0x3FB4] =	sst s10  }
0x38: {  	s10 =	sld [smem:$0x3FB5]  }
0x39: {  	_ = 	snop;
	(pc) =	sbr.ind lr, $3  }
0x3a: {  	_ = 	snop  }
0x3b: {  	_ = 	snop  }
0x3c: {  	p2 =	seq.s32 s10, $0x1;
	s10 =	sld [smem:$0x3FB4]  }
0x3d: {  	_ =	shalt  }
0x3e: {  	_ =	shalt  }
0x3f: {  	_ =	shalt  }
0x40: {  	_ =	shalt  }
0x41: {  	_ =	shalt  }
0x42: {  	_ =	shalt  }
0x43: {  	_ =	shalt  }
0x44: {  	_ =	shalt  }
0x45: {  	_ =	shalt  }
0x46: {  	_ =	shalt  }
0x47: {  	_ =	shalt  }
0x48: {  	_ =	shalt  }
0x49: {  	_ =	shalt  }
0x4a: {  	_ =	shalt  }
0x4b: {  	_ =	shalt  }
0x4c: {  	_ =	shalt  }
0x4d: {  	_ =	shalt  }
0x4e: {  	_ =	shalt  }
0x4f: {  	_ =	shalt  }
0x50: {  	_ =	shalt  }
0x51: {  	_ =	shalt  }
0x52: {  	_ =	shalt  }
0x53: {  	_ =	shalt  }
0x54: {  	_ =	shalt  }
0x55: {  	_ =	shalt  }
0x56: {  	_ =	shalt  }
0x57: {  	_ =	shalt  }
0x58: {  	_ =	shalt  }
0x59: {  	_ =	shalt  }
0x5a: {  	_ =	shalt  }
0x5b: {  	_ =	shalt  }
0x5c: {  	_ =	shalt  }
0x5d: {  	_ =	shalt  }
0x5e: {  	_ =	shalt  }
0x5f: {  	_ =	shalt  }
0x60: {  	_ =	shalt  }
0x61: {  	_ =	shalt  }
0x62: {  	_ =	shalt  }
0x63: {  	_ =	shalt  }
0x64: {  	_ =	shalt  }
0x65: {  	_ =	shalt  }
0x66: {  	_ =	shalt  }
0x67: {  	_ =	shalt  }
0x68: {  	_ =	shalt  }
0x69: {  	_ =	shalt  }
0x6a: {  	_ =	shalt  }
0x6b: {  	_ =	shalt  }
0x6c: {  	_ =	shalt  }
0x6d: {  	_ =	shalt  }
0x6e: {  	_ =	shalt  }
0x6f: {  	_ =	shalt  }
0x70: {  	_ =	shalt  }
0x71: {  	_ =	shalt  }
0x72: {  	_ =	shalt  }
0x73: {  	_ =	shalt  }
0x74: {  	_ =	shalt  }
0x75: {  	_ =	shalt  }
0x76: {  	_ =	shalt  }
0x77: {  	_ =	shalt  }
0x78: {  	_ =	shalt  }
0x79: {  	_ =	shalt  }
0x7a: {  	_ =	shalt  }
0x7b: {  	_ =	shalt  }
0x7c: {  	_ =	shalt  }
0x7d: {  	_ =	shalt  }
0x7e: {  	_ =	shalt  }
0x7f: {  	_ =	shalt  }
0x80: {  	_ =	shalt  }
0x81: {  	_ =	shalt  }
0x82: {  	_ =	shalt  }
0x83: {  	_ =	shalt  }
0x84: {  	_ =	shalt  }
0x85: {  	_ =	shalt  }
0x86: {  	_ =	shalt  }
0x87: {  	_ =	shalt  }
.Lfunc_end0:
.L_simem_size_0:
called_computation.2_lowered:
.L_overlay_start_0:
0x88: {  	s2 =	sld [smem:$0x3FD9]  }
0x89: {  	s3 =	sld [smem:$0x3FFE];
	_ =	sdelay $0x1  }
0x8a: {  	s1 =	srdreg.scid  }
0x8b: {  	s0 =	sand.u32 $0x1, s1  }
0x8c: {  	s16 =	sshll.u32 s0, $0xA;
	s2 =	sadd.s32 s3, s2  }
0x8d: {  	s2 =	sadd.s32 s2, s16  }
0x8e: {  	[smem:$0x3FC0] =	sst s2  }
0x8f: {  	_ = 	snop  }
0x90: {  	(tm) =	ssettm $0x1  }
0x91: {  	s17 =	sld [smem:$0x3FFB];
	_ =	sdelay $0x3  }
0x92: {  	_ =	strace s17  }
0x93: {  	s2 =	sld [smem:$0x3FFC];
	_ =	sdelay $0x3  }
0x94: {  	_ =	strace s2  }
0x95: {  	s2 =	sld [smem:$0x3FFD];
	_ =	sdelay $0x3  }
0x96: {  	_ =	strace s2  }
0x97: {  	_ =	strace $0x8FFFFFFF  }
0x98: {  	s18 =	sld [smem:$0x3FDB];
	_ =	sdelay $0x1  }
0x99: {  	s19 =	simm.s32 $_scs_section_size  }
0x9a: {  	s4 =	simm.s32 $_size__tile_overlayer_lowered;
	s5 =	simm.s32 $_tile_overlayer_lowered  }
0x9b: {  	s22 =	simm.s32 $0x1BFF;
	s21 =	sshll.u32 s5, $0x1;
	s2 =	sadd.s32 s19, s18  }
0x9c: {  	s6 =	simm.s32 $0x0;
	s20 =	sshll.u32 s4, $0x1;
	s4 =	sadd.s32 s21, s2  }
0x9d: {  	[timem:s6], [sflag:s22] =	dma.local [hbm:s4], s20  }
0x9e: {  	_ =	swait.ge [sflag:s22], s20  }
0x9f: {  	s3 =	ssub.s32 $0x0, s20;
	[sflag:s22] =	ssyncset.done $0x0  }
0xa0: {  	[sflag:s22] =	ssyncadd.s32 s3;
	_ =	sdelay $0x1  }
0xa1: {  	s23 =	simm.s32 $0x1B8B  }
0xa2: {  	_ =	swait.ge [sflag:s23], $0x1  }
0xa3: {  	[sflag:s23] =	ssyncset.done $0x0  }
0xa4: {  	s25 =	simm.s32 $0x1B8E;
	s24 =	sld [smem:$0x3FFE];
	[sflag:s23] =	ssyncadd.s32 $0xFFFFFFFF  }
0xa5: {  	s26 =	simm.s32 $execute0_lowered;
	[smem:$0x3FD2] =	sst s25  }
0xa6: {  	s4 =	sshll.u32 s26, $0x1;
	_ =	strace $0x8000004C;
	[dreg:$0x1] =	wrdreg $0xFFFFFFFF  }
0xa7: {  	s28 =	simm.s32 $_size_execute0_lowered;
	s2 =	sadd.s32 s2, s4;
	[dreg:$0x0] =	wrdreg $0x0  }
0xa8: {  	s4 =	sshll.u32 s28, $0x1;
	[dreg:$0x2] =	wrdreg s2  }
0xa9: {  	[dreg:$0x3] =	wrdreg s4  }
0xaa: {  	[dreg:$0x4] =	wrdreg $0xC0  }
0xab: {  	_ =	task [dreg:s6], $0x5FFFF  }
0xac: {  	[dreg:$0x1] =	wrdreg $0xFFFFFFFF  }
0xad: {  	[dreg:$0x0] =	wrdreg $0x60  }
0xae: {  	[dreg:$0x2] =	wrdreg s24  }
0xaf: {  	[dreg:$0x3] =	wrdreg $0x0  }
0xb0: {  	[dreg:$0x4] =	wrdreg $0x9  }
0xb1: {  	_ =	task.clear_ibuf [dreg:s6], $0x5FFFF;
	_ =	strace $0x9000004C  }
0xb2: {  	s29 =	simm.s32 $0x9;
	_ =	strace $0x8000004E  }
0xb3: {  	_ =	swait.ge [sflag:s29], $0x1  }
0xb4: {  	[sflag:s29] =	ssyncadd.s32 $0xFFFFFFFF  }
0xb5: {  	_ =	strace $0x9000004E  }
0xb6: {  	_ =	sfence  }
0xb7: {  	s30 =	sld [smem:$0x0];
	_ =	sdelay $0x2  }
0xb8: {  	s31 =	sshll.u32 s1, $0xD;
	s1 =	sshrl.u32 s1, $0x2  }
0xb9: {  	s3 =	sand.u32 $0x4000, s31;
	s1 =	sadd.s32 s1, s30  }
0xba: {  	s0 =	sor.u32 s3, s0;
	s1 =	sshll.u32 s1, $0x11  }
0xbb: {  	s0 =	sor.u32 s1, s0  }
0xbc: {  	s0 =	sadd.s32 $0x8F2B, s0  }
0xbd: {  	[sflag:s0] =	ssyncadd.remote.s32 $0x1  }
0xbe: {  	_ =	sfence.sel $0xFFFF  }
0xbf: {  	[dreg:$0x0] =	wrdreg $0xFFFFFFFF;
	(pc) =	sbr.abs _section_cstart, $3  }
0xc0: {  	[dreg:$0x1] =	wrdreg $0xFFFFFFFF  }
0xc1: {  	_ =	task.clear_ibuf [dreg:s6], $0x2FFFF;
	_ =	strace $0x9FFFFFFF  }
0xc2: {  	(tm) =	ssettm $0x7FFFFFFF  }
0xc3: {  	_ =	shalt  }
tec
execute0_lowered:
.L_overlay_start_1:
0x0: {  	(tag) =	ssettag $0x1  }
0x1: {  	s6 =	rddreg [dreg:$0x0]  }
0x2: {  	s2 =	rddreg [dreg:$0x1];
	s4 =	srdreg.scid  }
0x3: {  	s0 =	stileid.u32;
	s3 =	simm.s32 $0x0;
	s16 =	simm.s32 $0x16000  }
0x4: {  	s17 =	simm.s32 $0x1;
	s18 =	simm.s32 $0x1A000;
	s19 =	simm.s32 $0x2  }
0x5: {  	s20 =	simm.s32 $0x0;
	s5 =	sand.u32 $0x1, s4;
	s7 =	smul.u32 $0x2800, s0  }
0x6: {  	[smem:$0x7FF] =	sst s3;
	s4 =	sadd.s32 $0x5EA00, s6;
	s9 =	smul.u32 $0x50000, s0  }
0x7: {  	s10 =	sadd.s32 $0x36A00, s6;
	s11 =	sadd.s32 $0x4AA00, s6;
	s13 =	smul.u32 $0x5000, s0  }
0x8: {  	s26 =	sshll.u32 s0, $0x6;
	s8 =	smul.u32 $0x28000, s5;
	_ =	strace $0x8000004D  }
0x9: {  	s12 =	smul.u32 $0x50000, s5;
	s21 =	ssub.s32 $0x2, s5;
	s5 =	sadd.s32 $0xD000, s6  }
0xa: {  	s22 =	sshrl.u32 s21, $0x1;
	s23 =	sshrl.u32 s9, $0x2;
	s7 =	sadd.s32 s7, s8  }
0xb: {  	s15 =	ssub.s32 s21, s22;
	s24 =	sadd.s32 s13, s12;
	s25 =	sadd.s32 s23, s2  }
0xc: {  	s12 =	simm.s32 $0x3;
	s13 =	simm.s32 $0x14000;
	s14 =	sadd.s32 s7, s6  }
0xd: {  	s28 =	sor.u32 $0x800, s24;
	s6 =	sor.u32 $0x1C03, s26;
	s29 =	sshrl.u32 s24, $0x3  }
0xe: {  	s30 =	sshrl.u32 s28, $0x3;
	s7 =	sadd.s32 s10, s29;
	s8 =	sadd.s32 s11, s29  }
0xf: {  	s9 =	sadd.s32 $0xACC00, s14;
	s14 =	simm.s32 $0x15000;
	s11 =	sadd.s32 s30, s11  }
0x10: {  	s31 =	sadd.s32 s30, s10;
	s10 =	smax.u32 s15, $0x1;
	[dreg:$0x4] =	wrdreg s11  }
0x11: {  	s15 =	simm.s32 $0x80;
	[dreg:$0x3] =	wrdreg s31;
	s11 =	sshrl.u32 s25, $0x3  }
.LBB2_1:
0x12: {  	[spmem:s11], [sflag:s6] =	dma.local [hbm:s5], $0x2800  }
0x13: {  	_ =	swait.ge [sflag:s12], $0x2800  }
0x14: {  	[sflag:s12] =	ssyncset.done $0x0  }
0x15: {  	[sflag:s12] =	ssyncadd.s32 $0xFFFFD800  }
0x16: {  	[bflag:$0x0] =	sbarrier.arrive $0xFFFF  }
0x17: {  	[tilespmem:s13], [sflag:$0x3] =	stream.linear.gather [hbm4b:s7+s3], $0x800, $0x38;
	[tilespmem:$0x1E000] =	vst v63  }
0x18: {  	_ =	swait.ge [sflag:s12], $0x800  }
0x19: {  	[sflag:s12] =	ssyncset.done $0x0  }
0x1a: {  	[sflag:s12] =	ssyncadd.s32 $0xFFFFF800  }
0x1b: {  	[tilespmem:s14], [sflag:$0x3] =	stream.linear.gather [hbm4b:s8+s3], $0x800, $0x38;
	[tilespmem:$0x1E000] =	vst v63  }
0x1c: {  	s22 =	simm.s32 $0x800;
	p0 =	por $0x0, $0x0;
	_ =	swait.ge [sflag:s12], $0x800  }
0x1d: {  	s22 =	sand.u32 @!p0 $0x800, s22;
	[sflag:s12] =	ssyncset.done $0x0  }
0x1e: {  	s23 =	simm.s32 @!p0 $0x3;
	s21 =	rddreg [dreg:$0x3];
	[sflag:s12] =	ssyncadd.s32 $0xFFFFF800  }
0x1f: {  	[tilespmem:s16], [sflag:$0x1] =	stream.indirect.gather [hbm4b:s4+s15], $0x80, s13, s15, $0xb8;
	[tilespmem:$0x1E000] =	vst v63  }
0x20: {  	s25 =	simm.s32 @!p0 $0x0;
	s24 =	sor.u32 @!p0 $0x14000, s22;
	s21 =	sadd.s32 @!p0 $0x0, s21  }
0x21: {  	[tilespmem:s24], [sflag:$0x3] =	stream.linear.gather @!p0 [hbm4b:s21+s25], $0x800, $0x38;
	[tilespmem:$0x1E000] =	vst v63  }
0x22: {  	_ =	swait.ge @!p0 [sflag:s23], $0x800  }
0x23: {  	s21 =	rddreg [dreg:$0x4];
	[sflag:s23] =	ssyncset.done @!p0 $0x0  }
0x24: {  	s22 =	sor.u32 @!p0 $0x15000, s22;
	[sflag:s23] =	ssyncadd.s32 @!p0 $0xFFFFF800;
	s21 =	sadd.s32 @!p0 $0x0, s21  }
0x25: {  	[tilespmem:s22], [sflag:$0x3] =	stream.linear.gather @!p0 [hbm4b:s21+s25], $0x800, $0x38;
	[tilespmem:$0x1E000] =	vst v63  }
0x26: {  	_ =	swait.ge @!p0 [sflag:s23], $0x800  }
0x27: {  	[sflag:s23] =	ssyncset.done @!p0 $0x0  }
0x28: {  	[sflag:s23] =	ssyncadd.s32 @!p0 $0xFFFFF800  }
0x29: {  	s31 =	sand.u32 $0x1, s3;
	_ =	swait.ge [sflag:s17], $0x4000  }
0x2a: {  	s21 =	sshll.u32 s31, $0xB;
	[sflag:s17] =	ssyncset.done $0x0  }
0x2b: {  	s0 =	sor.u32 $0x14080, s21;
	[sflag:s17] =	ssyncadd.s32 $0xFFFFC000  }
0x2c: {  	[tilespmem:s18], [sflag:$0x2] =	stream.indirect.gather [hbm4b:s4+s15], $0x80, s0, s15, $0xb8;
	[tilespmem:$0x1E000] =	vst v63  }
0x2d: {  	s1 =	sor.u32 $0x15000, s21  }
0x2e: {  	[spmem:s2] =	stream.indirect.scatter.add.f32 [tilespmem:s16], [sflag:$0x3], $0x80, s1, s15, $0xb8;
	[tilespmem:$0x1E000] =	vst v63  }
0x2f: {  	_ =	swait.ge [sflag:s12], $0x4000  }
0x30: {  	[sflag:s12] =	ssyncset.done $0x0  }
0x31: {  	[sflag:s12] =	ssyncadd.s32 $0xFFFFC000  }
0x32: {  	_ =	swait.ge [sflag:s19], $0x4000  }
0x33: {  	[sflag:s19] =	ssyncset.done $0x0  }
0x34: {  	s23 =	sor.u32 $0x14100, s21;
	[sflag:s19] =	ssyncadd.s32 $0xFFFFC000  }
0x35: {  	[tilespmem:s16], [sflag:$0x1] =	stream.indirect.gather [hbm4b:s4+s15], $0x80, s23, s15, $0xb8;
	[tilespmem:$0x1E000] =	vst v63  }
0x36: {  	s24 =	sor.u32 $0x15080, s21  }
0x37: {  	[spmem:s2] =	stream.indirect.scatter.add.f32 [tilespmem:s18], [sflag:$0x3], $0x80, s24, s15, $0xb8;
	[tilespmem:$0x1E000] =	vst v63  }
0x38: {  	_ =	swait.ge [sflag:s12], $0x4000  }
0x39: {  	[sflag:s12] =	ssyncset.done $0x0  }
0x3a: {  	[sflag:s12] =	ssyncadd.s32 $0xFFFFC000  }
0x3b: {  	_ =	swait.ge [sflag:s17], $0x4000  }
0x3c: {  	[sflag:s17] =	ssyncset.done $0x0  }
0x3d: {  	s25 =	sor.u32 $0x14180, s21;
	[sflag:s17] =	ssyncadd.s32 $0xFFFFC000  }
0x3e: {  	[tilespmem:s18], [sflag:$0x2] =	stream.indirect.gather [hbm4b:s4+s15], $0x80, s25, s15, $0xb8;
	[tilespmem:$0x1E000] =	vst v63  }
0x3f: {  	s26 =	sor.u32 $0x15100, s21  }
0x40: {  	[spmem:s2] =	stream.indirect.scatter.add.f32 [tilespmem:s16], [sflag:$0x3], $0x80, s26, s15, $0xb8;
	[tilespmem:$0x1E000] =	vst v63  }
0x41: {  	_ =	swait.ge [sflag:s12], $0x4000  }
0x42: {  	[sflag:s12] =	ssyncset.done $0x0  }
0x43: {  	[sflag:s12] =	ssyncadd.s32 $0xFFFFC000  }
0x44: {  	_ =	swait.ge [sflag:s19], $0x4000  }
0x45: {  	[sflag:s19] =	ssyncset.done $0x0  }
0x46: {  	s28 =	sor.u32 $0x14200, s21;
	[sflag:s19] =	ssyncadd.s32 $0xFFFFC000  }
0x47: {  	[tilespmem:s16], [sflag:$0x1] =	stream.indirect.gather [hbm4b:s4+s15], $0x80, s28, s15, $0xb8;
	[tilespmem:$0x1E000] =	vst v63  }
0x48: {  	s29 =	sor.u32 $0x15180, s21  }
0x49: {  	[spmem:s2] =	stream.indirect.scatter.add.f32 [tilespmem:s18], [sflag:$0x3], $0x80, s29, s15, $0xb8;
	[tilespmem:$0x1E000] =	vst v63  }
0x4a: {  	_ =	swait.ge [sflag:s12], $0x4000  }
0x4b: {  	[sflag:s12] =	ssyncset.done $0x0  }
0x4c: {  	[sflag:s12] =	ssyncadd.s32 $0xFFFFC000  }
0x4d: {  	_ =	swait.ge [sflag:s17], $0x4000  }
0x4e: {  	[sflag:s17] =	ssyncset.done $0x0  }
0x4f: {  	s30 =	sor.u32 $0x14280, s21;
	[sflag:s17] =	ssyncadd.s32 $0xFFFFC000  }
0x50: {  	[tilespmem:s18], [sflag:$0x2] =	stream.indirect.gather [hbm4b:s4+s15], $0x80, s30, s15, $0xb8;
	[tilespmem:$0x1E000] =	vst v63  }
0x51: {  	s31 =	sor.u32 $0x15200, s21  }
0x52: {  	[spmem:s2] =	stream.indirect.scatter.add.f32 [tilespmem:s16], [sflag:$0x3], $0x80, s31, s15, $0xb8;
	[tilespmem:$0x1E000] =	vst v63  }
0x53: {  	_ =	swait.ge [sflag:s12], $0x4000  }
0x54: {  	[sflag:s12] =	ssyncset.done $0x0  }
0x55: {  	[sflag:s12] =	ssyncadd.s32 $0xFFFFC000  }
0x56: {  	_ =	swait.ge [sflag:s19], $0x4000  }
0x57: {  	[sflag:s19] =	ssyncset.done $0x0  }
0x58: {  	s0 =	sor.u32 $0x14300, s21;
	[sflag:s19] =	ssyncadd.s32 $0xFFFFC000  }
0x59: {  	[tilespmem:s16], [sflag:$0x1] =	stream.indirect.gather [hbm4b:s4+s15], $0x80, s0, s15, $0xb8;
	[tilespmem:$0x1E000] =	vst v63  }
0x5a: {  	s1 =	sor.u32 $0x15280, s21  }
0x5b: {  	[spmem:s2] =	stream.indirect.scatter.add.f32 [tilespmem:s18], [sflag:$0x3], $0x80, s1, s15, $0xb8;
	[tilespmem:$0x1E000] =	vst v63  }
0x5c: {  	_ =	swait.ge [sflag:s12], $0x4000  }
0x5d: {  	[sflag:s12] =	ssyncset.done $0x0  }
0x5e: {  	[sflag:s12] =	ssyncadd.s32 $0xFFFFC000  }
0x5f: {  	_ =	swait.ge [sflag:s17], $0x4000  }
0x60: {  	[sflag:s17] =	ssyncset.done $0x0  }
0x61: {  	s23 =	sor.u32 $0x14380, s21;
	[sflag:s17] =	ssyncadd.s32 $0xFFFFC000  }
0x62: {  	[tilespmem:s18], [sflag:$0x2] =	stream.indirect.gather [hbm4b:s4+s15], $0x80, s23, s15, $0xb8;
	[tilespmem:$0x1E000] =	vst v63  }
0x63: {  	s24 =	sor.u32 $0x15300, s21  }
0x64: {  	[spmem:s2] =	stream.indirect.scatter.add.f32 [tilespmem:s16], [sflag:$0x3], $0x80, s24, s15, $0xb8;
	[tilespmem:$0x1E000] =	vst v63  }
0x65: {  	_ =	swait.ge [sflag:s12], $0x4000  }
0x66: {  	[sflag:s12] =	ssyncset.done $0x0  }
0x67: {  	[sflag:s12] =	ssyncadd.s32 $0xFFFFC000  }
0x68: {  	_ =	swait.ge [sflag:s19], $0x4000  }
0x69: {  	[sflag:s19] =	ssyncset.done $0x0  }
0x6a: {  	s25 =	sor.u32 $0x14400, s21;
	[sflag:s19] =	ssyncadd.s32 $0xFFFFC000  }
0x6b: {  	[tilespmem:s16], [sflag:$0x1] =	stream.indirect.gather [hbm4b:s4+s15], $0x80, s25, s15, $0xb8;
	[tilespmem:$0x1E000] =	vst v63  }
0x6c: {  	s26 =	sor.u32 $0x15380, s21  }
0x6d: {  	[spmem:s2] =	stream.indirect.scatter.add.f32 [tilespmem:s18], [sflag:$0x3], $0x80, s26, s15, $0xb8;
	[tilespmem:$0x1E000] =	vst v63  }
0x6e: {  	_ =	swait.ge [sflag:s12], $0x4000  }
0x6f: {  	[sflag:s12] =	ssyncset.done $0x0  }
0x70: {  	[sflag:s12] =	ssyncadd.s32 $0xFFFFC000  }
0x71: {  	_ =	swait.ge [sflag:s17], $0x4000  }
0x72: {  	[sflag:s17] =	ssyncset.done $0x0  }
0x73: {  	s28 =	sor.u32 $0x14480, s21;
	[sflag:s17] =	ssyncadd.s32 $0xFFFFC000  }
0x74: {  	[tilespmem:s18], [sflag:$0x2] =	stream.indirect.gather [hbm4b:s4+s15], $0x80, s28, s15, $0xb8;
	[tilespmem:$0x1E000] =	vst v63  }
0x75: {  	s29 =	sor.u32 $0x15400, s21  }
0x76: {  	[spmem:s2] =	stream.indirect.scatter.add.f32 [tilespmem:s16], [sflag:$0x3], $0x80, s29, s15, $0xb8;
	[tilespmem:$0x1E000] =	vst v63  }
0x77: {  	_ =	swait.ge [sflag:s12], $0x4000  }
0x78: {  	[sflag:s12] =	ssyncset.done $0x0  }
0x79: {  	[sflag:s12] =	ssyncadd.s32 $0xFFFFC000  }
0x7a: {  	_ =	swait.ge [sflag:s19], $0x4000  }
0x7b: {  	[sflag:s19] =	ssyncset.done $0x0  }
0x7c: {  	s30 =	sor.u32 $0x14500, s21;
	[sflag:s19] =	ssyncadd.s32 $0xFFFFC000  }
0x7d: {  	[tilespmem:s16], [sflag:$0x1] =	stream.indirect.gather [hbm4b:s4+s15], $0x80, s30, s15, $0xb8;
	[tilespmem:$0x1E000] =	vst v63  }
0x7e: {  	s31 =	sor.u32 $0x15480, s21  }
0x7f: {  	[spmem:s2] =	stream.indirect.scatter.add.f32 [tilespmem:s18], [sflag:$0x3], $0x80, s31, s15, $0xb8;
	[tilespmem:$0x1E000] =	vst v63  }
0x80: {  	_ =	swait.ge [sflag:s12], $0x4000  }
0x81: {  	[sflag:s12] =	ssyncset.done $0x0  }
0x82: {  	[sflag:s12] =	ssyncadd.s32 $0xFFFFC000  }
0x83: {  	_ =	swait.ge [sflag:s17], $0x4000  }
0x84: {  	[sflag:s17] =	ssyncset.done $0x0  }
0x85: {  	s0 =	sor.u32 $0x14580, s21;
	[sflag:s17] =	ssyncadd.s32 $0xFFFFC000  }
0x86: {  	[tilespmem:s18], [sflag:$0x2] =	stream.indirect.gather [hbm4b:s4+s15], $0x80, s0, s15, $0xb8;
	[tilespmem:$0x1E000] =	vst v63  }
0x87: {  	s1 =	sor.u32 $0x15500, s21  }
0x88: {  	[spmem:s2] =	stream.indirect.scatter.add.f32 [tilespmem:s16], [sflag:$0x3], $0x80, s1, s15, $0xb8;
	[tilespmem:$0x1E000] =	vst v63  }
0x89: {  	_ =	swait.ge [sflag:s12], $0x4000  }
0x8a: {  	[sflag:s12] =	ssyncset.done $0x0  }
0x8b: {  	[sflag:s12] =	ssyncadd.s32 $0xFFFFC000  }
0x8c: {  	_ =	swait.ge [sflag:s19], $0x4000  }
0x8d: {  	[sflag:s19] =	ssyncset.done $0x0  }
0x8e: {  	s23 =	sor.u32 $0x14600, s21;
	[sflag:s19] =	ssyncadd.s32 $0xFFFFC000  }
0x8f: {  	[tilespmem:s16], [sflag:$0x1] =	stream.indirect.gather [hbm4b:s4+s15], $0x80, s23, s15, $0xb8;
	[tilespmem:$0x1E000] =	vst v63  }
0x90: {  	s24 =	sor.u32 $0x15580, s21  }
0x91: {  	[spmem:s2] =	stream.indirect.scatter.add.f32 [tilespmem:s18], [sflag:$0x3], $0x80, s24, s15, $0xb8;
	[tilespmem:$0x1E000] =	vst v63  }
0x92: {  	_ =	swait.ge [sflag:s12], $0x4000  }
0x93: {  	[sflag:s12] =	ssyncset.done $0x0  }
0x94: {  	[sflag:s12] =	ssyncadd.s32 $0xFFFFC000  }
0x95: {  	_ =	swait.ge [sflag:s17], $0x4000  }
0x96: {  	[sflag:s17] =	ssyncset.done $0x0  }
0x97: {  	s25 =	sor.u32 $0x14680, s21;
	[sflag:s17] =	ssyncadd.s32 $0xFFFFC000  }
0x98: {  	[tilespmem:s18], [sflag:$0x2] =	stream.indirect.gather [hbm4b:s4+s15], $0x80, s25, s15, $0xb8;
	[tilespmem:$0x1E000] =	vst v63  }
0x99: {  	s26 =	sor.u32 $0x15600, s21  }
0x9a: {  	[spmem:s2] =	stream.indirect.scatter.add.f32 [tilespmem:s16], [sflag:$0x3], $0x80, s26, s15, $0xb8;
	[tilespmem:$0x1E000] =	vst v63  }
0x9b: {  	_ =	swait.ge [sflag:s12], $0x4000  }
0x9c: {  	[sflag:s12] =	ssyncset.done $0x0  }
0x9d: {  	[sflag:s12] =	ssyncadd.s32 $0xFFFFC000  }
0x9e: {  	_ =	swait.ge [sflag:s19], $0x4000  }
0x9f: {  	[sflag:s19] =	ssyncset.done $0x0  }
0xa0: {  	s28 =	sor.u32 $0x14700, s21;
	[sflag:s19] =	ssyncadd.s32 $0xFFFFC000  }
0xa1: {  	[tilespmem:s16], [sflag:$0x1] =	stream.indirect.gather [hbm4b:s4+s15], $0x80, s28, s15, $0xb8;
	[tilespmem:$0x1E000] =	vst v63  }
0xa2: {  	s29 =	sor.u32 $0x15680, s21  }
0xa3: {  	[spmem:s2] =	stream.indirect.scatter.add.f32 [tilespmem:s18], [sflag:$0x3], $0x80, s29, s15, $0xb8;
	[tilespmem:$0x1E000] =	vst v63  }
0xa4: {  	_ =	swait.ge [sflag:s12], $0x4000  }
0xa5: {  	[sflag:s12] =	ssyncset.done $0x0  }
0xa6: {  	[sflag:s12] =	ssyncadd.s32 $0xFFFFC000  }
0xa7: {  	_ =	swait.ge [sflag:s17], $0x4000  }
0xa8: {  	[sflag:s17] =	ssyncset.done $0x0  }
0xa9: {  	s30 =	sor.u32 $0x14780, s21;
	[sflag:s17] =	ssyncadd.s32 $0xFFFFC000  }
0xaa: {  	[tilespmem:s18], [sflag:$0x2] =	stream.indirect.gather [hbm4b:s4+s15], $0x80, s30, s15, $0xb8;
	[tilespmem:$0x1E000] =	vst v63  }
0xab: {  	s31 =	sor.u32 $0x15700, s21  }
0xac: {  	[spmem:s2] =	stream.indirect.scatter.add.f32 [tilespmem:s16], [sflag:$0x3], $0x80, s31, s15, $0xb8;
	[tilespmem:$0x1E000] =	vst v63  }
0xad: {  	_ =	swait.ge [sflag:s12], $0x4000  }
0xae: {  	s22 =	simm.s32 $0x2000;
	[sflag:s12] =	ssyncset.done $0x0  }
0xaf: {  	s22 =	sand.u32 @!p0 $0x2000, s22;
	[sflag:s12] =	ssyncadd.s32 $0xFFFFC000  }
0xb0: {  	s22 =	sshrl.u32 @!p0 s22, $0x2;
	_ =	swait.ge [sflag:s19], $0x4000  }
0xb1: {  	s22 =	sor.u32 @!p0 $0x14000, s22;
	s21 =	sor.u32 $0x780, s21;
	[sflag:s19] =	ssyncset.done $0x0  }
0xb2: {  	s23 =	simm.s32 @!p0 $0x80;
	s24 =	simm.s32 @!p0 $0x16000;
	[sflag:s19] =	ssyncadd.s32 $0xFFFFC000  }
0xb3: {  	[tilespmem:s24], [sflag:$0x1] =	stream.indirect.gather @!p0 [hbm4b:s4+s23], $0x80, s22, s23, $0xb8;
	[tilespmem:$0x1E000] =	vst v63  }
0xb4: {  	s21 =	sor.u32 $0x15000, s21;
	s25 =	simm.s32 $0x1000  }
0xb5: {  	[spmem:s2] =	stream.indirect.scatter.add.f32 [tilespmem:s18], [sflag:$0x3], $0x80, s21, s15, $0xb8;
	[tilespmem:$0x1E000] =	vst v63  }
0xb6: {  	s23 =	simm.s32 $0x100;
	s24 =	simm.s32 $0x200;
	_ =	swait.ge [sflag:s12], $0x4000  }
0xb7: {  	s22 =	simm.s32 $0x1;
	s21 =	simm.s32 $0x4000;
	[sflag:s12] =	ssyncset.done $0x0  }
.LBB2_2:
0xb8: {  	s26 =	rddreg [dreg:$0x3];
	p1 =	seq.s32 s23, $0x900  }
0xb9: {  	[sflag:s12] =	ssyncadd.s32 $0xFFFFC000;
	s29 =	sand.u32 @!p1 $0x800, s25;
	s30 =	simm.s32 @!p1 $0x3  }
0xba: {  	s26 =	sadd.s32 @!p1 s23, s26;
	s1 =	simm.s32 @!p1 $0x0;
	s0 =	sor.u32 @!p1 $0x14000, s29  }
0xbb: {  	[tilespmem:s0], [sflag:$0x3] =	stream.linear.gather @!p1 [hbm4b:s26+s1], $0x800, $0x38;
	[tilespmem:$0x1E000] =	vst v63  }
0xbc: {  	_ =	swait.ge @!p1 [sflag:s30], $0x800  }
0xbd: {  	s0 =	sor.u32 @!p1 $0x15000, s29;
	s29 =	rddreg [dreg:$0x4];
	[sflag:s30] =	ssyncset.done @!p1 $0x0  }
0xbe: {  	[sflag:s30] =	ssyncadd.s32 @!p1 $0xFFFFF800;
	s29 =	sadd.s32 @!p1 s23, s29  }
0xbf: {  	[tilespmem:s0], [sflag:$0x3] =	stream.linear.gather @!p1 [hbm4b:s29+s1], $0x800, $0x38;
	[tilespmem:$0x1E000] =	vst v63  }
0xc0: {  	_ =	swait.ge @!p1 [sflag:s30], $0x800  }
0xc1: {  	[sflag:s30] =	ssyncset.done @!p1 $0x0  }
0xc2: {  	s31 =	sand.u32 @!p1 $0x2000, s21;
	[sflag:s30] =	ssyncadd.s32 @!p1 $0xFFFFF800  }
0xc3: {  	s26 =	sshrl.u32 @!p1 s31, $0x2;
	s31 =	sand.u32 $0x1, s22;
	_ =	swait.ge [sflag:s17], $0x4000  }
0xc4: {  	s29 =	sshll.u32 s31, $0xB;
	[sflag:s17] =	ssyncset.done $0x0  }
0xc5: {  	s0 =	sor.u32 $0x14080, s29;
	[sflag:s17] =	ssyncadd.s32 $0xFFFFC000  }
0xc6: {  	[tilespmem:s18], [sflag:$0x2] =	stream.indirect.gather [hbm4b:s4+s15], $0x80, s0, s15, $0xb8;
	[tilespmem:$0x1E000] =	vst v63  }
0xc7: {  	s1 =	sor.u32 $0x15000, s29  }
0xc8: {  	[spmem:s2] =	stream.indirect.scatter.add.f32 [tilespmem:s16], [sflag:$0x3], $0x80, s1, s15, $0xb8;
	[tilespmem:$0x1E000] =	vst v63  }
0xc9: {  	_ =	swait.ge [sflag:s12], $0x4000  }
0xca: {  	[sflag:s12] =	ssyncset.done $0x0  }
0xcb: {  	[sflag:s12] =	ssyncadd.s32 $0xFFFFC000  }
0xcc: {  	_ =	swait.ge [sflag:s19], $0x4000  }
0xcd: {  	[sflag:s19] =	ssyncset.done $0x0  }
0xce: {  	s30 =	sor.u32 $0x14100, s29;
	[sflag:s19] =	ssyncadd.s32 $0xFFFFC000  }
0xcf: {  	[tilespmem:s16], [sflag:$0x1] =	stream.indirect.gather [hbm4b:s4+s15], $0x80, s30, s15, $0xb8;
	[tilespmem:$0x1E000] =	vst v63  }
0xd0: {  	s31 =	sor.u32 $0x15080, s29  }
0xd1: {  	[spmem:s2] =	stream.indirect.scatter.add.f32 [tilespmem:s18], [sflag:$0x3], $0x80, s31, s15, $0xb8;
	[tilespmem:$0x1E000] =	vst v63  }
0xd2: {  	_ =	swait.ge [sflag:s12], $0x4000  }
0xd3: {  	[sflag:s12] =	ssyncset.done $0x0  }
0xd4: {  	[sflag:s12] =	ssyncadd.s32 $0xFFFFC000  }
0xd5: {  	_ =	swait.ge [sflag:s17], $0x4000  }
0xd6: {  	[sflag:s17] =	ssyncset.done $0x0  }
0xd7: {  	s1 =	sor.u32 $0x14180, s29;
	[sflag:s17] =	ssyncadd.s32 $0xFFFFC000  }
0xd8: {  	[tilespmem:s18], [sflag:$0x2] =	stream.indirect.gather [hbm4b:s4+s15], $0x80, s1, s15, $0xb8;
	[tilespmem:$0x1E000] =	vst v63  }
0xd9: {  	s30 =	sor.u32 $0x15100, s29  }
0xda: {  	[spmem:s2] =	stream.indirect.scatter.add.f32 [tilespmem:s16], [sflag:$0x3], $0x80, s30, s15, $0xb8;
	[tilespmem:$0x1E000] =	vst v63  }
0xdb: {  	_ =	swait.ge [sflag:s12], $0x4000  }
0xdc: {  	[sflag:s12] =	ssyncset.done $0x0  }
0xdd: {  	[sflag:s12] =	ssyncadd.s32 $0xFFFFC000  }
0xde: {  	_ =	swait.ge [sflag:s19], $0x4000  }
0xdf: {  	[sflag:s19] =	ssyncset.done $0x0  }
0xe0: {  	s31 =	sor.u32 $0x14200, s29;
	[sflag:s19] =	ssyncadd.s32 $0xFFFFC000  }
0xe1: {  	[tilespmem:s16], [sflag:$0x1] =	stream.indirect.gather [hbm4b:s4+s15], $0x80, s31, s15, $0xb8;
	[tilespmem:$0x1E000] =	vst v63  }
0xe2: {  	s1 =	sor.u32 $0x15180, s29  }
0xe3: {  	[spmem:s2] =	stream.indirect.scatter.add.f32 [tilespmem:s18], [sflag:$0x3], $0x80, s1, s15, $0xb8;
	[tilespmem:$0x1E000] =	vst v63  }
0xe4: {  	_ =	swait.ge [sflag:s12], $0x4000  }
0xe5: {  	[sflag:s12] =	ssyncset.done $0x0  }
0xe6: {  	[sflag:s12] =	ssyncadd.s32 $0xFFFFC000  }
0xe7: {  	_ =	swait.ge [sflag:s17], $0x4000  }
0xe8: {  	[sflag:s17] =	ssyncset.done $0x0  }
0xe9: {  	s30 =	sor.u32 $0x14280, s29;
	[sflag:s17] =	ssyncadd.s32 $0xFFFFC000  }
0xea: {  	[tilespmem:s18], [sflag:$0x2] =	stream.indirect.gather [hbm4b:s4+s15], $0x80, s30, s15, $0xb8;
	[tilespmem:$0x1E000] =	vst v63  }
0xeb: {  	s31 =	sor.u32 $0x15200, s29  }
0xec: {  	[spmem:s2] =	stream.indirect.scatter.add.f32 [tilespmem:s16], [sflag:$0x3], $0x80, s31, s15, $0xb8;
	[tilespmem:$0x1E000] =	vst v63  }
0xed: {  	_ =	swait.ge [sflag:s12], $0x4000  }
0xee: {  	[sflag:s12] =	ssyncset.done $0x0  }
0xef: {  	[sflag:s12] =	ssyncadd.s32 $0xFFFFC000  }
0xf0: {  	_ =	swait.ge [sflag:s19], $0x4000  }
0xf1: {  	[sflag:s19] =	ssyncset.done $0x0  }
0xf2: {  	s1 =	sor.u32 $0x14300, s29;
	[sflag:s19] =	ssyncadd.s32 $0xFFFFC000  }
0xf3: {  	[tilespmem:s16], [sflag:$0x1] =	stream.indirect.gather [hbm4b:s4+s15], $0x80, s1, s15, $0xb8;
	[tilespmem:$0x1E000] =	vst v63  }
0xf4: {  	s30 =	sor.u32 $0x15280, s29  }
0xf5: {  	[spmem:s2] =	stream.indirect.scatter.add.f32 [tilespmem:s18], [sflag:$0x3], $0x80, s30, s15, $0xb8;
	[tilespmem:$0x1E000] =	vst v63  }
0xf6: {  	_ =	swait.ge [sflag:s12], $0x4000  }
0xf7: {  	[sflag:s12] =	ssyncset.done $0x0  }
0xf8: {  	[sflag:s12] =	ssyncadd.s32 $0xFFFFC000  }
0xf9: {  	_ =	swait.ge [sflag:s17], $0x4000  }
0xfa: {  	[sflag:s17] =	ssyncset.done $0x0  }
0xfb: {  	s31 =	sor.u32 $0x14380, s29;
	[sflag:s17] =	ssyncadd.s32 $0xFFFFC000  }
0xfc: {  	[tilespmem:s18], [sflag:$0x2] =	stream.indirect.gather [hbm4b:s4+s15], $0x80, s31, s15, $0xb8;
	[tilespmem:$0x1E000] =	vst v63  }
0xfd: {  	s1 =	sor.u32 $0x15300, s29  }
0xfe: {  	[spmem:s2] =	stream.indirect.scatter.add.f32 [tilespmem:s16], [sflag:$0x3], $0x80, s1, s15, $0xb8;
	[tilespmem:$0x1E000] =	vst v63  }
0xff: {  	_ =	swait.ge [sflag:s12], $0x4000  }
0x100: {  	[sflag:s12] =	ssyncset.done $0x0  }
0x101: {  	[sflag:s12] =	ssyncadd.s32 $0xFFFFC000  }
0x102: {  	_ =	swait.ge [sflag:s19], $0x4000  }
0x103: {  	[sflag:s19] =	ssyncset.done $0x0  }
0x104: {  	s30 =	sor.u32 $0x14400, s29;
	[sflag:s19] =	ssyncadd.s32 $0xFFFFC000  }
0x105: {  	[tilespmem:s16], [sflag:$0x1] =	stream.indirect.gather [hbm4b:s4+s15], $0x80, s30, s15, $0xb8;
	[tilespmem:$0x1E000] =	vst v63  }
0x106: {  	s31 =	sor.u32 $0x15380, s29  }
0x107: {  	[spmem:s2] =	stream.indirect.scatter.add.f32 [tilespmem:s18], [sflag:$0x3], $0x80, s31, s15, $0xb8;
	[tilespmem:$0x1E000] =	vst v63  }
0x108: {  	_ =	swait.ge [sflag:s12], $0x4000  }
0x109: {  	[sflag:s12] =	ssyncset.done $0x0  }
0x10a: {  	[sflag:s12] =	ssyncadd.s32 $0xFFFFC000  }
0x10b: {  	_ =	swait.ge [sflag:s17], $0x4000  }
0x10c: {  	[sflag:s17] =	ssyncset.done $0x0  }
0x10d: {  	s1 =	sor.u32 $0x14480, s29;
	[sflag:s17] =	ssyncadd.s32 $0xFFFFC000  }
0x10e: {  	[tilespmem:s18], [sflag:$0x2] =	stream.indirect.gather [hbm4b:s4+s15], $0x80, s1, s15, $0xb8;
	[tilespmem:$0x1E000] =	vst v63  }
0x10f: {  	s30 =	sor.u32 $0x15400, s29  }
0x110: {  	[spmem:s2] =	stream.indirect.scatter.add.f32 [tilespmem:s16], [sflag:$0x3], $0x80, s30, s15, $0xb8;
	[tilespmem:$0x1E000] =	vst v63  }
0x111: {  	_ =	swait.ge [sflag:s12], $0x4000  }
0x112: {  	[sflag:s12] =	ssyncset.done $0x0  }
0x113: {  	[sflag:s12] =	ssyncadd.s32 $0xFFFFC000  }
0x114: {  	_ =	swait.ge [sflag:s19], $0x4000  }
0x115: {  	[sflag:s19] =	ssyncset.done $0x0  }
0x116: {  	s31 =	sor.u32 $0x14500, s29;
	[sflag:s19] =	ssyncadd.s32 $0xFFFFC000  }
0x117: {  	[tilespmem:s16], [sflag:$0x1] =	stream.indirect.gather [hbm4b:s4+s15], $0x80, s31, s15, $0xb8;
	[tilespmem:$0x1E000] =	vst v63  }
0x118: {  	s1 =	sor.u32 $0x15480, s29  }
0x119: {  	[spmem:s2] =	stream.indirect.scatter.add.f32 [tilespmem:s18], [sflag:$0x3], $0x80, s1, s15, $0xb8;
	[tilespmem:$0x1E000] =	vst v63  }
0x11a: {  	_ =	swait.ge [sflag:s12], $0x4000  }
0x11b: {  	[sflag:s12] =	ssyncset.done $0x0  }
0x11c: {  	[sflag:s12] =	ssyncadd.s32 $0xFFFFC000  }
0x11d: {  	_ =	swait.ge [sflag:s17], $0x4000  }
0x11e: {  	[sflag:s17] =	ssyncset.done $0x0  }
0x11f: {  	s30 =	sor.u32 $0x14580, s29;
	[sflag:s17] =	ssyncadd.s32 $0xFFFFC000  }
0x120: {  	[tilespmem:s18], [sflag:$0x2] =	stream.indirect.gather [hbm4b:s4+s15], $0x80, s30, s15, $0xb8;
	[tilespmem:$0x1E000] =	vst v63  }
0x121: {  	s31 =	sor.u32 $0x15500, s29  }
0x122: {  	[spmem:s2] =	stream.indirect.scatter.add.f32 [tilespmem:s16], [sflag:$0x3], $0x80, s31, s15, $0xb8;
	[tilespmem:$0x1E000] =	vst v63  }
0x123: {  	_ =	swait.ge [sflag:s12], $0x4000  }
0x124: {  	[sflag:s12] =	ssyncset.done $0x0  }
0x125: {  	[sflag:s12] =	ssyncadd.s32 $0xFFFFC000  }
0x126: {  	_ =	swait.ge [sflag:s19], $0x4000  }
0x127: {  	[sflag:s19] =	ssyncset.done $0x0  }
0x128: {  	s1 =	sor.u32 $0x14600, s29;
	[sflag:s19] =	ssyncadd.s32 $0xFFFFC000  }
0x129: {  	[tilespmem:s16], [sflag:$0x1] =	stream.indirect.gather [hbm4b:s4+s15], $0x80, s1, s15, $0xb8;
	[tilespmem:$0x1E000] =	vst v63  }
0x12a: {  	s30 =	sor.u32 $0x15580, s29  }
0x12b: {  	[spmem:s2] =	stream.indirect.scatter.add.f32 [tilespmem:s18], [sflag:$0x3], $0x80, s30, s15, $0xb8;
	[tilespmem:$0x1E000] =	vst v63  }
0x12c: {  	_ =	swait.ge [sflag:s12], $0x4000  }
0x12d: {  	[sflag:s12] =	ssyncset.done $0x0  }
0x12e: {  	[sflag:s12] =	ssyncadd.s32 $0xFFFFC000  }
0x12f: {  	_ =	swait.ge [sflag:s17], $0x4000  }
0x130: {  	[sflag:s17] =	ssyncset.done $0x0  }
0x131: {  	s31 =	sor.u32 $0x14680, s29;
	[sflag:s17] =	ssyncadd.s32 $0xFFFFC000  }
0x132: {  	[tilespmem:s18], [sflag:$0x2] =	stream.indirect.gather [hbm4b:s4+s15], $0x80, s31, s15, $0xb8;
	[tilespmem:$0x1E000] =	vst v63  }
0x133: {  	s1 =	sor.u32 $0x15600, s29  }
0x134: {  	[spmem:s2] =	stream.indirect.scatter.add.f32 [tilespmem:s16], [sflag:$0x3], $0x80, s1, s15, $0xb8;
	[tilespmem:$0x1E000] =	vst v63  }
0x135: {  	_ =	swait.ge [sflag:s12], $0x4000  }
0x136: {  	[sflag:s12] =	ssyncset.done $0x0  }
0x137: {  	[sflag:s12] =	ssyncadd.s32 $0xFFFFC000  }
0x138: {  	_ =	swait.ge [sflag:s19], $0x4000  }
0x139: {  	[sflag:s19] =	ssyncset.done $0x0  }
0x13a: {  	s30 =	sor.u32 $0x14700, s29;
	[sflag:s19] =	ssyncadd.s32 $0xFFFFC000  }
0x13b: {  	[tilespmem:s16], [sflag:$0x1] =	stream.indirect.gather [hbm4b:s4+s15], $0x80, s30, s15, $0xb8;
	[tilespmem:$0x1E000] =	vst v63  }
0x13c: {  	s31 =	sor.u32 $0x15680, s29  }
0x13d: {  	[spmem:s2] =	stream.indirect.scatter.add.f32 [tilespmem:s18], [sflag:$0x3], $0x80, s31, s15, $0xb8;
	[tilespmem:$0x1E000] =	vst v63  }
0x13e: {  	_ =	swait.ge [sflag:s12], $0x4000  }
0x13f: {  	[sflag:s12] =	ssyncset.done $0x0  }
0x140: {  	[sflag:s12] =	ssyncadd.s32 $0xFFFFC000  }
0x141: {  	_ =	swait.ge [sflag:s17], $0x4000  }
0x142: {  	[sflag:s17] =	ssyncset.done $0x0  }
0x143: {  	s1 =	sor.u32 $0x14780, s29;
	[sflag:s17] =	ssyncadd.s32 $0xFFFFC000  }
0x144: {  	[tilespmem:s18], [sflag:$0x2] =	stream.indirect.gather [hbm4b:s4+s15], $0x80, s1, s15, $0xb8;
	[tilespmem:$0x1E000] =	vst v63  }
0x145: {  	s30 =	sor.u32 $0x15700, s29  }
0x146: {  	[spmem:s2] =	stream.indirect.scatter.add.f32 [tilespmem:s16], [sflag:$0x3], $0x80, s30, s15, $0xb8;
	[tilespmem:$0x1E000] =	vst v63  }
0x147: {  	_ =	swait.ge [sflag:s12], $0x4000  }
0x148: {  	[sflag:s12] =	ssyncset.done $0x0  }
0x149: {  	[sflag:s12] =	ssyncadd.s32 $0xFFFFC000  }
0x14a: {  	s28 =	smov.u32 s24;
	s24 =	sadd.s32 $0x100, s24;
	_ =	swait.ge [sflag:s19], $0x4000  }
0x14b: {  	p0 =	sne.s32 s24, $0xA00;
	s26 =	sor.u32 @!p1 $0x14000, s26;
	[sflag:s19] =	ssyncset.done $0x0  }
0x14c: {  	s0 =	simm.s32 @!p1 $0x80;
	s1 =	simm.s32 @!p1 $0x16000;
	[sflag:s19] =	ssyncadd.s32 $0xFFFFC000  }
0x14d: {  	[tilespmem:s1], [sflag:$0x1] =	stream.indirect.gather @!p1 [hbm4b:s4+s0], $0x80, s26, s0, $0xb8;
	[tilespmem:$0x1E000] =	vst v63  }
.Ltmp0:
0x14e: {  	s23 =	smov.u32 s28;
	s28 =	sor.u32 $0x780, s29;
	(pc) =	sbr.rel @p0 .LBB2_2-.Ltmp0, $4  }
0x14f: {  	s31 =	sor.u32 $0x15000, s28  }
0x150: {  	[spmem:s2] =	stream.indirect.scatter.add.f32 [tilespmem:s18], [sflag:$0x3], $0x80, s31, s15, $0xb8;
	[tilespmem:$0x1E000] =	vst v63  }
0x151: {  	s21 =	sadd.s32 $0x2000, s21;
	_ =	swait.ge [sflag:s12], $0x4000  }
0x152: {  	s25 =	sadd.s32 $0x800, s25;
	s22 =	sadd.s32 $0x1, s22;
	[sflag:s12] =	ssyncset.done $0x0  }
0x153: {  	s0 =	rddreg [dreg:$0x3];
	p0 =	seq.s32 s23, $0x900  }
0x154: {  	[sflag:s12] =	ssyncadd.s32 $0xFFFFC000;
	s1 =	sand.u32 @!p0 $0x800, s25;
	s24 =	simm.s32 @!p0 $0x3  }
0x155: {  	s0 =	sadd.s32 @!p0 s23, s0;
	s26 =	simm.s32 @!p0 $0x0;
	s25 =	sor.u32 @!p0 $0x14000, s1  }
0x156: {  	[tilespmem:s25], [sflag:$0x3] =	stream.linear.gather @!p0 [hbm4b:s0+s26], $0x800, $0x38;
	[tilespmem:$0x1E000] =	vst v63  }
0x157: {  	_ =	swait.ge @!p0 [sflag:s24], $0x800  }
0x158: {  	s0 =	rddreg [dreg:$0x4];
	[sflag:s24] =	ssyncset.done @!p0 $0x0  }
0x159: {  	s1 =	sor.u32 @!p0 $0x15000, s1;
	[sflag:s24] =	ssyncadd.s32 @!p0 $0xFFFFF800;
	s0 =	sadd.s32 @!p0 s23, s0  }
0x15a: {  	[tilespmem:s1], [sflag:$0x3] =	stream.linear.gather @!p0 [hbm4b:s0+s26], $0x800, $0x38;
	[tilespmem:$0x1E000] =	vst v63  }
0x15b: {  	_ =	swait.ge @!p0 [sflag:s24], $0x800  }
0x15c: {  	[sflag:s24] =	ssyncset.done @!p0 $0x0  }
0x15d: {  	[sflag:s24] =	ssyncadd.s32 @!p0 $0xFFFFF800  }
0x15e: {  	s26 =	sand.u32 $0x1, s22;
	_ =	swait.ge [sflag:s17], $0x4000  }
0x15f: {  	s22 =	sshll.u32 s26, $0xB;
	[sflag:s17] =	ssyncset.done $0x0  }
0x160: {  	s0 =	sor.u32 $0x14080, s22;
	[sflag:s17] =	ssyncadd.s32 $0xFFFFC000  }
0x161: {  	[tilespmem:s18], [sflag:$0x2] =	stream.indirect.gather [hbm4b:s4+s15], $0x80, s0, s15, $0xb8;
	[tilespmem:$0x1E000] =	vst v63  }
0x162: {  	s28 =	sor.u32 $0x15000, s22  }
0x163: {  	[spmem:s2] =	stream.indirect.scatter.add.f32 [tilespmem:s16], [sflag:$0x3], $0x80, s28, s15, $0xb8;
	[tilespmem:$0x1E000] =	vst v63  }
0x164: {  	_ =	swait.ge [sflag:s12], $0x4000  }
0x165: {  	[sflag:s12] =	ssyncset.done $0x0  }
0x166: {  	[sflag:s12] =	ssyncadd.s32 $0xFFFFC000  }
0x167: {  	_ =	swait.ge [sflag:s19], $0x4000  }
0x168: {  	[sflag:s19] =	ssyncset.done $0x0  }
0x169: {  	s29 =	sor.u32 $0x14100, s22;
	[sflag:s19] =	ssyncadd.s32 $0xFFFFC000  }
0x16a: {  	[tilespmem:s16], [sflag:$0x1] =	stream.indirect.gather [hbm4b:s4+s15], $0x80, s29, s15, $0xb8;
	[tilespmem:$0x1E000] =	vst v63  }
0x16b: {  	s30 =	sor.u32 $0x15080, s22  }
0x16c: {  	[spmem:s2] =	stream.indirect.scatter.add.f32 [tilespmem:s18], [sflag:$0x3], $0x80, s30, s15, $0xb8;
	[tilespmem:$0x1E000] =	vst v63  }
0x16d: {  	_ =	swait.ge [sflag:s12], $0x4000  }
0x16e: {  	[sflag:s12] =	ssyncset.done $0x0  }
0x16f: {  	[sflag:s12] =	ssyncadd.s32 $0xFFFFC000  }
0x170: {  	_ =	swait.ge [sflag:s17], $0x4000  }
0x171: {  	[sflag:s17] =	ssyncset.done $0x0  }
0x172: {  	s31 =	sor.u32 $0x14180, s22;
	[sflag:s17] =	ssyncadd.s32 $0xFFFFC000  }
0x173: {  	[tilespmem:s18], [sflag:$0x2] =	stream.indirect.gather [hbm4b:s4+s15], $0x80, s31, s15, $0xb8;
	[tilespmem:$0x1E000] =	vst v63  }
0x174: {  	s1 =	sor.u32 $0x15100, s22  }
0x175: {  	[spmem:s2] =	stream.indirect.scatter.add.f32 [tilespmem:s16], [sflag:$0x3], $0x80, s1, s15, $0xb8;
	[tilespmem:$0x1E000] =	vst v63  }
0x176: {  	_ =	swait.ge [sflag:s12], $0x4000  }
0x177: {  	[sflag:s12] =	ssyncset.done $0x0  }
0x178: {  	[sflag:s12] =	ssyncadd.s32 $0xFFFFC000  }
0x179: {  	_ =	swait.ge [sflag:s19], $0x4000  }
0x17a: {  	[sflag:s19] =	ssyncset.done $0x0  }
0x17b: {  	s23 =	sor.u32 $0x14200, s22;
	[sflag:s19] =	ssyncadd.s32 $0xFFFFC000  }
0x17c: {  	[tilespmem:s16], [sflag:$0x1] =	stream.indirect.gather [hbm4b:s4+s15], $0x80, s23, s15, $0xb8;
	[tilespmem:$0x1E000] =	vst v63  }
0x17d: {  	s24 =	sor.u32 $0x15180, s22  }
0x17e: {  	[spmem:s2] =	stream.indirect.scatter.add.f32 [tilespmem:s18], [sflag:$0x3], $0x80, s24, s15, $0xb8;
	[tilespmem:$0x1E000] =	vst v63  }
0x17f: {  	_ =	swait.ge [sflag:s12], $0x4000  }
0x180: {  	[sflag:s12] =	ssyncset.done $0x0  }
0x181: {  	[sflag:s12] =	ssyncadd.s32 $0xFFFFC000  }
0x182: {  	_ =	swait.ge [sflag:s17], $0x4000  }
0x183: {  	[sflag:s17] =	ssyncset.done $0x0  }
0x184: {  	s25 =	sor.u32 $0x14280, s22;
	[sflag:s17] =	ssyncadd.s32 $0xFFFFC000  }
0x185: {  	[tilespmem:s18], [sflag:$0x2] =	stream.indirect.gather [hbm4b:s4+s15], $0x80, s25, s15, $0xb8;
	[tilespmem:$0x1E000] =	vst v63  }
0x186: {  	s26 =	sor.u32 $0x15200, s22  }
0x187: {  	[spmem:s2] =	stream.indirect.scatter.add.f32 [tilespmem:s16], [sflag:$0x3], $0x80, s26, s15, $0xb8;
	[tilespmem:$0x1E000] =	vst v63  }
0x188: {  	_ =	swait.ge [sflag:s12], $0x4000  }
0x189: {  	[sflag:s12] =	ssyncset.done $0x0  }
0x18a: {  	[sflag:s12] =	ssyncadd.s32 $0xFFFFC000  }
0x18b: {  	_ =	swait.ge [sflag:s19], $0x4000  }
0x18c: {  	[sflag:s19] =	ssyncset.done $0x0  }
0x18d: {  	s28 =	sor.u32 $0x14300, s22;
	[sflag:s19] =	ssyncadd.s32 $0xFFFFC000  }
0x18e: {  	[tilespmem:s16], [sflag:$0x1] =	stream.indirect.gather [hbm4b:s4+s15], $0x80, s28, s15, $0xb8;
	[tilespmem:$0x1E000] =	vst v63  }
0x18f: {  	s29 =	sor.u32 $0x15280, s22  }
0x190: {  	[spmem:s2] =	stream.indirect.scatter.add.f32 [tilespmem:s18], [sflag:$0x3], $0x80, s29, s15, $0xb8;
	[tilespmem:$0x1E000] =	vst v63  }
0x191: {  	_ =	swait.ge [sflag:s12], $0x4000  }
0x192: {  	[sflag:s12] =	ssyncset.done $0x0  }
0x193: {  	[sflag:s12] =	ssyncadd.s32 $0xFFFFC000  }
0x194: {  	_ =	swait.ge [sflag:s17], $0x4000  }
0x195: {  	[sflag:s17] =	ssyncset.done $0x0  }
0x196: {  	s30 =	sor.u32 $0x14380, s22;
	[sflag:s17] =	ssyncadd.s32 $0xFFFFC000  }
0x197: {  	[tilespmem:s18], [sflag:$0x2] =	stream.indirect.gather [hbm4b:s4+s15], $0x80, s30, s15, $0xb8;
	[tilespmem:$0x1E000] =	vst v63  }
0x198: {  	s31 =	sor.u32 $0x15300, s22  }
0x199: {  	[spmem:s2] =	stream.indirect.scatter.add.f32 [tilespmem:s16], [sflag:$0x3], $0x80, s31, s15, $0xb8;
	[tilespmem:$0x1E000] =	vst v63  }
0x19a: {  	_ =	swait.ge [sflag:s12], $0x4000  }
0x19b: {  	[sflag:s12] =	ssyncset.done $0x0  }
0x19c: {  	[sflag:s12] =	ssyncadd.s32 $0xFFFFC000  }
0x19d: {  	_ =	swait.ge [sflag:s19], $0x4000  }
0x19e: {  	[sflag:s19] =	ssyncset.done $0x0  }
0x19f: {  	s1 =	sor.u32 $0x14400, s22;
	[sflag:s19] =	ssyncadd.s32 $0xFFFFC000  }
0x1a0: {  	[tilespmem:s16], [sflag:$0x1] =	stream.indirect.gather [hbm4b:s4+s15], $0x80, s1, s15, $0xb8;
	[tilespmem:$0x1E000] =	vst v63  }
0x1a1: {  	s23 =	sor.u32 $0x15380, s22  }
0x1a2: {  	[spmem:s2] =	stream.indirect.scatter.add.f32 [tilespmem:s18], [sflag:$0x3], $0x80, s23, s15, $0xb8;
	[tilespmem:$0x1E000] =	vst v63  }
0x1a3: {  	_ =	swait.ge [sflag:s12], $0x4000  }
0x1a4: {  	[sflag:s12] =	ssyncset.done $0x0  }
0x1a5: {  	[sflag:s12] =	ssyncadd.s32 $0xFFFFC000  }
0x1a6: {  	_ =	swait.ge [sflag:s17], $0x4000  }
0x1a7: {  	[sflag:s17] =	ssyncset.done $0x0  }
0x1a8: {  	s24 =	sor.u32 $0x14480, s22;
	[sflag:s17] =	ssyncadd.s32 $0xFFFFC000  }
0x1a9: {  	[tilespmem:s18], [sflag:$0x2] =	stream.indirect.gather [hbm4b:s4+s15], $0x80, s24, s15, $0xb8;
	[tilespmem:$0x1E000] =	vst v63  }
0x1aa: {  	s25 =	sor.u32 $0x15400, s22  }
0x1ab: {  	[spmem:s2] =	stream.indirect.scatter.add.f32 [tilespmem:s16], [sflag:$0x3], $0x80, s25, s15, $0xb8;
	[tilespmem:$0x1E000] =	vst v63  }
0x1ac: {  	_ =	swait.ge [sflag:s12], $0x4000  }
0x1ad: {  	[sflag:s12] =	ssyncset.done $0x0  }
0x1ae: {  	[sflag:s12] =	ssyncadd.s32 $0xFFFFC000  }
0x1af: {  	_ =	swait.ge [sflag:s19], $0x4000  }
0x1b0: {  	[sflag:s19] =	ssyncset.done $0x0  }
0x1b1: {  	s26 =	sor.u32 $0x14500, s22;
	[sflag:s19] =	ssyncadd.s32 $0xFFFFC000  }
0x1b2: {  	[tilespmem:s16], [sflag:$0x1] =	stream.indirect.gather [hbm4b:s4+s15], $0x80, s26, s15, $0xb8;
	[tilespmem:$0x1E000] =	vst v63  }
0x1b3: {  	s28 =	sor.u32 $0x15480, s22  }
0x1b4: {  	[spmem:s2] =	stream.indirect.scatter.add.f32 [tilespmem:s18], [sflag:$0x3], $0x80, s28, s15, $0xb8;
	[tilespmem:$0x1E000] =	vst v63  }
0x1b5: {  	_ =	swait.ge [sflag:s12], $0x4000  }
0x1b6: {  	[sflag:s12] =	ssyncset.done $0x0  }
0x1b7: {  	[sflag:s12] =	ssyncadd.s32 $0xFFFFC000  }
0x1b8: {  	_ =	swait.ge [sflag:s17], $0x4000  }
0x1b9: {  	[sflag:s17] =	ssyncset.done $0x0  }
0x1ba: {  	s29 =	sor.u32 $0x14580, s22;
	[sflag:s17] =	ssyncadd.s32 $0xFFFFC000  }
0x1bb: {  	[tilespmem:s18], [sflag:$0x2] =	stream.indirect.gather [hbm4b:s4+s15], $0x80, s29, s15, $0xb8;
	[tilespmem:$0x1E000] =	vst v63  }
0x1bc: {  	s30 =	sor.u32 $0x15500, s22  }
0x1bd: {  	[spmem:s2] =	stream.indirect.scatter.add.f32 [tilespmem:s16], [sflag:$0x3], $0x80, s30, s15, $0xb8;
	[tilespmem:$0x1E000] =	vst v63  }
0x1be: {  	_ =	swait.ge [sflag:s12], $0x4000  }
0x1bf: {  	[sflag:s12] =	ssyncset.done $0x0  }
0x1c0: {  	[sflag:s12] =	ssyncadd.s32 $0xFFFFC000  }
0x1c1: {  	_ =	swait.ge [sflag:s19], $0x4000  }
0x1c2: {  	[sflag:s19] =	ssyncset.done $0x0  }
0x1c3: {  	s31 =	sor.u32 $0x14600, s22;
	[sflag:s19] =	ssyncadd.s32 $0xFFFFC000  }
0x1c4: {  	[tilespmem:s16], [sflag:$0x1] =	stream.indirect.gather [hbm4b:s4+s15], $0x80, s31, s15, $0xb8;
	[tilespmem:$0x1E000] =	vst v63  }
0x1c5: {  	s1 =	sor.u32 $0x15580, s22  }
0x1c6: {  	[spmem:s2] =	stream.indirect.scatter.add.f32 [tilespmem:s18], [sflag:$0x3], $0x80, s1, s15, $0xb8;
	[tilespmem:$0x1E000] =	vst v63  }
0x1c7: {  	_ =	swait.ge [sflag:s12], $0x4000  }
0x1c8: {  	[sflag:s12] =	ssyncset.done $0x0  }
0x1c9: {  	[sflag:s12] =	ssyncadd.s32 $0xFFFFC000  }
0x1ca: {  	_ =	swait.ge [sflag:s17], $0x4000  }
0x1cb: {  	[sflag:s17] =	ssyncset.done $0x0  }
0x1cc: {  	s23 =	sor.u32 $0x14680, s22;
	[sflag:s17] =	ssyncadd.s32 $0xFFFFC000  }
0x1cd: {  	[tilespmem:s18], [sflag:$0x2] =	stream.indirect.gather [hbm4b:s4+s15], $0x80, s23, s15, $0xb8;
	[tilespmem:$0x1E000] =	vst v63  }
0x1ce: {  	s24 =	sor.u32 $0x15600, s22  }
0x1cf: {  	[spmem:s2] =	stream.indirect.scatter.add.f32 [tilespmem:s16], [sflag:$0x3], $0x80, s24, s15, $0xb8;
	[tilespmem:$0x1E000] =	vst v63  }
0x1d0: {  	_ =	swait.ge [sflag:s12], $0x4000  }
0x1d1: {  	[sflag:s12] =	ssyncset.done $0x0  }
0x1d2: {  	[sflag:s12] =	ssyncadd.s32 $0xFFFFC000  }
0x1d3: {  	_ =	swait.ge [sflag:s19], $0x4000  }
0x1d4: {  	[sflag:s19] =	ssyncset.done $0x0  }
0x1d5: {  	s25 =	sor.u32 $0x14700, s22;
	[sflag:s19] =	ssyncadd.s32 $0xFFFFC000  }
0x1d6: {  	[tilespmem:s16], [sflag:$0x1] =	stream.indirect.gather [hbm4b:s4+s15], $0x80, s25, s15, $0xb8;
	[tilespmem:$0x1E000] =	vst v63  }
0x1d7: {  	s26 =	sor.u32 $0x15680, s22  }
0x1d8: {  	[spmem:s2] =	stream.indirect.scatter.add.f32 [tilespmem:s18], [sflag:$0x3], $0x80, s26, s15, $0xb8;
	[tilespmem:$0x1E000] =	vst v63  }
0x1d9: {  	_ =	swait.ge [sflag:s12], $0x4000  }
0x1da: {  	[sflag:s12] =	ssyncset.done $0x0  }
0x1db: {  	[sflag:s12] =	ssyncadd.s32 $0xFFFFC000  }
0x1dc: {  	_ =	swait.ge [sflag:s17], $0x4000  }
0x1dd: {  	[sflag:s17] =	ssyncset.done $0x0  }
0x1de: {  	s28 =	sor.u32 $0x14780, s22;
	[sflag:s17] =	ssyncadd.s32 $0xFFFFC000  }
0x1df: {  	[tilespmem:s18], [sflag:$0x2] =	stream.indirect.gather [hbm4b:s4+s15], $0x80, s28, s15, $0xb8;
	[tilespmem:$0x1E000] =	vst v63  }
0x1e0: {  	s29 =	sor.u32 $0x15700, s22  }
0x1e1: {  	[spmem:s2] =	stream.indirect.scatter.add.f32 [tilespmem:s16], [sflag:$0x3], $0x80, s29, s15, $0xb8;
	[tilespmem:$0x1E000] =	vst v63  }
0x1e2: {  	_ =	swait.ge [sflag:s12], $0x4000  }
0x1e3: {  	[sflag:s12] =	ssyncset.done $0x0  }
0x1e4: {  	s0 =	sand.u32 @!p0 $0x2000, s21;
	[sflag:s12] =	ssyncadd.s32 $0xFFFFC000  }
0x1e5: {  	s0 =	sshrl.u32 @!p0 s0, $0x2;
	_ =	swait.ge [sflag:s19], $0x4000  }
0x1e6: {  	s21 =	simm.s32 @!p0 $0x80;
	s0 =	sor.u32 @!p0 $0x14000, s0;
	[sflag:s19] =	ssyncset.done $0x0  }
0x1e7: {  	s30 =	sor.u32 $0x780, s22;
	s22 =	simm.s32 @!p0 $0x16000;
	[sflag:s19] =	ssyncadd.s32 $0xFFFFC000  }
0x1e8: {  	[tilespmem:s22], [sflag:$0x1] =	stream.indirect.gather @!p0 [hbm4b:s4+s21], $0x80, s0, s21, $0xb8;
	[tilespmem:$0x1E000] =	vst v63  }
0x1e9: {  	s31 =	sor.u32 $0x15000, s30  }
0x1ea: {  	[spmem:s2] =	stream.indirect.scatter.add.f32 [tilespmem:s18], [sflag:$0x3], $0x80, s31, s15, $0xb8;
	[tilespmem:$0x1E000] =	vst v63  }
0x1eb: {  	_ =	swait.ge [sflag:s12], $0x4000  }
0x1ec: {  	s20 =	sadd.s32 $0x1, s20;
	[sflag:s12] =	ssyncset.done $0x0  }
0x1ed: {  	p0 =	sne.s32 s20, s10;
	[sflag:s12] =	ssyncadd.s32 $0xFFFFC000  }
.Ltmp1:
0x1ee: {  	[bflag:$0x0] =	sbarrier.arrive $0xFFFF;
	(pc) =	sbr.rel @p0 .LBB2_1-.Ltmp1, $4  }
0x1ef: {  	[hbm:s9], [sflag:s6] =	dma.local [spmem:s11], $0x2800  }
0x1f0: {  	_ =	swait.ge [sflag:s12], $0x2800  }
0x1f1: {  	[sflag:s12] =	ssyncset.done $0x0  }
0x1f2: {  	[sflag:s12] =	ssyncadd.s32 $0xFFFFD800  }
0x1f3: {  	_ =	sfence.sel $0x180000  }
0x1f4: {  	[bflag:$0x0] =	sbarrier.arrive $0xFFFF  }
0x1f5: {  	_ =	strace $0x9000004D  }
0x1f6: {  	s0 =	stileid.u32;
	[bflag:$0x2] =	sbarrier.arrive $0xFFFF  }
0x1f7: {  	p0 =	sne.s32 s0, $0x0;
	s0 =	rddreg [dreg:$0x2]  }
0x1f8: {  	s0 =	sadd.s32 @!p0 $0x100000, s0  }
0x1f9: {  	[sflag:s0] =	ssyncadd.tile.s32 @!p0 $0x1;
	_ =	shalt  }
.Lfunc_end2:
_tile_overlayer_lowered:
.L_overlay_start_2:
0x1fa: {  	(tag) =	ssettag $0x2  }
0x1fb: {  	s0 =	rddreg [dreg:$0x0];
	s2 =	stileid.u32  }
0x1fc: {  	s1 =	rddreg [dreg:$0x1];
	p0 =	sne.s32 s2, $0x0  }
0x1fd: {  	s3 =	rddreg [dreg:$0x2];
	[bflag:$0x3] =	sbarrier.arrive $0xFFFF;
	s2 =	simm.s32 @!p0 $0x1C03  }
0x1fe: {  	[timem:s3], [sflag:s2] =	dma.local @!p0 [hbm:s0], s1  }
0x1ff: {  	s0 =	simm.s32 @!p0 $0x3  }
0x200: {  	_ =	swait.ge @!p0 [sflag:s0], s1  }
0x201: {  	s1 =	ssub.s32 @!p0 $0x0, s1;
	[sflag:s0] =	ssyncset.done @!p0 $0x0  }
0x202: {  	[sflag:s0] =	ssyncadd.s32 @!p0 s1  }
0x203: {  	[bflag:$0x3] =	sbarrier.arrive $0xFFFF  }
0x204: {  	_ =	shalt  }

// kernel: kernel.8.cloned.1.call-start
scs
__scs_entry_jumppad:
0x0: {  	(pc) =	sbr.rel $0x88, $3  }
0x1: {  	(tag) =	ssettag $0x0;
	lr =	simm.s32 $0x1  }
0x2: {  	[smem:$0x3F99] =	sst lr;
	_ =	strace $0xD0000000  }
0x3: {  	_ = 	snop  }
0x4: {  	_ = 	snop  }
0x5: {  	_ = 	snop  }
0x6: {  	_ = 	snop  }
0x7: {  	_ = 	snop  }
__scs_overlays_trampoline_lowered:
0x8: {  	[smem:$0x3FA8] =	sst s0  }
0x9: {  	[smem:$0x3FA9] =	sst s1  }
0xa: {  	[smem:$0x3FAA] =	sst s2  }
0xb: {  	[smem:$0x3FAB] =	sst s3  }
0xc: {  	[smem:$0x3FAC] =	sst s4  }
0xd: {  	[smem:$0x3FAD] =	sst s5  }
0xe: {  	[smem:$0x3FAE] =	sst s6  }
0xf: {  	[smem:$0x3FAF] =	sst s7  }
0x10: {  	[smem:$0x3FB0] =	sst s8  }
0x11: {  	[smem:$0x3FB1] =	sst s9;
	s0 =	simm.s32 @!p0 $0x0  }
0x12: {  	s1 =	sld [smem:$0x3F97];
	s0 =	simm.s32 @p0 $0x1  }
0x13: {  	[smem:$0x3FB2] =	sst s0;
	s0 =	simm.s32 @!p1 $0x0  }
0x14: {  	s2 =	sld [smem:$0x3F96];
	s0 =	simm.s32 @p1 $0x1  }
0x15: {  	[smem:$0x3FB3] =	sst s0;
	s0 =	simm.s32 @!p2 $0x0  }
0x16: {  	s3 =	sld [smem:$0x3FDB];
	s0 =	simm.s32 @p2 $0x1  }
0x17: {  	s4 =	simm.s32 $0x1BF5;
	[smem:$0x3FB5] =	sst s0  }
0x18: {  	s0 =	sld [smem:$0x3F98];
	_ =	swait.ge [sflag:s4], $0x0  }
0x19: {  	s7 =	sld [smem:$0x3F99]  }
0x1a: {  	s8 =	sadd.s32 $0xFFFFE003, lr  }
0x1b: {  	s9 =	sadd.s32 $0xFFFFFEF7, lr;
	s5 =	simm.s32 $0xFFFFFFFF;
	p2 =	slt.u32 s8, $0xFFFFF086  }
0x1c: {  	p1 =	slt.u32 s9, $0xF7A;
	s5 =	simm.s32 @!p2 $0x0  }
0x1d: {  	s5 =	simm.s32 @p1 $0x1;
	p0 =	seq.s32 s7, s2  }
0x1e: {  	s7 =	smul.u32 @!p0 $0xF7A, s2;
	p2 =	seq.s32 @!p0 s5, $0x0  }
0x1f: {  	s9 =	smul.u32 $0xF7A, s1;
	s8 =	simm.s32 @!p0 $0x1BF5;
	p2 =	por !p2, p0  }
0x20: {  	[sflag:s8] =	ssyncset.s32 @!p0 $0xFFFFF086;
	s6 =	sadd.s32 @!p0 s3, s7;
	s7 =	simm.s32 @!p0 $0x108  }
0x21: {  	s3 =	sadd.s32 s3, s9;
	s6 =	sadd.s32 @!p0 $0x88, s6;
	s7 =	simm.s32 @p2 $0x1082  }
0x22: {  	[simem:s7], [sflag:s8] =	dma.local @!p0 [hbm:s6], $0xF7A  }
0x23: {  	s9 =	sor.u32 $0xD0000000, s2;
	s6 =	simm.s32 $0x108;
	_ =	swait.ge @!p0 [sflag:s8], $0x0  }
0x24: {  	s3 =	sadd.s32 $0x88, s3;
	s6 =	simm.s32 @!p1 $0x1082;
	[sflag:s4] =	ssyncset.s32 $0xFFFFF086  }
0x25: {  	[simem:s6], [sflag:s4] =	dma.local [hbm:s3], $0xF7A  }
0x26: {  	[smem:$0x3F99] =	sst s1;
	(tag) =	ssettag s2;
	_ =	strace s9  }
0x27: {  	s1 =	sld [smem:$0x3FA9]  }
0x28: {  	s2 =	sld [smem:$0x3FAA]  }
0x29: {  	s4 =	sld [smem:$0x3FAC]  }
0x2a: {  	p0 =	seq.s32 s5, $0x0;
	s5 =	sld [smem:$0x3FAD]  }
0x2b: {  	s6 =	sld [smem:$0x3FAE]  }
0x2c: {  	s7 =	sld [smem:$0x3FAF]  }
0x2d: {  	s3 =	simm.s32 $0x108;
	s8 =	sld [smem:$0x3FB0]  }
0x2e: {  	s3 =	simm.s32 @!p0 $0x1082;
	s9 =	sld [smem:$0x3FB1]  }
0x2f: {  	lr =	sadd.s32 s0, s3;
	s0 =	sld [smem:$0x3FA8]  }
0x30: {  	s3 =	sld [smem:$0x3FAB]  }
0x31: {  	[smem:$0x3FB4] =	sst s10  }
0x32: {  	s10 =	sld [smem:$0x3FB2];
	_ =	sdelay $0x3  }
0x33: {  	p0 =	seq.s32 s10, $0x1;
	s10 =	sld [smem:$0x3FB4];
	_ =	sdelay $0x3  }
0x34: {  	[smem:$0x3FB4] =	sst s10  }
0x35: {  	s10 =	sld [smem:$0x3FB3];
	_ =	sdelay $0x3  }
0x36: {  	p1 =	seq.s32 s10, $0x1;
	s10 =	sld [smem:$0x3FB4];
	_ =	sdelay $0x3  }
0x37: {  	[smem:$0x3FB4] =	sst s10  }
0x38: {  	s10 =	sld [smem:$0x3FB5]  }
0x39: {  	_ = 	snop;
	(pc) =	sbr.ind lr, $3  }
0x3a: {  	_ = 	snop  }
0x3b: {  	_ = 	snop  }
0x3c: {  	p2 =	seq.s32 s10, $0x1;
	s10 =	sld [smem:$0x3FB4]  }
0x3d: {  	_ =	shalt  }
0x3e: {  	_ =	shalt  }
0x3f: {  	_ =	shalt  }
0x40: {  	_ =	shalt  }
0x41: {  	_ =	shalt  }
0x42: {  	_ =	shalt  }
0x43: {  	_ =	shalt  }
0x44: {  	_ =	shalt  }
0x45: {  	_ =	shalt  }
0x46: {  	_ =	shalt  }
0x47: {  	_ =	shalt  }
0x48: {  	_ =	shalt  }
0x49: {  	_ =	shalt  }
0x4a: {  	_ =	shalt  }
0x4b: {  	_ =	shalt  }
0x4c: {  	_ =	shalt  }
0x4d: {  	_ =	shalt  }
0x4e: {  	_ =	shalt  }
0x4f: {  	_ =	shalt  }
0x50: {  	_ =	shalt  }
0x51: {  	_ =	shalt  }
0x52: {  	_ =	shalt  }
0x53: {  	_ =	shalt  }
0x54: {  	_ =	shalt  }
0x55: {  	_ =	shalt  }
0x56: {  	_ =	shalt  }
0x57: {  	_ =	shalt  }
0x58: {  	_ =	shalt  }
0x59: {  	_ =	shalt  }
0x5a: {  	_ =	shalt  }
0x5b: {  	_ =	shalt  }
0x5c: {  	_ =	shalt  }
0x5d: {  	_ =	shalt  }
0x5e: {  	_ =	shalt  }
0x5f: {  	_ =	shalt  }
0x60: {  	_ =	shalt  }
0x61: {  	_ =	shalt  }
0x62: {  	_ =	shalt  }
0x63: {  	_ =	shalt  }
0x64: {  	_ =	shalt  }
0x65: {  	_ =	shalt  }
0x66: {  	_ =	shalt  }
0x67: {  	_ =	shalt  }
0x68: {  	_ =	shalt  }
0x69: {  	_ =	shalt  }
0x6a: {  	_ =	shalt  }
0x6b: {  	_ =	shalt  }
0x6c: {  	_ =	shalt  }
0x6d: {  	_ =	shalt  }
0x6e: {  	_ =	shalt  }
0x6f: {  	_ =	shalt  }
0x70: {  	_ =	shalt  }
0x71: {  	_ =	shalt  }
0x72: {  	_ =	shalt  }
0x73: {  	_ =	shalt  }
0x74: {  	_ =	shalt  }
0x75: {  	_ =	shalt  }
0x76: {  	_ =	shalt  }
0x77: {  	_ =	shalt  }
0x78: {  	_ =	shalt  }
0x79: {  	_ =	shalt  }
0x7a: {  	_ =	shalt  }
0x7b: {  	_ =	shalt  }
0x7c: {  	_ =	shalt  }
0x7d: {  	_ =	shalt  }
0x7e: {  	_ =	shalt  }
0x7f: {  	_ =	shalt  }
0x80: {  	_ =	shalt  }
0x81: {  	_ =	shalt  }
0x82: {  	_ =	shalt  }
0x83: {  	_ =	shalt  }
0x84: {  	_ =	shalt  }
0x85: {  	_ =	shalt  }
0x86: {  	_ =	shalt  }
0x87: {  	_ =	shalt  }
.Lfunc_end0:
.L_simem_size_0:
called_computation_lowered:
.L_overlay_start_0:
0x88: {  	s2 =	sld [smem:$0x3FD9]  }
0x89: {  	s3 =	sld [smem:$0x3FFE];
	_ =	sdelay $0x1  }
0x8a: {  	s1 =	srdreg.scid  }
0x8b: {  	s0 =	sand.u32 $0x1, s1  }
0x8c: {  	s14 =	sshll.u32 s0, $0xA;
	s2 =	sadd.s32 s3, s2  }
0x8d: {  	s2 =	sadd.s32 s2, s14  }
0x8e: {  	[smem:$0x3FC0] =	sst s2  }
0x8f: {  	_ = 	snop  }
0x90: {  	s2 =	sld [smem:$0x3FD0];
	_ =	sdelay $0x2  }
0x91: {  	s15 =	simm.s32 $0xA;
	s4 =	simm.s32 $0x10  }
0x92: {  	[smem:s4], [sflag:s15] =	dma.local [hbm:s2], $0x1  }
0x93: {  	_ =	swait.eq [sflag:s15], $0x1  }
0x94: {  	[sflag:s15] =	ssyncset.done $0x0  }
0x95: {  	[sflag:s15] =	ssyncadd.s32 $0xFFFFFFFF  }
0x96: {  	s16 =	sld [smem:$0x10];
	(tm) =	ssettm $0x1  }
0x97: {  	s17 =	sld [smem:$0x3FFB];
	_ =	sdelay $0x3  }
0x98: {  	_ =	strace s17  }
0x99: {  	s3 =	sld [smem:$0x3FFC];
	_ =	sdelay $0x3  }
0x9a: {  	_ =	strace s3  }
0x9b: {  	s3 =	sld [smem:$0x3FFD];
	_ =	sdelay $0x3  }
0x9c: {  	_ =	strace s3  }
0x9d: {  	_ =	strace $0x8FFFFFFF  }
0x9e: {  	s18 =	sld [smem:$0x3FDB];
	_ =	sdelay $0x1  }
0x9f: {  	s19 =	simm.s32 $_scs_section_size  }
0xa0: {  	s5 =	simm.s32 $_size__tile_overlayer_lowered;
	s6 =	simm.s32 $_tile_overlayer_lowered  }
0xa1: {  	s22 =	simm.s32 $0x1BFF;
	s21 =	sshll.u32 s6, $0x1;
	s3 =	sadd.s32 s19, s18  }
0xa2: {  	s7 =	simm.s32 $0x0;
	s20 =	sshll.u32 s5, $0x1;
	s5 =	sadd.s32 s21, s3  }
0xa3: {  	[timem:s7], [sflag:s22] =	dma.local [hbm:s5], s20  }
0xa4: {  	_ =	swait.ge [sflag:s22], s20  }
0xa5: {  	s4 =	ssub.s32 $0x0, s20;
	[sflag:s22] =	ssyncset.done $0x0  }
0xa6: {  	[sflag:s22] =	ssyncadd.s32 s4;
	_ =	sdelay $0x1  }
0xa7: {  	s23 =	simm.s32 $0x1B8B  }
0xa8: {  	_ =	swait.ge [sflag:s23], $0x1  }
0xa9: {  	[sflag:s23] =	ssyncset.done $0x0  }
0xaa: {  	s25 =	simm.s32 $0x1B8E;
	s24 =	sld [smem:$0x3FFE];
	[sflag:s23] =	ssyncadd.s32 $0xFFFFFFFF  }
0xab: {  	s26 =	simm.s32 $execute0_lowered;
	[smem:$0x3FD2] =	sst s25  }
0xac: {  	s5 =	sshll.u32 s26, $0x1;
	_ =	strace $0x80000046;
	[dreg:$0x1] =	wrdreg $0xFFFFFFFF  }
0xad: {  	s28 =	simm.s32 $_size_execute0_lowered;
	s3 =	sadd.s32 s3, s5;
	[dreg:$0x0] =	wrdreg $0x0  }
0xae: {  	s5 =	sshll.u32 s28, $0x1;
	[dreg:$0x2] =	wrdreg s3  }
0xaf: {  	[dreg:$0x3] =	wrdreg s5  }
0xb0: {  	[dreg:$0x4] =	wrdreg $0xC0  }
0xb1: {  	_ =	task [dreg:s7], $0x5FFFF  }
0xb2: {  	[dreg:$0x1] =	wrdreg $0xFFFFFFFF  }
0xb3: {  	[dreg:$0x0] =	wrdreg $0x60  }
0xb4: {  	[dreg:$0x2] =	wrdreg s24  }
0xb5: {  	[dreg:$0x3] =	wrdreg s16  }
0xb6: {  	[dreg:$0x4] =	wrdreg $0x0  }
0xb7: {  	[dreg:$0x5] =	wrdreg $0x9  }
0xb8: {  	_ =	task.clear_ibuf [dreg:s7], $0x6FFFF;
	_ =	strace $0x90000046  }
0xb9: {  	s29 =	simm.s32 $0x9;
	_ =	strace $0x80000048  }
0xba: {  	_ =	swait.ge [sflag:s29], $0x1  }
0xbb: {  	[sflag:s29] =	ssyncadd.s32 $0xFFFFFFFF  }
0xbc: {  	_ =	strace $0x90000048  }
0xbd: {  	_ =	sfence  }
0xbe: {  	s30 =	sld [smem:$0x0];
	_ =	sdelay $0x2  }
0xbf: {  	s31 =	sshll.u32 s1, $0xD;
	s1 =	sshrl.u32 s1, $0x2  }
0xc0: {  	s3 =	sand.u32 $0x4000, s31;
	s1 =	sadd.s32 s1, s30  }
0xc1: {  	s0 =	sor.u32 s3, s0;
	s1 =	sshll.u32 s1, $0x11  }
0xc2: {  	s0 =	sor.u32 s1, s0  }
0xc3: {  	s0 =	sadd.s32 $0x8F2B, s0  }
0xc4: {  	[sflag:s0] =	ssyncadd.remote.s32 $0x1  }
0xc5: {  	_ =	sfence.sel $0xFFFF  }
0xc6: {  	[dreg:$0x0] =	wrdreg $0xFFFFFFFF;
	(pc) =	sbr.abs _section_cstart, $3  }
0xc7: {  	[dreg:$0x1] =	wrdreg $0xFFFFFFFF  }
0xc8: {  	_ =	task.clear_ibuf [dreg:s7], $0x2FFFF;
	_ =	strace $0x9FFFFFFF  }
0xc9: {  	(tm) =	ssettm $0x7FFFFFFF  }
tec
execute0_lowered:
.L_overlay_start_1:
0x0: {  	(tag) =	ssettag $0x1  }
0x1: {  	s0 =	rddreg [dreg:$0x0]  }
0x2: {  	s1 =	srdreg.scid;
	s10 =	stileid.u32  }
0x3: {  	s3 =	rddreg [dreg:$0x2];
	s4 =	simm.s32 $0x0;
	s9 =	simm.s32 $0x14800  }
0x4: {  	s13 =	simm.s32 $0x14000;
	s14 =	simm.s32 $0x80;
	s15 =	simm.s32 $0x14080  }
0x5: {  	s16 =	simm.s32 $0x14100;
	s17 =	simm.s32 $0x14180;
	s18 =	simm.s32 $0x14200  }
0x6: {  	s19 =	simm.s32 $0x14280;
	s20 =	simm.s32 $0x14300;
	s21 =	simm.s32 $0x14380  }
0x7: {  	s22 =	simm.s32 $0x14400;
	s23 =	simm.s32 $0x14480;
	s28 =	simm.s32 $0x14680  }
0x8: {  	s29 =	simm.s32 $0x14700;
	s30 =	simm.s32 $0x14780;
	s31 =	simm.s32 $0x0  }
0x9: {  	s1 =	sand.u32 $0x1, s1;
	s2 =	smul.u32 $0x2800, s10;
	[smem:$0x7FF] =	sst s4  }
0xa: {  	s6 =	smul.u32 $0x50000, s10;
	s24 =	sadd.s32 $0xD000, s0;
	s26 =	sshll.u32 s10, $0x6  }
0xb: {  	s10 =	simm.s32 $0x1;
	s5 =	smul.u32 $0x28000, s1;
	_ =	strace $0x80000047  }
0xc: {  	s1 =	ssub.s32 $0x2, s1;
	[dreg:$0x4] =	wrdreg s24;
	s11 =	sor.u32 $0x1C01, s26  }
0xd: {  	s24 =	simm.s32 $0x14500;
	s7 =	sshrl.u32 s1, $0x1;
	s2 =	sadd.s32 s2, s5  }
0xe: {  	s26 =	simm.s32 $0x14600;
	s1 =	ssub.s32 s1, s7;
	s5 =	sshrl.u32 s2, $0x3  }
0xf: {  	s25 =	sshrl.u32 s6, $0x2;
	s7 =	smax.u32 s1, $0x1;
	s8 =	sadd.s32 s5, s0  }
0x10: {  	s0 =	sadd.s32 s2, s0;
	s2 =	sadd.s32 s25, s3;
	s25 =	simm.s32 $0x14580  }
0x11: {  	s6 =	sadd.s32 $0xF800, s0;
	s8 =	sadd.s32 $0x3000, s8;
	s12 =	sshrl.u32 s2, $0x3  }
.LBB2_1:
0x12: {  	s0 =	rddreg [dreg:$0x1]  }
0x13: {  	[tilespmem:s9], [sflag:$0x1] =	stream.linear.gather [hbm4b:s0+s4], $0x4000, $0x38;
	[tilespmem:$0x18800] =	vst v63  }
0x14: {  	_ =	swait.ge [sflag:s10], $0x4000  }
0x15: {  	[sflag:s10] =	ssyncset.done $0x0  }
0x16: {  	s2 =	rddreg [dreg:$0x4];
	[sflag:s10] =	ssyncadd.s32 $0xFFFFC000  }
0x17: {  	[spmem:s12], [sflag:s11] =	dma.local [hbm:s2], $0x2800  }
0x18: {  	_ =	swait.ge [sflag:s10], $0x2800  }
0x19: {  	[sflag:s10] =	ssyncset.done $0x0  }
0x1a: {  	[sflag:s10] =	ssyncadd.s32 $0xFFFFD800  }
0x1b: {  	s5 =	sadd.s32 $0x0, s8;
	[bflag:$0x0] =	sbarrier.arrive $0xFFFF  }
0x1c: {  	[tilespmem:s13], [sflag:$0x1] =	stream.linear.gather [hbm4b:s5+s4], $0x800, $0x38;
	[tilespmem:$0x18800] =	vst v63  }
0x1d: {  	_ =	swait.ge [sflag:s10], $0x800  }
0x1e: {  	[sflag:s10] =	ssyncset.done $0x0  }
0x1f: {  	[sflag:s10] =	ssyncadd.s32 $0xFFFFF800  }
0x20: {  	[spmem:s3] =	stream.indirect.scatter.add.f32 [tilespmem:s9], [sflag:$0x1], $0x80, s13, s14, $0xb8;
	[tilespmem:$0x18800] =	vst v63  }
0x21: {  	_ =	swait.ge [sflag:s10], $0x4000  }
0x22: {  	[sflag:s10] =	ssyncset.done $0x0  }
0x23: {  	[sflag:s10] =	ssyncadd.s32 $0xFFFFC000  }
0x24: {  	[spmem:s3] =	stream.indirect.scatter.add.f32 [tilespmem:s9], [sflag:$0x1], $0x80, s15, s14, $0xb8;
	[tilespmem:$0x18800] =	vst v63  }
0x25: {  	_ =	swait.ge [sflag:s10], $0x4000  }
0x26: {  	[sflag:s10] =	ssyncset.done $0x0  }
0x27: {  	[sflag:s10] =	ssyncadd.s32 $0xFFFFC000  }
0x28: {  	[spmem:s3] =	stream.indirect.scatter.add.f32 [tilespmem:s9], [sflag:$0x1], $0x80, s16, s14, $0xb8;
	[tilespmem:$0x18800] =	vst v63  }
0x29: {  	_ =	swait.ge [sflag:s10], $0x4000  }
0x2a: {  	[sflag:s10] =	ssyncset.done $0x0  }
0x2b: {  	[sflag:s10] =	ssyncadd.s32 $0xFFFFC000  }
0x2c: {  	[spmem:s3] =	stream.indirect.scatter.add.f32 [tilespmem:s9], [sflag:$0x1], $0x80, s17, s14, $0xb8;
	[tilespmem:$0x18800] =	vst v63  }
0x2d: {  	_ =	swait.ge [sflag:s10], $0x4000  }
0x2e: {  	[sflag:s10] =	ssyncset.done $0x0  }
0x2f: {  	[sflag:s10] =	ssyncadd.s32 $0xFFFFC000  }
0x30: {  	[spmem:s3] =	stream.indirect.scatter.add.f32 [tilespmem:s9], [sflag:$0x1], $0x80, s18, s14, $0xb8;
	[tilespmem:$0x18800] =	vst v63  }
0x31: {  	_ =	swait.ge [sflag:s10], $0x4000  }
0x32: {  	[sflag:s10] =	ssyncset.done $0x0  }
0x33: {  	[sflag:s10] =	ssyncadd.s32 $0xFFFFC000  }
0x34: {  	[spmem:s3] =	stream.indirect.scatter.add.f32 [tilespmem:s9], [sflag:$0x1], $0x80, s19, s14, $0xb8;
	[tilespmem:$0x18800] =	vst v63  }
0x35: {  	_ =	swait.ge [sflag:s10], $0x4000  }
0x36: {  	[sflag:s10] =	ssyncset.done $0x0  }
0x37: {  	[sflag:s10] =	ssyncadd.s32 $0xFFFFC000  }
0x38: {  	[spmem:s3] =	stream.indirect.scatter.add.f32 [tilespmem:s9], [sflag:$0x1], $0x80, s20, s14, $0xb8;
	[tilespmem:$0x18800] =	vst v63  }
0x39: {  	_ =	swait.ge [sflag:s10], $0x4000  }
0x3a: {  	[sflag:s10] =	ssyncset.done $0x0  }
0x3b: {  	[sflag:s10] =	ssyncadd.s32 $0xFFFFC000  }
0x3c: {  	[spmem:s3] =	stream.indirect.scatter.add.f32 [tilespmem:s9], [sflag:$0x1], $0x80, s21, s14, $0xb8;
	[tilespmem:$0x18800] =	vst v63  }
0x3d: {  	_ =	swait.ge [sflag:s10], $0x4000  }
0x3e: {  	[sflag:s10] =	ssyncset.done $0x0  }
0x3f: {  	[sflag:s10] =	ssyncadd.s32 $0xFFFFC000  }
0x40: {  	[spmem:s3] =	stream.indirect.scatter.add.f32 [tilespmem:s9], [sflag:$0x1], $0x80, s22, s14, $0xb8;
	[tilespmem:$0x18800] =	vst v63  }
0x41: {  	_ =	swait.ge [sflag:s10], $0x4000  }
0x42: {  	[sflag:s10] =	ssyncset.done $0x0  }
0x43: {  	[sflag:s10] =	ssyncadd.s32 $0xFFFFC000  }
0x44: {  	[spmem:s3] =	stream.indirect.scatter.add.f32 [tilespmem:s9], [sflag:$0x1], $0x80, s23, s14, $0xb8;
	[tilespmem:$0x18800] =	vst v63  }
0x45: {  	_ =	swait.ge [sflag:s10], $0x4000  }
0x46: {  	[sflag:s10] =	ssyncset.done $0x0  }
0x47: {  	[sflag:s10] =	ssyncadd.s32 $0xFFFFC000  }
0x48: {  	[spmem:s3] =	stream.indirect.scatter.add.f32 [tilespmem:s9], [sflag:$0x1], $0x80, s24, s14, $0xb8;
	[tilespmem:$0x18800] =	vst v63  }
0x49: {  	_ =	swait.ge [sflag:s10], $0x4000  }
0x4a: {  	[sflag:s10] =	ssyncset.done $0x0  }
0x4b: {  	[sflag:s10] =	ssyncadd.s32 $0xFFFFC000  }
0x4c: {  	[spmem:s3] =	stream.indirect.scatter.add.f32 [tilespmem:s9], [sflag:$0x1], $0x80, s25, s14, $0xb8;
	[tilespmem:$0x18800] =	vst v63  }
0x4d: {  	_ =	swait.ge [sflag:s10], $0x4000  }
0x4e: {  	[sflag:s10] =	ssyncset.done $0x0  }
0x4f: {  	[sflag:s10] =	ssyncadd.s32 $0xFFFFC000  }
0x50: {  	[spmem:s3] =	stream.indirect.scatter.add.f32 [tilespmem:s9], [sflag:$0x1], $0x80, s26, s14, $0xb8;
	[tilespmem:$0x18800] =	vst v63  }
0x51: {  	_ =	swait.ge [sflag:s10], $0x4000  }
0x52: {  	[sflag:s10] =	ssyncset.done $0x0  }
0x53: {  	[sflag:s10] =	ssyncadd.s32 $0xFFFFC000  }
0x54: {  	[spmem:s3] =	stream.indirect.scatter.add.f32 [tilespmem:s9], [sflag:$0x1], $0x80, s28, s14, $0xb8;
	[tilespmem:$0x18800] =	vst v63  }
0x55: {  	_ =	swait.ge [sflag:s10], $0x4000  }
0x56: {  	[sflag:s10] =	ssyncset.done $0x0  }
0x57: {  	[sflag:s10] =	ssyncadd.s32 $0xFFFFC000  }
0x58: {  	[spmem:s3] =	stream.indirect.scatter.add.f32 [tilespmem:s9], [sflag:$0x1], $0x80, s29, s14, $0xb8;
	[tilespmem:$0x18800] =	vst v63  }
0x59: {  	_ =	swait.ge [sflag:s10], $0x4000  }
0x5a: {  	[sflag:s10] =	ssyncset.done $0x0  }
0x5b: {  	[sflag:s10] =	ssyncadd.s32 $0xFFFFC000  }
0x5c: {  	[spmem:s3] =	stream.indirect.scatter.add.f32 [tilespmem:s9], [sflag:$0x1], $0x80, s30, s14, $0xb8;
	[tilespmem:$0x18800] =	vst v63  }
0x5d: {  	_ =	swait.ge [sflag:s10], $0x4000  }
0x5e: {  	s1 =	simm.s32 $0x100;
	s0 =	simm.s32 $0x200;
	[sflag:s10] =	ssyncset.done $0x0  }
.LBB2_2:
0x5f: {  	s5 =	sadd.s32 s1, s8  }
0x60: {  	[sflag:s10] =	ssyncadd.s32 $0xFFFFC000;
	s1 =	smov.u32 s0;
	s2 =	sadd.s32 $0x100, s0  }
0x61: {  	[tilespmem:s13], [sflag:$0x1] =	stream.linear.gather [hbm4b:s5+s4], $0x800, $0x38;
	[tilespmem:$0x18800] =	vst v63  }
0x62: {  	p0 =	sne.s32 s0, $0x400;
	_ =	swait.ge [sflag:s10], $0x800  }
0x63: {  	[sflag:s10] =	ssyncset.done $0x0  }
0x64: {  	[sflag:s10] =	ssyncadd.s32 $0xFFFFF800  }
0x65: {  	[spmem:s3] =	stream.indirect.scatter.add.f32 [tilespmem:s9], [sflag:$0x1], $0x80, s13, s14, $0xb8;
	[tilespmem:$0x18800] =	vst v63  }
0x66: {  	_ =	swait.ge [sflag:s10], $0x4000  }
0x67: {  	[sflag:s10] =	ssyncset.done $0x0  }
0x68: {  	[sflag:s10] =	ssyncadd.s32 $0xFFFFC000  }
0x69: {  	[spmem:s3] =	stream.indirect.scatter.add.f32 [tilespmem:s9], [sflag:$0x1], $0x80, s15, s14, $0xb8;
	[tilespmem:$0x18800] =	vst v63  }
0x6a: {  	_ =	swait.ge [sflag:s10], $0x4000  }
0x6b: {  	[sflag:s10] =	ssyncset.done $0x0  }
0x6c: {  	[sflag:s10] =	ssyncadd.s32 $0xFFFFC000  }
0x6d: {  	[spmem:s3] =	stream.indirect.scatter.add.f32 [tilespmem:s9], [sflag:$0x1], $0x80, s16, s14, $0xb8;
	[tilespmem:$0x18800] =	vst v63  }
0x6e: {  	_ =	swait.ge [sflag:s10], $0x4000  }
0x6f: {  	[sflag:s10] =	ssyncset.done $0x0  }
0x70: {  	[sflag:s10] =	ssyncadd.s32 $0xFFFFC000  }
0x71: {  	[spmem:s3] =	stream.indirect.scatter.add.f32 [tilespmem:s9], [sflag:$0x1], $0x80, s17, s14, $0xb8;
	[tilespmem:$0x18800] =	vst v63  }
0x72: {  	_ =	swait.ge [sflag:s10], $0x4000  }
0x73: {  	[sflag:s10] =	ssyncset.done $0x0  }
0x74: {  	[sflag:s10] =	ssyncadd.s32 $0xFFFFC000  }
0x75: {  	[spmem:s3] =	stream.indirect.scatter.add.f32 [tilespmem:s9], [sflag:$0x1], $0x80, s18, s14, $0xb8;
	[tilespmem:$0x18800] =	vst v63  }
0x76: {  	_ =	swait.ge [sflag:s10], $0x4000  }
0x77: {  	[sflag:s10] =	ssyncset.done $0x0  }
0x78: {  	[sflag:s10] =	ssyncadd.s32 $0xFFFFC000  }
0x79: {  	[spmem:s3] =	stream.indirect.scatter.add.f32 [tilespmem:s9], [sflag:$0x1], $0x80, s19, s14, $0xb8;
	[tilespmem:$0x18800] =	vst v63  }
0x7a: {  	_ =	swait.ge [sflag:s10], $0x4000  }
0x7b: {  	[sflag:s10] =	ssyncset.done $0x0  }
0x7c: {  	[sflag:s10] =	ssyncadd.s32 $0xFFFFC000  }
0x7d: {  	[spmem:s3] =	stream.indirect.scatter.add.f32 [tilespmem:s9], [sflag:$0x1], $0x80, s20, s14, $0xb8;
	[tilespmem:$0x18800] =	vst v63  }
0x7e: {  	_ =	swait.ge [sflag:s10], $0x4000  }
0x7f: {  	[sflag:s10] =	ssyncset.done $0x0  }
0x80: {  	[sflag:s10] =	ssyncadd.s32 $0xFFFFC000  }
0x81: {  	[spmem:s3] =	stream.indirect.scatter.add.f32 [tilespmem:s9], [sflag:$0x1], $0x80, s21, s14, $0xb8;
	[tilespmem:$0x18800] =	vst v63  }
0x82: {  	_ =	swait.ge [sflag:s10], $0x4000  }
0x83: {  	[sflag:s10] =	ssyncset.done $0x0  }
0x84: {  	[sflag:s10] =	ssyncadd.s32 $0xFFFFC000  }
0x85: {  	[spmem:s3] =	stream.indirect.scatter.add.f32 [tilespmem:s9], [sflag:$0x1], $0x80, s22, s14, $0xb8;
	[tilespmem:$0x18800] =	vst v63  }
0x86: {  	_ =	swait.ge [sflag:s10], $0x4000  }
0x87: {  	[sflag:s10] =	ssyncset.done $0x0  }
0x88: {  	[sflag:s10] =	ssyncadd.s32 $0xFFFFC000  }
0x89: {  	[spmem:s3] =	stream.indirect.scatter.add.f32 [tilespmem:s9], [sflag:$0x1], $0x80, s23, s14, $0xb8;
	[tilespmem:$0x18800] =	vst v63  }
0x8a: {  	_ =	swait.ge [sflag:s10], $0x4000  }
0x8b: {  	[sflag:s10] =	ssyncset.done $0x0  }
0x8c: {  	[sflag:s10] =	ssyncadd.s32 $0xFFFFC000  }
0x8d: {  	[spmem:s3] =	stream.indirect.scatter.add.f32 [tilespmem:s9], [sflag:$0x1], $0x80, s24, s14, $0xb8;
	[tilespmem:$0x18800] =	vst v63  }
0x8e: {  	_ =	swait.ge [sflag:s10], $0x4000  }
0x8f: {  	[sflag:s10] =	ssyncset.done $0x0  }
0x90: {  	[sflag:s10] =	ssyncadd.s32 $0xFFFFC000  }
0x91: {  	[spmem:s3] =	stream.indirect.scatter.add.f32 [tilespmem:s9], [sflag:$0x1], $0x80, s25, s14, $0xb8;
	[tilespmem:$0x18800] =	vst v63  }
0x92: {  	_ =	swait.ge [sflag:s10], $0x4000  }
0x93: {  	[sflag:s10] =	ssyncset.done $0x0  }
0x94: {  	[sflag:s10] =	ssyncadd.s32 $0xFFFFC000  }
0x95: {  	[spmem:s3] =	stream.indirect.scatter.add.f32 [tilespmem:s9], [sflag:$0x1], $0x80, s26, s14, $0xb8;
	[tilespmem:$0x18800] =	vst v63  }
0x96: {  	_ =	swait.ge [sflag:s10], $0x4000  }
0x97: {  	[sflag:s10] =	ssyncset.done $0x0  }
0x98: {  	[sflag:s10] =	ssyncadd.s32 $0xFFFFC000  }
0x99: {  	[spmem:s3] =	stream.indirect.scatter.add.f32 [tilespmem:s9], [sflag:$0x1], $0x80, s28, s14, $0xb8;
	[tilespmem:$0x18800] =	vst v63  }
0x9a: {  	_ =	swait.ge [sflag:s10], $0x4000  }
0x9b: {  	[sflag:s10] =	ssyncset.done $0x0  }
0x9c: {  	[sflag:s10] =	ssyncadd.s32 $0xFFFFC000  }
0x9d: {  	[spmem:s3] =	stream.indirect.scatter.add.f32 [tilespmem:s9], [sflag:$0x1], $0x80, s29, s14, $0xb8;
	[tilespmem:$0x18800] =	vst v63  }
0x9e: {  	_ =	swait.ge [sflag:s10], $0x4000  }
.Ltmp0:
0x9f: {  	[sflag:s10] =	ssyncset.done $0x0;
	(pc) =	sbr.rel @p0 .LBB2_2-.Ltmp0, $4  }
0xa0: {  	[sflag:s10] =	ssyncadd.s32 $0xFFFFC000  }
0xa1: {  	[spmem:s3] =	stream.indirect.scatter.add.f32 [tilespmem:s9], [sflag:$0x1], $0x80, s30, s14, $0xb8;
	[tilespmem:$0x18800] =	vst v63  }
0xa2: {  	_ =	swait.ge [sflag:s10], $0x4000  }
0xa3: {  	s0 =	smov.u32 s2;
	[sflag:s10] =	ssyncset.done $0x0  }
0xa4: {  	s0 =	sadd.s32 s1, s8;
	[sflag:s10] =	ssyncadd.s32 $0xFFFFC000  }
0xa5: {  	[tilespmem:s13], [sflag:$0x1] =	stream.linear.gather [hbm4b:s0+s4], $0x800, $0x38;
	[tilespmem:$0x18800] =	vst v63  }
0xa6: {  	_ =	swait.ge [sflag:s10], $0x800  }
0xa7: {  	[sflag:s10] =	ssyncset.done $0x0  }
0xa8: {  	[sflag:s10] =	ssyncadd.s32 $0xFFFFF800  }
0xa9: {  	[spmem:s3] =	stream.indirect.scatter.add.f32 [tilespmem:s9], [sflag:$0x1], $0x80, s13, s14, $0xb8;
	[tilespmem:$0x18800] =	vst v63  }
0xaa: {  	_ =	swait.ge [sflag:s10], $0x4000  }
0xab: {  	[sflag:s10] =	ssyncset.done $0x0  }
0xac: {  	[sflag:s10] =	ssyncadd.s32 $0xFFFFC000  }
0xad: {  	[spmem:s3] =	stream.indirect.scatter.add.f32 [tilespmem:s9], [sflag:$0x1], $0x80, s15, s14, $0xb8;
	[tilespmem:$0x18800] =	vst v63  }
0xae: {  	_ =	swait.ge [sflag:s10], $0x4000  }
0xaf: {  	[sflag:s10] =	ssyncset.done $0x0  }
0xb0: {  	[sflag:s10] =	ssyncadd.s32 $0xFFFFC000  }
0xb1: {  	[spmem:s3] =	stream.indirect.scatter.add.f32 [tilespmem:s9], [sflag:$0x1], $0x80, s16, s14, $0xb8;
	[tilespmem:$0x18800] =	vst v63  }
0xb2: {  	_ =	swait.ge [sflag:s10], $0x4000  }
0xb3: {  	[sflag:s10] =	ssyncset.done $0x0  }
0xb4: {  	[sflag:s10] =	ssyncadd.s32 $0xFFFFC000  }
0xb5: {  	[spmem:s3] =	stream.indirect.scatter.add.f32 [tilespmem:s9], [sflag:$0x1], $0x80, s17, s14, $0xb8;
	[tilespmem:$0x18800] =	vst v63  }
0xb6: {  	_ =	swait.ge [sflag:s10], $0x4000  }
0xb7: {  	[sflag:s10] =	ssyncset.done $0x0  }
0xb8: {  	[sflag:s10] =	ssyncadd.s32 $0xFFFFC000  }
0xb9: {  	[spmem:s3] =	stream.indirect.scatter.add.f32 [tilespmem:s9], [sflag:$0x1], $0x80, s18, s14, $0xb8;
	[tilespmem:$0x18800] =	vst v63  }
0xba: {  	_ =	swait.ge [sflag:s10], $0x4000  }
0xbb: {  	[sflag:s10] =	ssyncset.done $0x0  }
0xbc: {  	[sflag:s10] =	ssyncadd.s32 $0xFFFFC000  }
0xbd: {  	[spmem:s3] =	stream.indirect.scatter.add.f32 [tilespmem:s9], [sflag:$0x1], $0x80, s19, s14, $0xb8;
	[tilespmem:$0x18800] =	vst v63  }
0xbe: {  	_ =	swait.ge [sflag:s10], $0x4000  }
0xbf: {  	[sflag:s10] =	ssyncset.done $0x0  }
0xc0: {  	[sflag:s10] =	ssyncadd.s32 $0xFFFFC000  }
0xc1: {  	[spmem:s3] =	stream.indirect.scatter.add.f32 [tilespmem:s9], [sflag:$0x1], $0x80, s20, s14, $0xb8;
	[tilespmem:$0x18800] =	vst v63  }
0xc2: {  	_ =	swait.ge [sflag:s10], $0x4000  }
0xc3: {  	[sflag:s10] =	ssyncset.done $0x0  }
0xc4: {  	[sflag:s10] =	ssyncadd.s32 $0xFFFFC000  }
0xc5: {  	[spmem:s3] =	stream.indirect.scatter.add.f32 [tilespmem:s9], [sflag:$0x1], $0x80, s21, s14, $0xb8;
	[tilespmem:$0x18800] =	vst v63  }
0xc6: {  	_ =	swait.ge [sflag:s10], $0x4000  }
0xc7: {  	[sflag:s10] =	ssyncset.done $0x0  }
0xc8: {  	[sflag:s10] =	ssyncadd.s32 $0xFFFFC000  }
0xc9: {  	[spmem:s3] =	stream.indirect.scatter.add.f32 [tilespmem:s9], [sflag:$0x1], $0x80, s22, s14, $0xb8;
	[tilespmem:$0x18800] =	vst v63  }
0xca: {  	_ =	swait.ge [sflag:s10], $0x4000  }
0xcb: {  	[sflag:s10] =	ssyncset.done $0x0  }
0xcc: {  	[sflag:s10] =	ssyncadd.s32 $0xFFFFC000  }
0xcd: {  	[spmem:s3] =	stream.indirect.scatter.add.f32 [tilespmem:s9], [sflag:$0x1], $0x80, s23, s14, $0xb8;
	[tilespmem:$0x18800] =	vst v63  }
0xce: {  	_ =	swait.ge [sflag:s10], $0x4000  }
0xcf: {  	[sflag:s10] =	ssyncset.done $0x0  }
0xd0: {  	[sflag:s10] =	ssyncadd.s32 $0xFFFFC000  }
0xd1: {  	[spmem:s3] =	stream.indirect.scatter.add.f32 [tilespmem:s9], [sflag:$0x1], $0x80, s24, s14, $0xb8;
	[tilespmem:$0x18800] =	vst v63  }
0xd2: {  	_ =	swait.ge [sflag:s10], $0x4000  }
0xd3: {  	[sflag:s10] =	ssyncset.done $0x0  }
0xd4: {  	[sflag:s10] =	ssyncadd.s32 $0xFFFFC000  }
0xd5: {  	[spmem:s3] =	stream.indirect.scatter.add.f32 [tilespmem:s9], [sflag:$0x1], $0x80, s25, s14, $0xb8;
	[tilespmem:$0x18800] =	vst v63  }
0xd6: {  	_ =	swait.ge [sflag:s10], $0x4000  }
0xd7: {  	[sflag:s10] =	ssyncset.done $0x0  }
0xd8: {  	[sflag:s10] =	ssyncadd.s32 $0xFFFFC000  }
0xd9: {  	[spmem:s3] =	stream.indirect.scatter.add.f32 [tilespmem:s9], [sflag:$0x1], $0x80, s26, s14, $0xb8;
	[tilespmem:$0x18800] =	vst v63  }
0xda: {  	_ =	swait.ge [sflag:s10], $0x4000  }
0xdb: {  	[sflag:s10] =	ssyncset.done $0x0  }
0xdc: {  	[sflag:s10] =	ssyncadd.s32 $0xFFFFC000  }
0xdd: {  	[spmem:s3] =	stream.indirect.scatter.add.f32 [tilespmem:s9], [sflag:$0x1], $0x80, s28, s14, $0xb8;
	[tilespmem:$0x18800] =	vst v63  }
0xde: {  	_ =	swait.ge [sflag:s10], $0x4000  }
0xdf: {  	[sflag:s10] =	ssyncset.done $0x0  }
0xe0: {  	[sflag:s10] =	ssyncadd.s32 $0xFFFFC000  }
0xe1: {  	[spmem:s3] =	stream.indirect.scatter.add.f32 [tilespmem:s9], [sflag:$0x1], $0x80, s29, s14, $0xb8;
	[tilespmem:$0x18800] =	vst v63  }
0xe2: {  	_ =	swait.ge [sflag:s10], $0x4000  }
0xe3: {  	[sflag:s10] =	ssyncset.done $0x0  }
0xe4: {  	[sflag:s10] =	ssyncadd.s32 $0xFFFFC000  }
0xe5: {  	[spmem:s3] =	stream.indirect.scatter.add.f32 [tilespmem:s9], [sflag:$0x1], $0x80, s30, s14, $0xb8;
	[tilespmem:$0x18800] =	vst v63  }
0xe6: {  	_ =	swait.ge [sflag:s10], $0x4000  }
0xe7: {  	s31 =	sadd.s32 $0x1, s31;
	[sflag:s10] =	ssyncset.done $0x0  }
0xe8: {  	p0 =	sne.s32 s31, s7;
	[sflag:s10] =	ssyncadd.s32 $0xFFFFC000  }
.Ltmp1:
0xe9: {  	[bflag:$0x0] =	sbarrier.arrive $0xFFFF;
	(pc) =	sbr.rel @p0 .LBB2_1-.Ltmp1, $4  }
0xea: {  	[hbm:s6], [sflag:s11] =	dma.local [spmem:s12], $0x2800  }
0xeb: {  	_ =	swait.ge [sflag:s10], $0x2800  }
0xec: {  	[sflag:s10] =	ssyncset.done $0x0  }
0xed: {  	[sflag:s10] =	ssyncadd.s32 $0xFFFFD800  }
0xee: {  	_ =	sfence.sel $0x180000  }
0xef: {  	[bflag:$0x0] =	sbarrier.arrive $0xFFFF  }
0xf0: {  	_ =	strace $0x90000047  }
0xf1: {  	s0 =	stileid.u32;
	[bflag:$0x2] =	sbarrier.arrive $0xFFFF  }
0xf2: {  	p0 =	sne.s32 s0, $0x0;
	s0 =	rddreg [dreg:$0x3]  }
0xf3: {  	s0 =	sadd.s32 @!p0 $0x100000, s0  }
0xf4: {  	[sflag:s0] =	ssyncadd.tile.s32 @!p0 $0x1;
	_ =	shalt  }
.Lfunc_end2:
_tile_overlayer_lowered:
.L_overlay_start_2:
0xf5: {  	(tag) =	ssettag $0x2  }
0xf6: {  	s0 =	rddreg [dreg:$0x0];
	s2 =	stileid.u32  }
0xf7: {  	s1 =	rddreg [dreg:$0x1];
	p0 =	sne.s32 s2, $0x0  }
0xf8: {  	s3 =	rddreg [dreg:$0x2];
	[bflag:$0x3] =	sbarrier.arrive $0xFFFF;
	s2 =	simm.s32 @!p0 $0x1C01  }
0xf9: {  	[timem:s3], [sflag:s2] =	dma.local @!p0 [hbm:s0], s1  }
0xfa: {  	s0 =	simm.s32 @!p0 $0x1  }
0xfb: {  	_ =	swait.ge @!p0 [sflag:s0], s1  }
0xfc: {  	s1 =	ssub.s32 @!p0 $0x0, s1;
	[sflag:s0] =	ssyncset.done @!p0 $0x0  }
0xfd: {  	[sflag:s0] =	ssyncadd.s32 @!p0 s1  }
0xfe: {  	[bflag:$0x3] =	sbarrier.arrive $0xFFFF  }
0xff: {  	_ =	shalt  }

</sc_bundles>
